<compile_context>
chip_gen: v7x
topology: tpu7x:2x2x1
jax: 0.10.2.dev20260603
libtpu: 0.0.44.dev20260713+nightly
codegen_flags: <defaults>
</compile_context>

<pallas_src>
import dataclasses
import functools
import math

import jax
import jax.numpy as jnp
from jax import lax
from jax.experimental import pallas as pl
from jax.experimental.pallas import tpu as pltpu
from jax.experimental.pallas import tpu_sc as plsc

N = 10000
E = 320000
C = 128
H = 64
R = 50
RP = 64
CUTOFF = 5.0

NC = 2
NS = 16
LANES = 16
NW = NC * NS

ROWS = 2560
EP = ROWS * 128
RPW = ROWS // NW
NP = 10112
NPS = NP // NS

BE = 1024
BN = 1000


def _sc_geom_body(px_hbm, py_hbm, pz_hbm, src_hbm, dst_hbm,
                  d2_hbm,
                  px, py, pz, srcv, dstv, d2v):
    c = lax.axis_index("c")
    s = lax.axis_index("s")
    wid = c * NS + s
    base = wid * RPW

    pltpu.sync_copy(px_hbm, px)
    pltpu.sync_copy(py_hbm, py)
    pltpu.sync_copy(pz_hbm, pz)
    pltpu.sync_copy(src_hbm.at[pl.ds(base, RPW)], srcv)
    pltpu.sync_copy(dst_hbm.at[pl.ds(base, RPW)], dstv)

    @pl.loop(0, RPW)
    def _row(r):
        @pl.loop(0, 128 // LANES)
        def _vec(j):
            si = srcv[r, pl.ds(j * LANES, LANES)]
            di = dstv[r, pl.ds(j * LANES, LANES)]
            dx = plsc.load_gather(px, [si]) - plsc.load_gather(px, [di])
            dy = plsc.load_gather(py, [si]) - plsc.load_gather(py, [di])
            dz = plsc.load_gather(pz, [si]) - plsc.load_gather(pz, [di])
            d2v[r, pl.ds(j * LANES, LANES)] = dx * dx + dy * dy + dz * dz

    pltpu.sync_copy(d2v, d2_hbm.at[pl.ds(base, RPW)])


def _mul_chunk(xbuf, wbuf):
    @pl.loop(0, 128)
    def _row(i):
        for j in range(0, 128, LANES):
            xbuf[i, pl.ds(j, LANES)] = (
                xbuf[i, pl.ds(j, LANES)] * wbuf[i, pl.ds(j, LANES)])


def _sc_scatter_body(rpw, we_hbm, sd_hbm, x_hbm, z_hbm,
                     agg_hbm,
                     ia, ib, wb, xb0, xb1, agg_sh,
                     sw, sx0, sx1, sia, sib):
    c = lax.axis_index("c")
    s = lax.axis_index("s")
    wid = c * NS + s
    base = wid * rpw

    pltpu.sync_copy(z_hbm, agg_sh.at[pl.ds(s * NPS, NPS)])
    plsc.subcore_barrier()

    def start_idx(r, ibuf, sem):
        pltpu.async_copy(sd_hbm.at[pl.ds(base + r, 1)], ibuf, sem)

    def wait_idx(r, ibuf, sem):
        pltpu.make_async_copy(sd_hbm.at[pl.ds(base + r, 1)], ibuf, sem).wait()

    def start_w(r):
        pltpu.async_copy(we_hbm.at[pl.ds((base + r) * 128, 128)], wb, sw)

    def wait_w(r):
        pltpu.make_async_copy(
            we_hbm.at[pl.ds((base + r) * 128, 128)], wb, sw).wait()

    def start_x(r, ibuf, xb, sx):
        pltpu.async_copy(x_hbm.at[ibuf.at[0, 0, pl.ds(0, 64)]],
                         xb.at[pl.ds(0, 64)], sx)
        pltpu.async_copy(x_hbm.at[ibuf.at[0, 0, pl.ds(64, 64)]],
                         xb.at[pl.ds(64, 64)], sx)

    def wait_x(r, ibuf, xb, sx):
        pltpu.make_async_copy(x_hbm.at[ibuf.at[0, 0, pl.ds(0, 64)]],
                              xb.at[pl.ds(0, 64)], sx).wait()
        pltpu.make_async_copy(x_hbm.at[ibuf.at[0, 0, pl.ds(64, 64)]],
                              xb.at[pl.ds(64, 64)], sx).wait()

    start_idx(0, ia, sia)
    wait_idx(0, ia, sia)
    start_idx(1, ib, sib)
    start_x(0, ia, xb0, sx0)
    start_w(0)

    @pl.loop(0, rpw, step=2)
    def _pair(r):
        wait_idx(r + 1, ib, sib)
        start_x(r + 1, ib, xb1, sx1)
        wait_w(r)
        wait_x(r, ia, xb0, sx0)
        _mul_chunk(xb0, wb)
        start_w(r + 1)
        pltpu.sync_copy(xb0, agg_sh.at[ia.at[0, 1]], add=True)

        @pl.when(r + 2 < rpw)
        def _():
            start_idx(r + 2, ia, sia)

        wait_w(r + 1)
        wait_x(r + 1, ib, xb1, sx1)
        _mul_chunk(xb1, wb)
        pltpu.sync_copy(xb1, agg_sh.at[ib.at[0, 1]], add=True)

        @pl.when(r + 2 < rpw)
        def _():
            wait_idx(r + 2, ia, sia)
            start_x(r + 2, ia, xb0, sx0)
            start_w(r + 2)
            start_idx(r + 3, ib, sib)

    plsc.subcore_barrier()
    pltpu.sync_copy(agg_sh.at[pl.ds(s * NPS, NPS)],
                    agg_hbm.at[pl.ds(c * NP + s * NPS, NPS)])


LOG2E = 1.4426950408889634

_EXP2_C = (0.009618129107628477, 0.05550410866482158,
           0.2402265069591007, 0.6931471805599453, 1.0)
_RND = 12582912.0
_RND_BITS = 1262485504


def _fast_exp2(x):
    x = jnp.maximum(x, -126.0)
    t = x + _RND
    n_f = t - _RND
    f = x - n_f
    p = _EXP2_C[0]
    for c in _EXP2_C[1:]:
        p = p * f + c
    bits = jax.lax.bitcast_convert_type(t, jnp.int32)
    scale = jax.lax.bitcast_convert_type(
        jnp.left_shift(bits - (_RND_BITS - 127), 23), jnp.float32)
    return p * scale


HB = BE // 2


def _edge_mlp_body(d2_ref, means2_ref, betas2_ref,
                   W1p_ref, b1p_ref, W2p_ref, b2p_ref, we_ref):
    d2 = d2_ref[...]
    dist = jnp.sqrt(d2 + 1e-12)
    exp_dist = _fast_exp2(-LOG2E * dist)
    t = jnp.minimum(dist, CUTOFF) * (math.pi / CUTOFF) - (math.pi / 2)
    q = t * t
    sin_t = t * ((((q * 2.7557319223985893e-06 - 1.984126984126984e-04)
                   * q + 8.333333333333333e-03)
                  * q - 1.6666666666666666e-01) * q + 1.0)
    cut = 0.5 - 0.5 * sin_t
    cut = jnp.where(dist < CUTOFF, cut, 0.0)
    lane = lax.broadcasted_iota(jnp.int32, (1, 2 * RP), 1)
    lo = (lane < RP).astype(jnp.float32)
    hi = 1.0 - lo
    ed2 = (jnp.dot(exp_dist[:HB], lo, preferred_element_type=jnp.float32)
           + jnp.dot(exp_dist[HB:], hi, preferred_element_type=jnp.float32))
    cut2 = (jnp.dot(cut[:HB], lo, preferred_element_type=jnp.float32)
            + jnp.dot(cut[HB:], hi, preferred_element_type=jnp.float32))
    diff = ed2 - means2_ref[...]
    rbf = _fast_exp2(-betas2_ref[...] * diff * diff) * cut2
    h = jnp.dot(rbf, W1p_ref[...],
                preferred_element_type=jnp.float32) + b1p_ref[...]
    h = 0.5 * h * (jnp.tanh(0.5 * h) + 1.0)
    w = jnp.dot(h, W2p_ref[...],
                preferred_element_type=jnp.float32) + b2p_ref[...]
    we_ref[:HB, :] = w[:, :C]
    we_ref[HB:, :] = w[:, C:]


def _node_update_body(x_ref, a0_ref, a1_ref, Ws_ref, Wu_ref, bu_ref, out_ref):
    x = x_ref[...]
    agg = a0_ref[...] + a1_ref[...]
    t = jnp.dot(agg, Wu_ref[...],
                preferred_element_type=jnp.float32) + bu_ref[...]
    t = 0.5 * t * (jnp.tanh(0.5 * t) + 1.0)
    out_ref[...] = x + jnp.dot(x, Ws_ref[...],
                               preferred_element_type=jnp.float32) + t


def kernel(x, pos, edge_index, means, betas, W1, b1, W2, b2,
           W_self, W_upd, b_upd):
    src = edge_index[0]
    dst = edge_index[1]
    pad = EP - E
    src_p = jnp.concatenate(
        [src, jnp.zeros((pad,), jnp.int32)]).reshape(ROWS, 128)
    dst_p = jnp.concatenate(
        [dst, jnp.zeros((pad,), jnp.int32)]).reshape(ROWS, 128)
    posT = pos.T.reshape(3, N)
    px_a, py_a, pz_a = posT[0], posT[1], posT[2]

    mesh = plsc.VectorSubcoreMesh(
        core_axis_name="c", subcore_axis_name="s",
        num_cores=NC, num_subcores=NS)
    sc_params = pltpu.CompilerParams()
    if "needs_layout_passes" in pltpu.CompilerParams.__dataclass_fields__:
        sc_params = dataclasses.replace(sc_params, needs_layout_passes=False)

    sc_geom = pl.kernel(
        _sc_geom_body,
        out_type=jax.ShapeDtypeStruct((ROWS, 128), jnp.float32),
        mesh=mesh,
        scratch_types=[
            pltpu.VMEM((N,), jnp.float32),
            pltpu.VMEM((N,), jnp.float32),
            pltpu.VMEM((N,), jnp.float32),
            pltpu.VMEM((RPW, 128), jnp.int32),
            pltpu.VMEM((RPW, 128), jnp.int32),
            pltpu.VMEM((RPW, 128), jnp.float32),
        ],
        compiler_params=sc_params,
    )
    d2_2d = sc_geom(px_a, py_a, pz_a, src_p, dst_p)

    d2_col = d2_2d.reshape(EP, 1)
    means_p = jnp.zeros((1, RP), jnp.float32).at[0, :R].set(means)
    betas_p = jnp.zeros((1, RP), jnp.float32).at[0, :R].set(betas * LOG2E)
    W1_p = jnp.zeros((RP, H), jnp.float32).at[:R].set(W1)
    means2 = jnp.concatenate([means_p, means_p], axis=1)
    betas2 = jnp.concatenate([betas_p, betas_p], axis=1)
    W1_pair = jnp.zeros((2 * RP, 2 * H), jnp.float32)
    W1_pair = W1_pair.at[:RP, :H].set(W1_p).at[RP:, H:].set(W1_p)
    b1_pair = jnp.concatenate([b1, b1]).reshape(1, 2 * H)
    W2_pair = jnp.zeros((2 * H, 2 * C), jnp.float32)
    W2_pair = W2_pair.at[:H, :C].set(W2).at[H:, C:].set(W2)
    b2_pair = jnp.concatenate([b2, b2]).reshape(1, 2 * C)
    def edge_mlp(d2_half, n_edges):
        return pl.pallas_call(
            _edge_mlp_body,
            grid=(n_edges // BE,),
            in_specs=[
                pl.BlockSpec((BE, 1), lambda i: (i, 0)),
                pl.BlockSpec((1, 2 * RP), lambda i: (0, 0)),
                pl.BlockSpec((1, 2 * RP), lambda i: (0, 0)),
                pl.BlockSpec((2 * RP, 2 * H), lambda i: (0, 0)),
                pl.BlockSpec((1, 2 * H), lambda i: (0, 0)),
                pl.BlockSpec((2 * H, 2 * C), lambda i: (0, 0)),
                pl.BlockSpec((1, 2 * C), lambda i: (0, 0)),
            ],
            out_specs=pl.BlockSpec((BE, C), lambda i: (i, 0)),
            out_shape=jax.ShapeDtypeStruct((n_edges, C), jnp.float32),
        )(d2_half, means2, betas2, W1_pair, b1_pair, W2_pair, b2_pair)

    RW1 = ROWS // 2
    EP1 = RW1 * 128
    sd = jnp.stack([src_p, dst_p], axis=1)

    def make_scatter(rpw):
        return pl.kernel(
            functools.partial(_sc_scatter_body, rpw),
            out_type=jax.ShapeDtypeStruct((NC * NP, C), jnp.float32),
            mesh=mesh,
            scratch_types=[
                pltpu.VMEM((1, 2, 128), jnp.int32),
                pltpu.VMEM((1, 2, 128), jnp.int32),
                pltpu.VMEM((128, C), jnp.float32),
                pltpu.VMEM((128, C), jnp.float32),
                pltpu.VMEM((128, C), jnp.float32),
                pltpu.VMEM_SHARED((NP, C), jnp.float32),
                pltpu.SemaphoreType.DMA,
                pltpu.SemaphoreType.DMA,
                pltpu.SemaphoreType.DMA,
                pltpu.SemaphoreType.DMA,
                pltpu.SemaphoreType.DMA,
            ],
            compiler_params=sc_params,
        )
    zeros_tile = jnp.zeros((NPS, C), jnp.float32)
    we1 = edge_mlp(d2_col[:EP1], EP1)
    we2 = edge_mlp(d2_col[EP1:], EP - EP1)
    we2 = we2.at[E - EP1:].set(0.0)
    agg2a = make_scatter(RW1 // NW)(we1, sd[:RW1], x, zeros_tile)
    agg2b = make_scatter((ROWS - RW1) // NW)(we2, sd[RW1:], x, zeros_tile)
    agg2 = agg2a + agg2b

    out = pl.pallas_call(
        _node_update_body,
        grid=(N // BN,),
        in_specs=[
            pl.BlockSpec((BN, C), lambda i: (i, 0)),
            pl.BlockSpec((BN, C), lambda i: (i, 0)),
            pl.BlockSpec((BN, C), lambda i: (i, 0)),
            pl.BlockSpec((C, C), lambda i: (0, 0)),
            pl.BlockSpec((C, C), lambda i: (0, 0)),
            pl.BlockSpec((1, C), lambda i: (0, 0)),
        ],
        out_specs=pl.BlockSpec((BN, C), lambda i: (i, 0)),
        out_shape=jax.ShapeDtypeStruct((N, C), jnp.float32),
    )(x, agg2[:N], agg2[NP:NP + N], W_self, W_upd, b_upd.reshape(1, C))
    return out

# --- scband reference (transcript-rebuilt; emitter-appended) ---
"""Pipeline reference for scband-egnn-spherical-67577015435590 (READ-ONLY COPY).

The authoritative reference and input builder live on the scoring server;
editing this copy changes nothing except your own understanding.
"""

import jax, jax.numpy as jnp
import numpy as np
import math

N = 10000
E = 320000
C = 128
H = 64
R = 50
CUTOFF = 5.0


def setup_inputs(seed: int = 0) -> dict:
    key = jax.random.key(seed)
    ks = jax.random.split(key, 12)
    x = jax.random.normal(ks[0], (N, C), dtype=jnp.float32)
    pos = jax.random.normal(ks[1], (N, 3), dtype=jnp.float32) * 3.0
    edge_index = jax.random.randint(ks[2], (2, E), 0, N, dtype=jnp.int32)
    # ExpNormalSmearing trainable params
    start_value = float(np.exp(-CUTOFF))
    means = jnp.linspace(start_value, 1.0, R, dtype=jnp.float32)
    betas = jnp.full((R,), (2.0 / R * (1.0 - start_value)) ** (-2), dtype=jnp.float32)
    # edge MLP: num_rbf -> hidden -> in_channels (dynamic per-edge gating weights)
    W1 = jax.random.normal(ks[3], (R, H), dtype=jnp.float32) * (1.0 / math.sqrt(R))
    b1 = jnp.zeros((H,), dtype=jnp.float32)
    W2 = jax.random.normal(ks[4], (H, C), dtype=jnp.float32) * (1.0 / math.sqrt(H))
    b2 = jnp.zeros((C,), dtype=jnp.float32)
    # self interaction + node update
    W_self = jax.random.normal(ks[5], (C, C), dtype=jnp.float32) * (1.0 / math.sqrt(C))
    W_upd = jax.random.normal(ks[6], (C, C), dtype=jnp.float32) * (1.0 / math.sqrt(C))
    b_upd = jnp.zeros((C,), dtype=jnp.float32)
    return {"x": x, "pos": pos, "edge_index": edge_index,
            "means": means, "betas": betas,
            "W1": W1, "b1": b1, "W2": W2, "b2": b2,
            "W_self": W_self, "W_upd": W_upd, "b_upd": b_upd}


def reference(x, pos, edge_index, means, betas, W1, b1, W2, b2, W_self, W_upd, b_upd):
    src = edge_index[0]
    dst = edge_index[1]
    # geometric edge attributes (gather on pos)
    rel = jnp.take(pos, src, axis=0) - jnp.take(pos, dst, axis=0)
    dist = jnp.sqrt(jnp.sum(rel * rel, axis=-1) + 1e-12)  # [E]
    # ExpNormalSmearing with CosineCutoff
    alpha = 5.0 / CUTOFF
    exp_dist = jnp.exp(-alpha * dist)[:, None]
    rbf = jnp.exp(-betas * (exp_dist - means) ** 2)  # [E, R]
    cut = 0.5 * (jnp.cos(dist * math.pi / CUTOFF) + 1.0)
    cut = cut * (dist < CUTOFF).astype(jnp.float32)
    rbf = rbf * cut[:, None]
    # dynamic edge-conditioned weights (edge MLP)
    h_e = jax.nn.silu(rbf @ W1 + b1)
    w_e = h_e @ W2 + b2  # [E, C]
    # message = gathered source features gated by edge weights
    msg = jnp.take(x, src, axis=0) * w_e  # [E, C]
    # scatter-add aggregation to destination nodes
    agg = jax.ops.segment_sum(msg, dst, num_segments=N)  # [N, C]
    # self interaction + update, residual connection
    out = x @ W_self + jax.nn.silu(agg @ W_upd + b_upd)
    return x + out

if __name__ == "__main__":
    import jax
    _d = setup_inputs()
    print(jax.jit(kernel)(*tuple(_d.values())))

</pallas_src>

<mosaic_0001>
#map = affine_map<(d0, d1) -> (0, 0)>
#map1 = affine_map<(d0, d1) -> (0, 0, 0)>
module attributes {stable_mosaic.version = 14 : i64} {
  func.func @_sc_scatter_body(%arg0: i32, %arg1: i32, %arg2: memref<163840x128xf32, #tpu.memory_space<hbm>>, %arg3: memref<1280x2x128xi32, #tpu.memory_space<hbm>>, %arg4: memref<10000x128xf32, #tpu.memory_space<hbm>>, %arg5: memref<632x128xf32, #tpu.memory_space<hbm>>, %arg6: memref<20224x128xf32, #tpu.memory_space<hbm>>, %arg7: memref<1x2x128xi32, #tpu.memory_space<vmem>>, %arg8: memref<1x2x128xi32, #tpu.memory_space<vmem>>, %arg9: memref<128x128xf32, #tpu.memory_space<vmem>>, %arg10: memref<128x128xf32, #tpu.memory_space<vmem>>, %arg11: memref<128x128xf32, #tpu.memory_space<vmem>>, %arg12: memref<10112x128xf32, #tpu.memory_space<vmem_shared>>, %arg13: memref<!tpu.dma_semaphore, #tpu.memory_space<semaphore_mem>>, %arg14: memref<!tpu.dma_semaphore, #tpu.memory_space<semaphore_mem>>, %arg15: memref<!tpu.dma_semaphore, #tpu.memory_space<semaphore_mem>>, %arg16: memref<!tpu.dma_semaphore, #tpu.memory_space<semaphore_mem>>, %arg17: memref<!tpu.dma_semaphore, #tpu.memory_space<semaphore_mem>>) attributes {dimension_semantics = [#tpu.dimension_semantics<core_parallel>, #tpu.dimension_semantics<subcore_parallel>], iteration_bounds = array<i64: 2, 16>, scalar_prefetch = 0 : i64, scratch_operands = 11 : i64, tpu.core_type = #tpu.core_type<sc_vector_subcore>, window_params = [{transform_indices = #map}, {transform_indices = #map1}, {transform_indices = #map}, {transform_indices = #map}, {transform_indices = #map}]} {
    %mul3A = arith.constant 16 : i32
    %mul3A_0 = arith.muli %arg0, %mul3A : i32
    %add3A = arith.addi %mul3A_0, %arg1 : i32
    %mul3A_1 = arith.constant 40 : i32
    %mul3A_2 = arith.muli %add3A, %mul3A_1 : i32
    %mul3A_3 = arith.constant 632 : i32
    %mul3A_4 = arith.muli %arg1, %mul3A_3 : i32
    "tpu.region"() ({
      %run_scoped3A = tpu.sem_alloc : memref<!tpu.dma_semaphore, #tpu.memory_space<semaphore_mem>>
      %dma_start3A_69 = arith.constant 0 : i32
      %dma_start3A_70 = tpu.memref_slice %arg12[%mul3A_4, %dma_start3A_69] : memref<10112x128xf32, #tpu.memory_space<vmem_shared>> -> memref<632x128xf32, #tpu.memory_space<vmem_shared>>
      tpu.enqueue_dma source(%arg5 : memref<632x128xf32, #tpu.memory_space<hbm>>) target(%dma_start3A_70 : memref<632x128xf32, #tpu.memory_space<vmem_shared>>) target_semaphore(%run_scoped3A : memref<!tpu.dma_semaphore, #tpu.memory_space<semaphore_mem>>)
      %dma_wait3A_71 = arith.constant 0 : i32
      %dma_wait3A_72 = tpu.memref_slice %arg12[%mul3A_4, %dma_wait3A_71] : memref<10112x128xf32, #tpu.memory_space<vmem_shared>> -> memref<632x128xf32, #tpu.memory_space<vmem_shared>>
      tpu.wait_dma2 semaphore(%run_scoped3A : memref<!tpu.dma_semaphore, #tpu.memory_space<semaphore_mem>>) src(%arg5 : memref<632x128xf32, #tpu.memory_space<hbm>>) dst(%dma_wait3A_72 : memref<632x128xf32, #tpu.memory_space<vmem_shared>>)
      tpu.yield
    }) : () -> ()
    %barrier3A = arith.constant 0 : index
    tpu.barrier barrier_id(%barrier3A)
    %add3A_5 = arith.constant 0 : i32
    %add3A_6 = arith.addi %mul3A_2, %add3A_5 : i32
    %dma_start3A = arith.constant 0 : i32
    %dma_start3A_7 = arith.constant 0 : i32
    %dma_start3A_8 = tpu.memref_slice %arg3[%add3A_6, %dma_start3A, %dma_start3A_7] : memref<1280x2x128xi32, #tpu.memory_space<hbm>> -> memref<1x2x128xi32, #tpu.memory_space<hbm>>
    %dma_start3A_9 = arith.constant 0 : i32
    %dma_start3A_10 = arith.constant 0 : i32
    %dma_start3A_11 = tpu.memref_slice %arg3[%add3A_6, %dma_start3A_9, %dma_start3A_10] : memref<1280x2x128xi32, #tpu.memory_space<hbm>> -> memref<1x2x128xi32, #tpu.memory_space<hbm>>
    tpu.enqueue_dma source(%dma_start3A_11 : memref<1x2x128xi32, #tpu.memory_space<hbm>>) target(%arg7 : memref<1x2x128xi32, #tpu.memory_space<vmem>>) target_semaphore(%arg16 : memref<!tpu.dma_semaphore, #tpu.memory_space<semaphore_mem>>)
    %add3A_12 = arith.constant 0 : i32
    %add3A_13 = arith.addi %mul3A_2, %add3A_12 : i32
    %dma_wait3A = arith.constant 0 : i32
    %dma_wait3A_14 = arith.constant 0 : i32
    %dma_wait3A_15 = tpu.memref_slice %arg3[%add3A_13, %dma_wait3A, %dma_wait3A_14] : memref<1280x2x128xi32, #tpu.memory_space<hbm>> -> memref<1x2x128xi32, #tpu.memory_space<hbm>>
    %dma_wait3A_16 = arith.constant 0 : i32
    %dma_wait3A_17 = arith.constant 0 : i32
    %dma_wait3A_18 = tpu.memref_slice %arg3[%add3A_13, %dma_wait3A_16, %dma_wait3A_17] : memref<1280x2x128xi32, #tpu.memory_space<hbm>> -> memref<1x2x128xi32, #tpu.memory_space<hbm>>
    tpu.wait_dma2 semaphore(%arg16 : memref<!tpu.dma_semaphore, #tpu.memory_space<semaphore_mem>>) src(%dma_wait3A_18 : memref<1x2x128xi32, #tpu.memory_space<hbm>>) dst(%arg7 : memref<1x2x128xi32, #tpu.memory_space<vmem>>)
    %add3A_19 = arith.constant 1 : i32
    %add3A_20 = arith.addi %mul3A_2, %add3A_19 : i32
    %dma_start3A_21 = arith.constant 0 : i32
    %dma_start3A_22 = arith.constant 0 : i32
    %dma_start3A_23 = tpu.memref_slice %arg3[%add3A_20, %dma_start3A_21, %dma_start3A_22] : memref<1280x2x128xi32, #tpu.memory_space<hbm>> -> memref<1x2x128xi32, #tpu.memory_space<hbm>>
    %dma_start3A_24 = arith.constant 0 : i32
    %dma_start3A_25 = arith.constant 0 : i32
    %dma_start3A_26 = tpu.memref_slice %arg3[%add3A_20, %dma_start3A_24, %dma_start3A_25] : memref<1280x2x128xi32, #tpu.memory_space<hbm>> -> memref<1x2x128xi32, #tpu.memory_space<hbm>>
    tpu.enqueue_dma source(%dma_start3A_26 : memref<1x2x128xi32, #tpu.memory_space<hbm>>) target(%arg8 : memref<1x2x128xi32, #tpu.memory_space<vmem>>) target_semaphore(%arg17 : memref<!tpu.dma_semaphore, #tpu.memory_space<semaphore_mem>>)
    %dma_start3A_27 = arith.constant 0 : i32
    %dma_start3A_28 = arith.constant 0 : i32
    %dma_start3A_29 = arith.constant 0 : i32
    %dma_start3A_30 = arith.constant 0 : i32
    %dma_start3A_31 = tpu.memref_slice %arg10[%dma_start3A_29, %dma_start3A_30] : memref<128x128xf32, #tpu.memory_space<vmem>> -> memref<64x128xf32, #tpu.memory_space<vmem>>
    %dma_start3A_32 = arith.constant 0 : i32
    %dma_start3A_33 = tpu.memref_slice %arg7[%dma_start3A_27, %dma_start3A_28, %dma_start3A_32] : memref<1x2x128xi32, #tpu.memory_space<vmem>> -> memref<1x1x64xi32, #tpu.memory_space<vmem>>
    %dma_start3A_34 = tpu.memref_squeeze %dma_start3A_33 : memref<1x1x64xi32, #tpu.memory_space<vmem>> -> memref<64xi32, #tpu.memory_space<vmem>>
    %dma_start3A_35 = arith.constant 0 : i32
    %dma_start3A_36 = arith.constant 0 : i32
    %dma_start3A_37 = tpu.memref_slice %arg4[%dma_start3A_35, %dma_start3A_36] : memref<10000x128xf32, #tpu.memory_space<hbm>> -> memref<10000x128xf32, #tpu.memory_space<hbm>>
    tpu.enqueue_indirect_dma source(%dma_start3A_37 : memref<10000x128xf32, #tpu.memory_space<hbm>>) target(%dma_start3A_31 : memref<64x128xf32, #tpu.memory_space<vmem>>) offsets(%dma_start3A_34 : memref<64xi32, #tpu.memory_space<vmem>>) semaphore(%arg14 : memref<!tpu.dma_semaphore, #tpu.memory_space<semaphore_mem>>)
    %dma_start3A_38 = arith.constant 0 : i32
    %dma_start3A_39 = arith.constant 0 : i32
    %dma_start3A_40 = arith.constant 64 : i32
    %dma_start3A_41 = arith.constant 0 : i32
    %dma_start3A_42 = tpu.memref_slice %arg10[%dma_start3A_40, %dma_start3A_41] : memref<128x128xf32, #tpu.memory_space<vmem>> -> memref<64x128xf32, #tpu.memory_space<vmem>>
    %dma_start3A_43 = arith.constant 64 : i32
    %dma_start3A_44 = tpu.memref_slice %arg7[%dma_start3A_38, %dma_start3A_39, %dma_start3A_43] : memref<1x2x128xi32, #tpu.memory_space<vmem>> -> memref<1x1x64xi32, #tpu.memory_space<vmem>>
    %dma_start3A_45 = tpu.memref_squeeze %dma_start3A_44 : memref<1x1x64xi32, #tpu.memory_space<vmem>> -> memref<64xi32, #tpu.memory_space<vmem>>
    %dma_start3A_46 = arith.constant 0 : i32
    %dma_start3A_47 = arith.constant 0 : i32
    %dma_start3A_48 = tpu.memref_slice %arg4[%dma_start3A_46, %dma_start3A_47] : memref<10000x128xf32, #tpu.memory_space<hbm>> -> memref<10000x128xf32, #tpu.memory_space<hbm>>
    tpu.enqueue_indirect_dma source(%dma_start3A_48 : memref<10000x128xf32, #tpu.memory_space<hbm>>) target(%dma_start3A_42 : memref<64x128xf32, #tpu.memory_space<vmem>>) offsets(%dma_start3A_45 : memref<64xi32, #tpu.memory_space<vmem>>) semaphore(%arg14 : memref<!tpu.dma_semaphore, #tpu.memory_space<semaphore_mem>>)
    %add3A_49 = arith.constant 0 : i32
    %add3A_50 = arith.addi %mul3A_2, %add3A_49 : i32
    %mul3A_51 = arith.constant 128 : i32
    %mul3A_52 = arith.muli %add3A_50, %mul3A_51 : i32
    %dma_start3A_53 = arith.constant 0 : i32
    %dma_start3A_54 = tpu.memref_slice %arg2[%mul3A_52, %dma_start3A_53] : memref<163840x128xf32, #tpu.memory_space<hbm>> -> memref<128x128xf32, #tpu.memory_space<hbm>>
    %dma_start3A_55 = arith.constant 0 : i32
    %dma_start3A_56 = tpu.memref_slice %arg2[%mul3A_52, %dma_start3A_55] : memref<163840x128xf32, #tpu.memory_space<hbm>> -> memref<128x128xf32, #tpu.memory_space<hbm>>
    tpu.enqueue_dma source(%dma_start3A_56 : memref<128x128xf32, #tpu.memory_space<hbm>>) target(%arg9 : memref<128x128xf32, #tpu.memory_space<vmem>>) target_semaphore(%arg13 : memref<!tpu.dma_semaphore, #tpu.memory_space<semaphore_mem>>)
    %scan3A = arith.constant 0 : i32
    %scan3A_57 = arith.constant 20 : i32
    %scan3A_58 = arith.addi %scan3A, %scan3A_57 : i32
    %scan3A_59 = arith.constant 1 : i32
    scf.for %scan3A_69 = %scan3A to %scan3A_58 step %scan3A_59  : i32 {
      %mul3A_70 = arith.constant 2 : i32
      %mul3A_71 = arith.muli %scan3A_69, %mul3A_70 : i32
      %add3A_72 = arith.constant 0 : i32
      %add3A_73 = arith.addi %add3A_72, %mul3A_71 : i32
      %add3A_74 = arith.constant 1 : i32
      %add3A_75 = arith.addi %add3A_73, %add3A_74 : i32
      %add3A_76 = arith.addi %mul3A_2, %add3A_75 : i32
      %dma_wait3A_77 = arith.constant 0 : i32
      %dma_wait3A_78 = arith.constant 0 : i32
      %dma_wait3A_79 = tpu.memref_slice %arg3[%add3A_76, %dma_wait3A_77, %dma_wait3A_78] : memref<1280x2x128xi32, #tpu.memory_space<hbm>> -> memref<1x2x128xi32, #tpu.memory_space<hbm>>
      %dma_wait3A_80 = arith.constant 0 : i32
      %dma_wait3A_81 = arith.constant 0 : i32
      %dma_wait3A_82 = tpu.memref_slice %arg3[%add3A_76, %dma_wait3A_80, %dma_wait3A_81] : memref<1280x2x128xi32, #tpu.memory_space<hbm>> -> memref<1x2x128xi32, #tpu.memory_space<hbm>>
      tpu.wait_dma2 semaphore(%arg17 : memref<!tpu.dma_semaphore, #tpu.memory_space<semaphore_mem>>) src(%dma_wait3A_82 : memref<1x2x128xi32, #tpu.memory_space<hbm>>) dst(%arg8 : memref<1x2x128xi32, #tpu.memory_space<vmem>>)
      %add3A_83 = arith.constant 1 : i32
      %add3A_84 = arith.addi %add3A_73, %add3A_83 : i32
      %dma_start3A_85 = arith.constant 0 : i32
      %dma_start3A_86 = arith.constant 0 : i32
      %dma_start3A_87 = arith.constant 0 : i32
      %dma_start3A_88 = arith.constant 0 : i32
      %dma_start3A_89 = tpu.memref_slice %arg11[%dma_start3A_87, %dma_start3A_88] : memref<128x128xf32, #tpu.memory_space<vmem>> -> memref<64x128xf32, #tpu.memory_space<vmem>>
      %dma_start3A_90 = arith.constant 0 : i32
      %dma_start3A_91 = tpu.memref_slice %arg8[%dma_start3A_85, %dma_start3A_86, %dma_start3A_90] : memref<1x2x128xi32, #tpu.memory_space<vmem>> -> memref<1x1x64xi32, #tpu.memory_space<vmem>>
      %dma_start3A_92 = tpu.memref_squeeze %dma_start3A_91 : memref<1x1x64xi32, #tpu.memory_space<vmem>> -> memref<64xi32, #tpu.memory_space<vmem>>
      %dma_start3A_93 = arith.constant 0 : i32
      %dma_start3A_94 = arith.constant 0 : i32
      %dma_start3A_95 = tpu.memref_slice %arg4[%dma_start3A_93, %dma_start3A_94] : memref<10000x128xf32, #tpu.memory_space<hbm>> -> memref<10000x128xf32, #tpu.memory_space<hbm>>
      tpu.enqueue_indirect_dma source(%dma_start3A_95 : memref<10000x128xf32, #tpu.memory_space<hbm>>) target(%dma_start3A_89 : memref<64x128xf32, #tpu.memory_space<vmem>>) offsets(%dma_start3A_92 : memref<64xi32, #tpu.memory_space<vmem>>) semaphore(%arg15 : memref<!tpu.dma_semaphore, #tpu.memory_space<semaphore_mem>>)
      %dma_start3A_96 = arith.constant 0 : i32
      %dma_start3A_97 = arith.constant 0 : i32
      %dma_start3A_98 = arith.constant 64 : i32
      %dma_start3A_99 = arith.constant 0 : i32
      %dma_start3A_100 = tpu.memref_slice %arg11[%dma_start3A_98, %dma_start3A_99] : memref<128x128xf32, #tpu.memory_space<vmem>> -> memref<64x128xf32, #tpu.memory_space<vmem>>
      %dma_start3A_101 = arith.constant 64 : i32
      %dma_start3A_102 = tpu.memref_slice %arg8[%dma_start3A_96, %dma_start3A_97, %dma_start3A_101] : memref<1x2x128xi32, #tpu.memory_space<vmem>> -> memref<1x1x64xi32, #tpu.memory_space<vmem>>
      %dma_start3A_103 = tpu.memref_squeeze %dma_start3A_102 : memref<1x1x64xi32, #tpu.memory_space<vmem>> -> memref<64xi32, #tpu.memory_space<vmem>>
      %dma_start3A_104 = arith.constant 0 : i32
      %dma_start3A_105 = arith.constant 0 : i32
      %dma_start3A_106 = tpu.memref_slice %arg4[%dma_start3A_104, %dma_start3A_105] : memref<10000x128xf32, #tpu.memory_space<hbm>> -> memref<10000x128xf32, #tpu.memory_space<hbm>>
      tpu.enqueue_indirect_dma source(%dma_start3A_106 : memref<10000x128xf32, #tpu.memory_space<hbm>>) target(%dma_start3A_100 : memref<64x128xf32, #tpu.memory_space<vmem>>) offsets(%dma_start3A_103 : memref<64xi32, #tpu.memory_space<vmem>>) semaphore(%arg15 : memref<!tpu.dma_semaphore, #tpu.memory_space<semaphore_mem>>)
      %add3A_107 = arith.addi %mul3A_2, %add3A_73 : i32
      %mul3A_108 = arith.constant 128 : i32
      %mul3A_109 = arith.muli %add3A_107, %mul3A_108 : i32
      %dma_wait3A_110 = arith.constant 0 : i32
      %dma_wait3A_111 = tpu.memref_slice %arg2[%mul3A_109, %dma_wait3A_110] : memref<163840x128xf32, #tpu.memory_space<hbm>> -> memref<128x128xf32, #tpu.memory_space<hbm>>
      %dma_wait3A_112 = arith.constant 0 : i32
      %dma_wait3A_113 = tpu.memref_slice %arg2[%mul3A_109, %dma_wait3A_112] : memref<163840x128xf32, #tpu.memory_space<hbm>> -> memref<128x128xf32, #tpu.memory_space<hbm>>
      tpu.wait_dma2 semaphore(%arg13 : memref<!tpu.dma_semaphore, #tpu.memory_space<semaphore_mem>>) src(%dma_wait3A_113 : memref<128x128xf32, #tpu.memory_space<hbm>>) dst(%arg9 : memref<128x128xf32, #tpu.memory_space<vmem>>)
      %dma_wait3A_114 = arith.constant 0 : i32
      %dma_wait3A_115 = arith.constant 0 : i32
      %dma_wait3A_116 = arith.constant 0 : i32
      %dma_wait3A_117 = arith.constant 0 : i32
      %dma_wait3A_118 = tpu.memref_slice %arg10[%dma_wait3A_116, %dma_wait3A_117] : memref<128x128xf32, #tpu.memory_space<vmem>> -> memref<64x128xf32, #tpu.memory_space<vmem>>
      %dma_wait3A_119 = arith.constant 0 : i32
      %dma_wait3A_120 = tpu.memref_slice %arg7[%dma_wait3A_114, %dma_wait3A_115, %dma_wait3A_119] : memref<1x2x128xi32, #tpu.memory_space<vmem>> -> memref<1x1x64xi32, #tpu.memory_space<vmem>>
      %dma_wait3A_121 = tpu.memref_squeeze %dma_wait3A_120 : memref<1x1x64xi32, #tpu.memory_space<vmem>> -> memref<64xi32, #tpu.memory_space<vmem>>
      %dma_wait3A_122 = arith.constant 0 : i32
      %dma_wait3A_123 = arith.constant 0 : i32
      %dma_wait3A_124 = tpu.memref_slice %arg4[%dma_wait3A_122, %dma_wait3A_123] : memref<10000x128xf32, #tpu.memory_space<hbm>> -> memref<10000x128xf32, #tpu.memory_space<hbm>>
      tpu.wait_indirect_dma semaphore(%arg14 : memref<!tpu.dma_semaphore, #tpu.memory_space<semaphore_mem>>) src(%dma_wait3A_124 : memref<10000x128xf32, #tpu.memory_space<hbm>>) dst(%dma_wait3A_118 : memref<64x128xf32, #tpu.memory_space<vmem>>)
      %dma_wait3A_125 = arith.constant 0 : i32
      %dma_wait3A_126 = arith.constant 0 : i32
      %dma_wait3A_127 = arith.constant 64 : i32
      %dma_wait3A_128 = arith.constant 0 : i32
      %dma_wait3A_129 = tpu.memref_slice %arg10[%dma_wait3A_127, %dma_wait3A_128] : memref<128x128xf32, #tpu.memory_space<vmem>> -> memref<64x128xf32, #tpu.memory_space<vmem>>
      %dma_wait3A_130 = arith.constant 64 : i32
      %dma_wait3A_131 = tpu.memref_slice %arg7[%dma_wait3A_125, %dma_wait3A_126, %dma_wait3A_130] : memref<1x2x128xi32, #tpu.memory_space<vmem>> -> memref<1x1x64xi32, #tpu.memory_space<vmem>>
      %dma_wait3A_132 = tpu.memref_squeeze %dma_wait3A_131 : memref<1x1x64xi32, #tpu.memory_space<vmem>> -> memref<64xi32, #tpu.memory_space<vmem>>
      %dma_wait3A_133 = arith.constant 0 : i32
      %dma_wait3A_134 = arith.constant 0 : i32
      %dma_wait3A_135 = tpu.memref_slice %arg4[%dma_wait3A_133, %dma_wait3A_134] : memref<10000x128xf32, #tpu.memory_space<hbm>> -> memref<10000x128xf32, #tpu.memory_space<hbm>>
      tpu.wait_indirect_dma semaphore(%arg14 : memref<!tpu.dma_semaphore, #tpu.memory_space<semaphore_mem>>) src(%dma_wait3A_135 : memref<10000x128xf32, #tpu.memory_space<hbm>>) dst(%dma_wait3A_129 : memref<64x128xf32, #tpu.memory_space<vmem>>)
      %scan3A_136 = arith.constant 0 : i32
      %scan3A_137 = arith.constant 128 : i32
      %scan3A_138 = arith.addi %scan3A_136, %scan3A_137 : i32
      %scan3A_139 = arith.constant 1 : i32
      scf.for %scan3A_202 = %scan3A_136 to %scan3A_138 step %scan3A_139  : i32 {
        %mul3A_203 = arith.constant 1 : i32
        %mul3A_204 = arith.muli %scan3A_202, %mul3A_203 : i32
        %add3A_205 = arith.constant 0 : i32
        %add3A_206 = arith.addi %add3A_205, %mul3A_204 : i32
        %get3A = arith.index_cast %add3A_206 : i32 to index
        %get3A_207 = arith.constant 0 : index
        %get3A_208 = tpu.vector_load %arg10[%get3A, %get3A_207] {strides = array<i32>} : memref<128x128xf32, #tpu.memory_space<vmem>>, vector<16xf32>,
        %get3A_209 = arith.index_cast %add3A_206 : i32 to index
        %get3A_210 = arith.constant 0 : index
        %get3A_211 = tpu.vector_load %arg9[%get3A_209, %get3A_210] {strides = array<i32>} : memref<128x128xf32, #tpu.memory_space<vmem>>, vector<16xf32>,
        %mul3A_212 = arith.mulf %get3A_208, %get3A_211 : vector<16xf32>
        %swap3A = arith.index_cast %add3A_206 : i32 to index
        %swap3A_213 = arith.constant 0 : index
        %swap3A_214 = tpu.vector_load %arg10[%swap3A, %swap3A_213] {strides = array<i32>} : memref<128x128xf32, #tpu.memory_space<vmem>>, vector<16xf32>,
        tpu.vector_store %arg10[%swap3A, %swap3A_213], %mul3A_212 {strides = array<i32>} : memref<128x128xf32, #tpu.memory_space<vmem>>, vector<16xf32>,
        %get3A_215 = arith.index_cast %add3A_206 : i32 to index
        %get3A_216 = arith.constant 16 : index
        %get3A_217 = tpu.vector_load %arg10[%get3A_215, %get3A_216] {strides = array<i32>} : memref<128x128xf32, #tpu.memory_space<vmem>>, vector<16xf32>,
        %get3A_218 = arith.index_cast %add3A_206 : i32 to index
        %get3A_219 = arith.constant 16 : index
        %get3A_220 = tpu.vector_load %arg9[%get3A_218, %get3A_219] {strides = array<i32>} : memref<128x128xf32, #tpu.memory_space<vmem>>, vector<16xf32>,
        %mul3A_221 = arith.mulf %get3A_217, %get3A_220 : vector<16xf32>
        %swap3A_222 = arith.index_cast %add3A_206 : i32 to index
        %swap3A_223 = arith.constant 16 : index
        %swap3A_224 = tpu.vector_load %arg10[%swap3A_222, %swap3A_223] {strides = array<i32>} : memref<128x128xf32, #tpu.memory_space<vmem>>, vector<16xf32>,
        tpu.vector_store %arg10[%swap3A_222, %swap3A_223], %mul3A_221 {strides = array<i32>} : memref<128x128xf32, #tpu.memory_space<vmem>>, vector<16xf32>,
        %get3A_225 = arith.index_cast %add3A_206 : i32 to index
        %get3A_226 = arith.constant 32 : index
        %get3A_227 = tpu.vector_load %arg10[%get3A_225, %get3A_226] {strides = array<i32>} : memref<128x128xf32, #tpu.memory_space<vmem>>, vector<16xf32>,
        %get3A_228 = arith.index_cast %add3A_206 : i32 to index
        %get3A_229 = arith.constant 32 : index
        %get3A_230 = tpu.vector_load %arg9[%get3A_228, %get3A_229] {strides = array<i32>} : memref<128x128xf32, #tpu.memory_space<vmem>>, vector<16xf32>,
        %mul3A_231 = arith.mulf %get3A_227, %get3A_230 : vector<16xf32>
        %swap3A_232 = arith.index_cast %add3A_206 : i32 to index
        %swap3A_233 = arith.constant 32 : index
        %swap3A_234 = tpu.vector_load %arg10[%swap3A_232, %swap3A_233] {strides = array<i32>} : memref<128x128xf32, #tpu.memory_space<vmem>>, vector<16xf32>,
        tpu.vector_store %arg10[%swap3A_232, %swap3A_233], %mul3A_231 {strides = array<i32>} : memref<128x128xf32, #tpu.memory_space<vmem>>, vector<16xf32>,
        %get3A_235 = arith.index_cast %add3A_206 : i32 to index
        %get3A_236 = arith.constant 48 : index
        %get3A_237 = tpu.vector_load %arg10[%get3A_235, %get3A_236] {strides = array<i32>} : memref<128x128xf32, #tpu.memory_space<vmem>>, vector<16xf32>,
        %get3A_238 = arith.index_cast %add3A_206 : i32 to index
        %get3A_239 = arith.constant 48 : index
        %get3A_240 = tpu.vector_load %arg9[%get3A_238, %get3A_239] {strides = array<i32>} : memref<128x128xf32, #tpu.memory_space<vmem>>, vector<16xf32>,
        %mul3A_241 = arith.mulf %get3A_237, %get3A_240 : vector<16xf32>
        %swap3A_242 = arith.index_cast %add3A_206 : i32 to index
        %swap3A_243 = arith.constant 48 : index
        %swap3A_244 = tpu.vector_load %arg10[%swap3A_242, %swap3A_243] {strides = array<i32>} : memref<128x128xf32, #tpu.memory_space<vmem>>, vector<16xf32>,
        tpu.vector_store %arg10[%swap3A_242, %swap3A_243], %mul3A_241 {strides = array<i32>} : memref<128x128xf32, #tpu.memory_space<vmem>>, vector<16xf32>,
        %get3A_245 = arith.index_cast %add3A_206 : i32 to index
        %get3A_246 = arith.constant 64 : index
        %get3A_247 = tpu.vector_load %arg10[%get3A_245, %get3A_246] {strides = array<i32>} : memref<128x128xf32, #tpu.memory_space<vmem>>, vector<16xf32>,
        %get3A_248 = arith.index_cast %add3A_206 : i32 to index
        %get3A_249 = arith.constant 64 : index
        %get3A_250 = tpu.vector_load %arg9[%get3A_248, %get3A_249] {strides = array<i32>} : memref<128x128xf32, #tpu.memory_space<vmem>>, vector<16xf32>,
        %mul3A_251 = arith.mulf %get3A_247, %get3A_250 : vector<16xf32>
        %swap3A_252 = arith.index_cast %add3A_206 : i32 to index
        %swap3A_253 = arith.constant 64 : index
        %swap3A_254 = tpu.vector_load %arg10[%swap3A_252, %swap3A_253] {strides = array<i32>} : memref<128x128xf32, #tpu.memory_space<vmem>>, vector<16xf32>,
        tpu.vector_store %arg10[%swap3A_252, %swap3A_253], %mul3A_251 {strides = array<i32>} : memref<128x128xf32, #tpu.memory_space<vmem>>, vector<16xf32>,
        %get3A_255 = arith.index_cast %add3A_206 : i32 to index
        %get3A_256 = arith.constant 80 : index
        %get3A_257 = tpu.vector_load %arg10[%get3A_255, %get3A_256] {strides = array<i32>} : memref<128x128xf32, #tpu.memory_space<vmem>>, vector<16xf32>,
        %get3A_258 = arith.index_cast %add3A_206 : i32 to index
        %get3A_259 = arith.constant 80 : index
        %get3A_260 = tpu.vector_load %arg9[%get3A_258, %get3A_259] {strides = array<i32>} : memref<128x128xf32, #tpu.memory_space<vmem>>, vector<16xf32>,
        %mul3A_261 = arith.mulf %get3A_257, %get3A_260 : vector<16xf32>
        %swap3A_262 = arith.index_cast %add3A_206 : i32 to index
        %swap3A_263 = arith.constant 80 : index
        %swap3A_264 = tpu.vector_load %arg10[%swap3A_262, %swap3A_263] {strides = array<i32>} : memref<128x128xf32, #tpu.memory_space<vmem>>, vector<16xf32>,
        tpu.vector_store %arg10[%swap3A_262, %swap3A_263], %mul3A_261 {strides = array<i32>} : memref<128x128xf32, #tpu.memory_space<vmem>>, vector<16xf32>,
        %get3A_265 = arith.index_cast %add3A_206 : i32 to index
        %get3A_266 = arith.constant 96 : index
        %get3A_267 = tpu.vector_load %arg10[%get3A_265, %get3A_266] {strides = array<i32>} : memref<128x128xf32, #tpu.memory_space<vmem>>, vector<16xf32>,
        %get3A_268 = arith.index_cast %add3A_206 : i32 to index
        %get3A_269 = arith.constant 96 : index
        %get3A_270 = tpu.vector_load %arg9[%get3A_268, %get3A_269] {strides = array<i32>} : memref<128x128xf32, #tpu.memory_space<vmem>>, vector<16xf32>,
        %mul3A_271 = arith.mulf %get3A_267, %get3A_270 : vector<16xf32>
        %swap3A_272 = arith.index_cast %add3A_206 : i32 to index
        %swap3A_273 = arith.constant 96 : index
        %swap3A_274 = tpu.vector_load %arg10[%swap3A_272, %swap3A_273] {strides = array<i32>} : memref<128x128xf32, #tpu.memory_space<vmem>>, vector<16xf32>,
        tpu.vector_store %arg10[%swap3A_272, %swap3A_273], %mul3A_271 {strides = array<i32>} : memref<128x128xf32, #tpu.memory_space<vmem>>, vector<16xf32>,
        %get3A_275 = arith.index_cast %add3A_206 : i32 to index
        %get3A_276 = arith.constant 112 : index
        %get3A_277 = tpu.vector_load %arg10[%get3A_275, %get3A_276] {strides = array<i32>} : memref<128x128xf32, #tpu.memory_space<vmem>>, vector<16xf32>,
        %get3A_278 = arith.index_cast %add3A_206 : i32 to index
        %get3A_279 = arith.constant 112 : index
        %get3A_280 = tpu.vector_load %arg9[%get3A_278, %get3A_279] {strides = array<i32>} : memref<128x128xf32, #tpu.memory_space<vmem>>, vector<16xf32>,
        %mul3A_281 = arith.mulf %get3A_277, %get3A_280 : vector<16xf32>
        %swap3A_282 = arith.index_cast %add3A_206 : i32 to index
        %swap3A_283 = arith.constant 112 : index
        %swap3A_284 = tpu.vector_load %arg10[%swap3A_282, %swap3A_283] {strides = array<i32>} : memref<128x128xf32, #tpu.memory_space<vmem>>, vector<16xf32>,
        tpu.vector_store %arg10[%swap3A_282, %swap3A_283], %mul3A_281 {strides = array<i32>} : memref<128x128xf32, #tpu.memory_space<vmem>>, vector<16xf32>,
      }
      %scan3A_140 = arith.constant 128 : i32
      %add3A_141 = arith.constant 1 : i32
      %add3A_142 = arith.addi %add3A_73, %add3A_141 : i32
      %add3A_143 = arith.addi %mul3A_2, %add3A_142 : i32
      %mul3A_144 = arith.constant 128 : i32
      %mul3A_145 = arith.muli %add3A_143, %mul3A_144 : i32
      %dma_start3A_146 = arith.constant 0 : i32
      %dma_start3A_147 = tpu.memref_slice %arg2[%mul3A_145, %dma_start3A_146] : memref<163840x128xf32, #tpu.memory_space<hbm>> -> memref<128x128xf32, #tpu.memory_space<hbm>>
      %dma_start3A_148 = arith.constant 0 : i32
      %dma_start3A_149 = tpu.memref_slice %arg2[%mul3A_145, %dma_start3A_148] : memref<163840x128xf32, #tpu.memory_space<hbm>> -> memref<128x128xf32, #tpu.memory_space<hbm>>
      tpu.enqueue_dma source(%dma_start3A_149 : memref<128x128xf32, #tpu.memory_space<hbm>>) target(%arg9 : memref<128x128xf32, #tpu.memory_space<vmem>>) target_semaphore(%arg13 : memref<!tpu.dma_semaphore, #tpu.memory_space<semaphore_mem>>)
      %run_scoped3A = arith.constant 0 : i32
      %run_scoped3A_150 = arith.constant 1 : i32
      "tpu.region"() ({
        %run_scoped3A_202 = tpu.sem_alloc : memref<!tpu.dma_semaphore, #tpu.memory_space<semaphore_mem>>
        %dma_start3A_203 = arith.constant 0 : i32
        %dma_start3A_204 = tpu.memref_slice %arg7[%run_scoped3A, %run_scoped3A_150, %dma_start3A_203] : memref<1x2x128xi32, #tpu.memory_space<vmem>> -> memref<1x1x128xi32, #tpu.memory_space<vmem>>
        %dma_start3A_205 = tpu.memref_squeeze %dma_start3A_204 : memref<1x1x128xi32, #tpu.memory_space<vmem>> -> memref<128xi32, #tpu.memory_space<vmem>>
        %dma_start3A_206 = arith.constant 0 : i32
        %dma_start3A_207 = arith.constant 0 : i32
        %dma_start3A_208 = tpu.memref_slice %arg12[%dma_start3A_206, %dma_start3A_207] : memref<10112x128xf32, #tpu.memory_space<vmem_shared>> -> memref<10112x128xf32, #tpu.memory_space<vmem_shared>>
        tpu.enqueue_indirect_dma source(%arg10 : memref<128x128xf32, #tpu.memory_space<vmem>>) target(%dma_start3A_208 : memref<10112x128xf32, #tpu.memory_space<vmem_shared>>) offsets(%dma_start3A_205 : memref<128xi32, #tpu.memory_space<vmem>>) semaphore(%run_scoped3A_202 : memref<!tpu.dma_semaphore, #tpu.memory_space<semaphore_mem>>) {add = true}
        %dma_wait3A_209 = arith.constant 0 : i32
        %dma_wait3A_210 = tpu.memref_slice %arg7[%run_scoped3A, %run_scoped3A_150, %dma_wait3A_209] : memref<1x2x128xi32, #tpu.memory_space<vmem>> -> memref<1x1x128xi32, #tpu.memory_space<vmem>>
        %dma_wait3A_211 = tpu.memref_squeeze %dma_wait3A_210 : memref<1x1x128xi32, #tpu.memory_space<vmem>> -> memref<128xi32, #tpu.memory_space<vmem>>
        %dma_wait3A_212 = arith.constant 0 : i32
        %dma_wait3A_213 = arith.constant 0 : i32
        %dma_wait3A_214 = tpu.memref_slice %arg12[%dma_wait3A_212, %dma_wait3A_213] : memref<10112x128xf32, #tpu.memory_space<vmem_shared>> -> memref<10112x128xf32, #tpu.memory_space<vmem_shared>>
        tpu.wait_indirect_dma semaphore(%run_scoped3A_202 : memref<!tpu.dma_semaphore, #tpu.memory_space<semaphore_mem>>) src(%arg10 : memref<128x128xf32, #tpu.memory_space<vmem>>) dst(%dma_wait3A_214 : memref<10112x128xf32, #tpu.memory_space<vmem_shared>>)
        tpu.yield
      }) : () -> ()
      %add3A_151 = arith.constant 2 : i32
      %add3A_152 = arith.addi %add3A_73, %add3A_151 : i32
      %lt3A = arith.constant 40 : i32
      %lt3A_153 = arith.cmpi slt, %add3A_152, %lt3A : i32
      %convert_element_type3A = arith.extui %lt3A_153 : i1 to i32
      %cond3A = arith.constant 0 : i32
      %cond3A_154 = arith.cmpi ne, %convert_element_type3A, %cond3A : i32
      scf.if %cond3A_154 {
        %add3A_202 = arith.constant 2 : i32
        %add3A_203 = arith.addi %add3A_73, %add3A_202 : i32
        %add3A_204 = arith.addi %mul3A_2, %add3A_203 : i32
        %dma_start3A_205 = arith.constant 0 : i32
        %dma_start3A_206 = arith.constant 0 : i32
        %dma_start3A_207 = tpu.memref_slice %arg3[%add3A_204, %dma_start3A_205, %dma_start3A_206] : memref<1280x2x128xi32, #tpu.memory_space<hbm>> -> memref<1x2x128xi32, #tpu.memory_space<hbm>>
        %dma_start3A_208 = arith.constant 0 : i32
        %dma_start3A_209 = arith.constant 0 : i32
        %dma_start3A_210 = tpu.memref_slice %arg3[%add3A_204, %dma_start3A_208, %dma_start3A_209] : memref<1280x2x128xi32, #tpu.memory_space<hbm>> -> memref<1x2x128xi32, #tpu.memory_space<hbm>>
        tpu.enqueue_dma source(%dma_start3A_210 : memref<1x2x128xi32, #tpu.memory_space<hbm>>) target(%arg7 : memref<1x2x128xi32, #tpu.memory_space<vmem>>) target_semaphore(%arg16 : memref<!tpu.dma_semaphore, #tpu.memory_space<semaphore_mem>>)
      } else {
      }
      %add3A_155 = arith.constant 1 : i32
      %add3A_156 = arith.addi %add3A_73, %add3A_155 : i32
      %add3A_157 = arith.addi %mul3A_2, %add3A_156 : i32
      %mul3A_158 = arith.constant 128 : i32
      %mul3A_159 = arith.muli %add3A_157, %mul3A_158 : i32
      %dma_wait3A_160 = arith.constant 0 : i32
      %dma_wait3A_161 = tpu.memref_slice %arg2[%mul3A_159, %dma_wait3A_160] : memref<163840x128xf32, #tpu.memory_space<hbm>> -> memref<128x128xf32, #tpu.memory_space<hbm>>
      %dma_wait3A_162 = arith.constant 0 : i32
      %dma_wait3A_163 = tpu.memref_slice %arg2[%mul3A_159, %dma_wait3A_162] : memref<163840x128xf32, #tpu.memory_space<hbm>> -> memref<128x128xf32, #tpu.memory_space<hbm>>
      tpu.wait_dma2 semaphore(%arg13 : memref<!tpu.dma_semaphore, #tpu.memory_space<semaphore_mem>>) src(%dma_wait3A_163 : memref<128x128xf32, #tpu.memory_space<hbm>>) dst(%arg9 : memref<128x128xf32, #tpu.memory_space<vmem>>)
      %add3A_164 = arith.constant 1 : i32
      %add3A_165 = arith.addi %add3A_73, %add3A_164 : i32
      %dma_wait3A_166 = arith.constant 0 : i32
      %dma_wait3A_167 = arith.constant 0 : i32
      %dma_wait3A_168 = arith.constant 0 : i32
      %dma_wait3A_169 = arith.constant 0 : i32
      %dma_wait3A_170 = tpu.memref_slice %arg11[%dma_wait3A_168, %dma_wait3A_169] : memref<128x128xf32, #tpu.memory_space<vmem>> -> memref<64x128xf32, #tpu.memory_space<vmem>>
      %dma_wait3A_171 = arith.constant 0 : i32
      %dma_wait3A_172 = tpu.memref_slice %arg8[%dma_wait3A_166, %dma_wait3A_167, %dma_wait3A_171] : memref<1x2x128xi32, #tpu.memory_space<vmem>> -> memref<1x1x64xi32, #tpu.memory_space<vmem>>
      %dma_wait3A_173 = tpu.memref_squeeze %dma_wait3A_172 : memref<1x1x64xi32, #tpu.memory_space<vmem>> -> memref<64xi32, #tpu.memory_space<vmem>>
      %dma_wait3A_174 = arith.constant 0 : i32
      %dma_wait3A_175 = arith.constant 0 : i32
      %dma_wait3A_176 = tpu.memref_slice %arg4[%dma_wait3A_174, %dma_wait3A_175] : memref<10000x128xf32, #tpu.memory_space<hbm>> -> memref<10000x128xf32, #tpu.memory_space<hbm>>
      tpu.wait_indirect_dma semaphore(%arg15 : memref<!tpu.dma_semaphore, #tpu.memory_space<semaphore_mem>>) src(%dma_wait3A_176 : memref<10000x128xf32, #tpu.memory_space<hbm>>) dst(%dma_wait3A_170 : memref<64x128xf32, #tpu.memory_space<vmem>>)
      %dma_wait3A_177 = arith.constant 0 : i32
      %dma_wait3A_178 = arith.constant 0 : i32
      %dma_wait3A_179 = arith.constant 64 : i32
      %dma_wait3A_180 = arith.constant 0 : i32
      %dma_wait3A_181 = tpu.memref_slice %arg11[%dma_wait3A_179, %dma_wait3A_180] : memref<128x128xf32, #tpu.memory_space<vmem>> -> memref<64x128xf32, #tpu.memory_space<vmem>>
      %dma_wait3A_182 = arith.constant 64 : i32
      %dma_wait3A_183 = tpu.memref_slice %arg8[%dma_wait3A_177, %dma_wait3A_178, %dma_wait3A_182] : memref<1x2x128xi32, #tpu.memory_space<vmem>> -> memref<1x1x64xi32, #tpu.memory_space<vmem>>
      %dma_wait3A_184 = tpu.memref_squeeze %dma_wait3A_183 : memref<1x1x64xi32, #tpu.memory_space<vmem>> -> memref<64xi32, #tpu.memory_space<vmem>>
      %dma_wait3A_185 = arith.constant 0 : i32
      %dma_wait3A_186 = arith.constant 0 : i32
      %dma_wait3A_187 = tpu.memref_slice %arg4[%dma_wait3A_185, %dma_wait3A_186] : memref<10000x128xf32, #tpu.memory_space<hbm>> -> memref<10000x128xf32, #tpu.memory_space<hbm>>
      tpu.wait_indirect_dma semaphore(%arg15 : memref<!tpu.dma_semaphore, #tpu.memory_space<semaphore_mem>>) src(%dma_wait3A_187 : memref<10000x128xf32, #tpu.memory_space<hbm>>) dst(%dma_wait3A_181 : memref<64x128xf32, #tpu.memory_space<vmem>>)
      %scan3A_188 = arith.constant 0 : i32
      %scan3A_189 = arith.constant 128 : i32
      %scan3A_190 = arith.addi %scan3A_188, %scan3A_189 : i32
      %scan3A_191 = arith.constant 1 : i32
      scf.for %scan3A_202 = %scan3A_188 to %scan3A_190 step %scan3A_191  : i32 {
        %mul3A_203 = arith.constant 1 : i32
        %mul3A_204 = arith.muli %scan3A_202, %mul3A_203 : i32
        %add3A_205 = arith.constant 0 : i32
        %add3A_206 = arith.addi %add3A_205, %mul3A_204 : i32
        %get3A = arith.index_cast %add3A_206 : i32 to index
        %get3A_207 = arith.constant 0 : index
        %get3A_208 = tpu.vector_load %arg11[%get3A, %get3A_207] {strides = array<i32>} : memref<128x128xf32, #tpu.memory_space<vmem>>, vector<16xf32>,
        %get3A_209 = arith.index_cast %add3A_206 : i32 to index
        %get3A_210 = arith.constant 0 : index
        %get3A_211 = tpu.vector_load %arg9[%get3A_209, %get3A_210] {strides = array<i32>} : memref<128x128xf32, #tpu.memory_space<vmem>>, vector<16xf32>,
        %mul3A_212 = arith.mulf %get3A_208, %get3A_211 : vector<16xf32>
        %swap3A = arith.index_cast %add3A_206 : i32 to index
        %swap3A_213 = arith.constant 0 : index
        %swap3A_214 = tpu.vector_load %arg11[%swap3A, %swap3A_213] {strides = array<i32>} : memref<128x128xf32, #tpu.memory_space<vmem>>, vector<16xf32>,
        tpu.vector_store %arg11[%swap3A, %swap3A_213], %mul3A_212 {strides = array<i32>} : memref<128x128xf32, #tpu.memory_space<vmem>>, vector<16xf32>,
        %get3A_215 = arith.index_cast %add3A_206 : i32 to index
        %get3A_216 = arith.constant 16 : index
        %get3A_217 = tpu.vector_load %arg11[%get3A_215, %get3A_216] {strides = array<i32>} : memref<128x128xf32, #tpu.memory_space<vmem>>, vector<16xf32>,
        %get3A_218 = arith.index_cast %add3A_206 : i32 to index
        %get3A_219 = arith.constant 16 : index
        %get3A_220 = tpu.vector_load %arg9[%get3A_218, %get3A_219] {strides = array<i32>} : memref<128x128xf32, #tpu.memory_space<vmem>>, vector<16xf32>,
        %mul3A_221 = arith.mulf %get3A_217, %get3A_220 : vector<16xf32>
        %swap3A_222 = arith.index_cast %add3A_206 : i32 to index
        %swap3A_223 = arith.constant 16 : index
        %swap3A_224 = tpu.vector_load %arg11[%swap3A_222, %swap3A_223] {strides = array<i32>} : memref<128x128xf32, #tpu.memory_space<vmem>>, vector<16xf32>,
        tpu.vector_store %arg11[%swap3A_222, %swap3A_223], %mul3A_221 {strides = array<i32>} : memref<128x128xf32, #tpu.memory_space<vmem>>, vector<16xf32>,
        %get3A_225 = arith.index_cast %add3A_206 : i32 to index
        %get3A_226 = arith.constant 32 : index
        %get3A_227 = tpu.vector_load %arg11[%get3A_225, %get3A_226] {strides = array<i32>} : memref<128x128xf32, #tpu.memory_space<vmem>>, vector<16xf32>,
        %get3A_228 = arith.index_cast %add3A_206 : i32 to index
        %get3A_229 = arith.constant 32 : index
        %get3A_230 = tpu.vector_load %arg9[%get3A_228, %get3A_229] {strides = array<i32>} : memref<128x128xf32, #tpu.memory_space<vmem>>, vector<16xf32>,
        %mul3A_231 = arith.mulf %get3A_227, %get3A_230 : vector<16xf32>
        %swap3A_232 = arith.index_cast %add3A_206 : i32 to index
        %swap3A_233 = arith.constant 32 : index
        %swap3A_234 = tpu.vector_load %arg11[%swap3A_232, %swap3A_233] {strides = array<i32>} : memref<128x128xf32, #tpu.memory_space<vmem>>, vector<16xf32>,
        tpu.vector_store %arg11[%swap3A_232, %swap3A_233], %mul3A_231 {strides = array<i32>} : memref<128x128xf32, #tpu.memory_space<vmem>>, vector<16xf32>,
        %get3A_235 = arith.index_cast %add3A_206 : i32 to index
        %get3A_236 = arith.constant 48 : index
        %get3A_237 = tpu.vector_load %arg11[%get3A_235, %get3A_236] {strides = array<i32>} : memref<128x128xf32, #tpu.memory_space<vmem>>, vector<16xf32>,
        %get3A_238 = arith.index_cast %add3A_206 : i32 to index
        %get3A_239 = arith.constant 48 : index
        %get3A_240 = tpu.vector_load %arg9[%get3A_238, %get3A_239] {strides = array<i32>} : memref<128x128xf32, #tpu.memory_space<vmem>>, vector<16xf32>,
        %mul3A_241 = arith.mulf %get3A_237, %get3A_240 : vector<16xf32>
        %swap3A_242 = arith.index_cast %add3A_206 : i32 to index
        %swap3A_243 = arith.constant 48 : index
        %swap3A_244 = tpu.vector_load %arg11[%swap3A_242, %swap3A_243] {strides = array<i32>} : memref<128x128xf32, #tpu.memory_space<vmem>>, vector<16xf32>,
        tpu.vector_store %arg11[%swap3A_242, %swap3A_243], %mul3A_241 {strides = array<i32>} : memref<128x128xf32, #tpu.memory_space<vmem>>, vector<16xf32>,
        %get3A_245 = arith.index_cast %add3A_206 : i32 to index
        %get3A_246 = arith.constant 64 : index
        %get3A_247 = tpu.vector_load %arg11[%get3A_245, %get3A_246] {strides = array<i32>} : memref<128x128xf32, #tpu.memory_space<vmem>>, vector<16xf32>,
        %get3A_248 = arith.index_cast %add3A_206 : i32 to index
        %get3A_249 = arith.constant 64 : index
        %get3A_250 = tpu.vector_load %arg9[%get3A_248, %get3A_249] {strides = array<i32>} : memref<128x128xf32, #tpu.memory_space<vmem>>, vector<16xf32>,
        %mul3A_251 = arith.mulf %get3A_247, %get3A_250 : vector<16xf32>
        %swap3A_252 = arith.index_cast %add3A_206 : i32 to index
        %swap3A_253 = arith.constant 64 : index
        %swap3A_254 = tpu.vector_load %arg11[%swap3A_252, %swap3A_253] {strides = array<i32>} : memref<128x128xf32, #tpu.memory_space<vmem>>, vector<16xf32>,
        tpu.vector_store %arg11[%swap3A_252, %swap3A_253], %mul3A_251 {strides = array<i32>} : memref<128x128xf32, #tpu.memory_space<vmem>>, vector<16xf32>,
        %get3A_255 = arith.index_cast %add3A_206 : i32 to index
        %get3A_256 = arith.constant 80 : index
        %get3A_257 = tpu.vector_load %arg11[%get3A_255, %get3A_256] {strides = array<i32>} : memref<128x128xf32, #tpu.memory_space<vmem>>, vector<16xf32>,
        %get3A_258 = arith.index_cast %add3A_206 : i32 to index
        %get3A_259 = arith.constant 80 : index
        %get3A_260 = tpu.vector_load %arg9[%get3A_258, %get3A_259] {strides = array<i32>} : memref<128x128xf32, #tpu.memory_space<vmem>>, vector<16xf32>,
        %mul3A_261 = arith.mulf %get3A_257, %get3A_260 : vector<16xf32>
        %swap3A_262 = arith.index_cast %add3A_206 : i32 to index
        %swap3A_263 = arith.constant 80 : index
        %swap3A_264 = tpu.vector_load %arg11[%swap3A_262, %swap3A_263] {strides = array<i32>} : memref<128x128xf32, #tpu.memory_space<vmem>>, vector<16xf32>,
        tpu.vector_store %arg11[%swap3A_262, %swap3A_263], %mul3A_261 {strides = array<i32>} : memref<128x128xf32, #tpu.memory_space<vmem>>, vector<16xf32>,
        %get3A_265 = arith.index_cast %add3A_206 : i32 to index
        %get3A_266 = arith.constant 96 : index
        %get3A_267 = tpu.vector_load %arg11[%get3A_265, %get3A_266] {strides = array<i32>} : memref<128x128xf32, #tpu.memory_space<vmem>>, vector<16xf32>,
        %get3A_268 = arith.index_cast %add3A_206 : i32 to index
        %get3A_269 = arith.constant 96 : index
        %get3A_270 = tpu.vector_load %arg9[%get3A_268, %get3A_269] {strides = array<i32>} : memref<128x128xf32, #tpu.memory_space<vmem>>, vector<16xf32>,
        %mul3A_271 = arith.mulf %get3A_267, %get3A_270 : vector<16xf32>
        %swap3A_272 = arith.index_cast %add3A_206 : i32 to index
        %swap3A_273 = arith.constant 96 : index
        %swap3A_274 = tpu.vector_load %arg11[%swap3A_272, %swap3A_273] {strides = array<i32>} : memref<128x128xf32, #tpu.memory_space<vmem>>, vector<16xf32>,
        tpu.vector_store %arg11[%swap3A_272, %swap3A_273], %mul3A_271 {strides = array<i32>} : memref<128x128xf32, #tpu.memory_space<vmem>>, vector<16xf32>,
        %get3A_275 = arith.index_cast %add3A_206 : i32 to index
        %get3A_276 = arith.constant 112 : index
        %get3A_277 = tpu.vector_load %arg11[%get3A_275, %get3A_276] {strides = array<i32>} : memref<128x128xf32, #tpu.memory_space<vmem>>, vector<16xf32>,
        %get3A_278 = arith.index_cast %add3A_206 : i32 to index
        %get3A_279 = arith.constant 112 : index
        %get3A_280 = tpu.vector_load %arg9[%get3A_278, %get3A_279] {strides = array<i32>} : memref<128x128xf32, #tpu.memory_space<vmem>>, vector<16xf32>,
        %mul3A_281 = arith.mulf %get3A_277, %get3A_280 : vector<16xf32>
        %swap3A_282 = arith.index_cast %add3A_206 : i32 to index
        %swap3A_283 = arith.constant 112 : index
        %swap3A_284 = tpu.vector_load %arg11[%swap3A_282, %swap3A_283] {strides = array<i32>} : memref<128x128xf32, #tpu.memory_space<vmem>>, vector<16xf32>,
        tpu.vector_store %arg11[%swap3A_282, %swap3A_283], %mul3A_281 {strides = array<i32>} : memref<128x128xf32, #tpu.memory_space<vmem>>, vector<16xf32>,
      }
      %scan3A_192 = arith.constant 128 : i32
      %run_scoped3A_193 = arith.constant 0 : i32
      %run_scoped3A_194 = arith.constant 1 : i32
      "tpu.region"() ({
        %run_scoped3A_202 = tpu.sem_alloc : memref<!tpu.dma_semaphore, #tpu.memory_space<semaphore_mem>>
        %dma_start3A_203 = arith.constant 0 : i32
        %dma_start3A_204 = tpu.memref_slice %arg8[%run_scoped3A_193, %run_scoped3A_194, %dma_start3A_203] : memref<1x2x128xi32, #tpu.memory_space<vmem>> -> memref<1x1x128xi32, #tpu.memory_space<vmem>>
        %dma_start3A_205 = tpu.memref_squeeze %dma_start3A_204 : memref<1x1x128xi32, #tpu.memory_space<vmem>> -> memref<128xi32, #tpu.memory_space<vmem>>
        %dma_start3A_206 = arith.constant 0 : i32
        %dma_start3A_207 = arith.constant 0 : i32
        %dma_start3A_208 = tpu.memref_slice %arg12[%dma_start3A_206, %dma_start3A_207] : memref<10112x128xf32, #tpu.memory_space<vmem_shared>> -> memref<10112x128xf32, #tpu.memory_space<vmem_shared>>
        tpu.enqueue_indirect_dma source(%arg11 : memref<128x128xf32, #tpu.memory_space<vmem>>) target(%dma_start3A_208 : memref<10112x128xf32, #tpu.memory_space<vmem_shared>>) offsets(%dma_start3A_205 : memref<128xi32, #tpu.memory_space<vmem>>) semaphore(%run_scoped3A_202 : memref<!tpu.dma_semaphore, #tpu.memory_space<semaphore_mem>>) {add = true}
        %dma_wait3A_209 = arith.constant 0 : i32
        %dma_wait3A_210 = tpu.memref_slice %arg8[%run_scoped3A_193, %run_scoped3A_194, %dma_wait3A_209] : memref<1x2x128xi32, #tpu.memory_space<vmem>> -> memref<1x1x128xi32, #tpu.memory_space<vmem>>
        %dma_wait3A_211 = tpu.memref_squeeze %dma_wait3A_210 : memref<1x1x128xi32, #tpu.memory_space<vmem>> -> memref<128xi32, #tpu.memory_space<vmem>>
        %dma_wait3A_212 = arith.constant 0 : i32
        %dma_wait3A_213 = arith.constant 0 : i32
        %dma_wait3A_214 = tpu.memref_slice %arg12[%dma_wait3A_212, %dma_wait3A_213] : memref<10112x128xf32, #tpu.memory_space<vmem_shared>> -> memref<10112x128xf32, #tpu.memory_space<vmem_shared>>
        tpu.wait_indirect_dma semaphore(%run_scoped3A_202 : memref<!tpu.dma_semaphore, #tpu.memory_space<semaphore_mem>>) src(%arg11 : memref<128x128xf32, #tpu.memory_space<vmem>>) dst(%dma_wait3A_214 : memref<10112x128xf32, #tpu.memory_space<vmem_shared>>)
        tpu.yield
      }) : () -> ()
      %add3A_195 = arith.constant 2 : i32
      %add3A_196 = arith.addi %add3A_73, %add3A_195 : i32
      %lt3A_197 = arith.constant 40 : i32
      %lt3A_198 = arith.cmpi slt, %add3A_196, %lt3A_197 : i32
      %convert_element_type3A_199 = arith.extui %lt3A_198 : i1 to i32
      %cond3A_200 = arith.constant 0 : i32
      %cond3A_201 = arith.cmpi ne, %convert_element_type3A_199, %cond3A_200 : i32
      scf.if %cond3A_201 {
        %add3A_202 = arith.constant 2 : i32
        %add3A_203 = arith.addi %add3A_73, %add3A_202 : i32
        %add3A_204 = arith.addi %mul3A_2, %add3A_203 : i32
        %dma_wait3A_205 = arith.constant 0 : i32
        %dma_wait3A_206 = arith.constant 0 : i32
        %dma_wait3A_207 = tpu.memref_slice %arg3[%add3A_204, %dma_wait3A_205, %dma_wait3A_206] : memref<1280x2x128xi32, #tpu.memory_space<hbm>> -> memref<1x2x128xi32, #tpu.memory_space<hbm>>
        %dma_wait3A_208 = arith.constant 0 : i32
        %dma_wait3A_209 = arith.constant 0 : i32
        %dma_wait3A_210 = tpu.memref_slice %arg3[%add3A_204, %dma_wait3A_208, %dma_wait3A_209] : memref<1280x2x128xi32, #tpu.memory_space<hbm>> -> memref<1x2x128xi32, #tpu.memory_space<hbm>>
        tpu.wait_dma2 semaphore(%arg16 : memref<!tpu.dma_semaphore, #tpu.memory_space<semaphore_mem>>) src(%dma_wait3A_210 : memref<1x2x128xi32, #tpu.memory_space<hbm>>) dst(%arg7 : memref<1x2x128xi32, #tpu.memory_space<vmem>>)
        %add3A_211 = arith.constant 2 : i32
        %add3A_212 = arith.addi %add3A_73, %add3A_211 : i32
        %dma_start3A_213 = arith.constant 0 : i32
        %dma_start3A_214 = arith.constant 0 : i32
        %dma_start3A_215 = arith.constant 0 : i32
        %dma_start3A_216 = arith.constant 0 : i32
        %dma_start3A_217 = tpu.memref_slice %arg10[%dma_start3A_215, %dma_start3A_216] : memref<128x128xf32, #tpu.memory_space<vmem>> -> memref<64x128xf32, #tpu.memory_space<vmem>>
        %dma_start3A_218 = arith.constant 0 : i32
        %dma_start3A_219 = tpu.memref_slice %arg7[%dma_start3A_213, %dma_start3A_214, %dma_start3A_218] : memref<1x2x128xi32, #tpu.memory_space<vmem>> -> memref<1x1x64xi32, #tpu.memory_space<vmem>>
        %dma_start3A_220 = tpu.memref_squeeze %dma_start3A_219 : memref<1x1x64xi32, #tpu.memory_space<vmem>> -> memref<64xi32, #tpu.memory_space<vmem>>
        %dma_start3A_221 = arith.constant 0 : i32
        %dma_start3A_222 = arith.constant 0 : i32
        %dma_start3A_223 = tpu.memref_slice %arg4[%dma_start3A_221, %dma_start3A_222] : memref<10000x128xf32, #tpu.memory_space<hbm>> -> memref<10000x128xf32, #tpu.memory_space<hbm>>
        tpu.enqueue_indirect_dma source(%dma_start3A_223 : memref<10000x128xf32, #tpu.memory_space<hbm>>) target(%dma_start3A_217 : memref<64x128xf32, #tpu.memory_space<vmem>>) offsets(%dma_start3A_220 : memref<64xi32, #tpu.memory_space<vmem>>) semaphore(%arg14 : memref<!tpu.dma_semaphore, #tpu.memory_space<semaphore_mem>>)
        %dma_start3A_224 = arith.constant 0 : i32
        %dma_start3A_225 = arith.constant 0 : i32
        %dma_start3A_226 = arith.constant 64 : i32
        %dma_start3A_227 = arith.constant 0 : i32
        %dma_start3A_228 = tpu.memref_slice %arg10[%dma_start3A_226, %dma_start3A_227] : memref<128x128xf32, #tpu.memory_space<vmem>> -> memref<64x128xf32, #tpu.memory_space<vmem>>
        %dma_start3A_229 = arith.constant 64 : i32
        %dma_start3A_230 = tpu.memref_slice %arg7[%dma_start3A_224, %dma_start3A_225, %dma_start3A_229] : memref<1x2x128xi32, #tpu.memory_space<vmem>> -> memref<1x1x64xi32, #tpu.memory_space<vmem>>
        %dma_start3A_231 = tpu.memref_squeeze %dma_start3A_230 : memref<1x1x64xi32, #tpu.memory_space<vmem>> -> memref<64xi32, #tpu.memory_space<vmem>>
        %dma_start3A_232 = arith.constant 0 : i32
        %dma_start3A_233 = arith.constant 0 : i32
        %dma_start3A_234 = tpu.memref_slice %arg4[%dma_start3A_232, %dma_start3A_233] : memref<10000x128xf32, #tpu.memory_space<hbm>> -> memref<10000x128xf32, #tpu.memory_space<hbm>>
        tpu.enqueue_indirect_dma source(%dma_start3A_234 : memref<10000x128xf32, #tpu.memory_space<hbm>>) target(%dma_start3A_228 : memref<64x128xf32, #tpu.memory_space<vmem>>) offsets(%dma_start3A_231 : memref<64xi32, #tpu.memory_space<vmem>>) semaphore(%arg14 : memref<!tpu.dma_semaphore, #tpu.memory_space<semaphore_mem>>)
        %add3A_235 = arith.constant 2 : i32
        %add3A_236 = arith.addi %add3A_73, %add3A_235 : i32
        %add3A_237 = arith.addi %mul3A_2, %add3A_236 : i32
        %mul3A_238 = arith.constant 128 : i32
        %mul3A_239 = arith.muli %add3A_237, %mul3A_238 : i32
        %dma_start3A_240 = arith.constant 0 : i32
        %dma_start3A_241 = tpu.memref_slice %arg2[%mul3A_239, %dma_start3A_240] : memref<163840x128xf32, #tpu.memory_space<hbm>> -> memref<128x128xf32, #tpu.memory_space<hbm>>
        %dma_start3A_242 = arith.constant 0 : i32
        %dma_start3A_243 = tpu.memref_slice %arg2[%mul3A_239, %dma_start3A_242] : memref<163840x128xf32, #tpu.memory_space<hbm>> -> memref<128x128xf32, #tpu.memory_space<hbm>>
        tpu.enqueue_dma source(%dma_start3A_243 : memref<128x128xf32, #tpu.memory_space<hbm>>) target(%arg9 : memref<128x128xf32, #tpu.memory_space<vmem>>) target_semaphore(%arg13 : memref<!tpu.dma_semaphore, #tpu.memory_space<semaphore_mem>>)
        %add3A_244 = arith.constant 3 : i32
        %add3A_245 = arith.addi %add3A_73, %add3A_244 : i32
        %add3A_246 = arith.addi %mul3A_2, %add3A_245 : i32
        %dma_start3A_247 = arith.constant 0 : i32
        %dma_start3A_248 = arith.constant 0 : i32
        %dma_start3A_249 = tpu.memref_slice %arg3[%add3A_246, %dma_start3A_247, %dma_start3A_248] : memref<1280x2x128xi32, #tpu.memory_space<hbm>> -> memref<1x2x128xi32, #tpu.memory_space<hbm>>
        %dma_start3A_250 = arith.constant 0 : i32
        %dma_start3A_251 = arith.constant 0 : i32
        %dma_start3A_252 = tpu.memref_slice %arg3[%add3A_246, %dma_start3A_250, %dma_start3A_251] : memref<1280x2x128xi32, #tpu.memory_space<hbm>> -> memref<1x2x128xi32, #tpu.memory_space<hbm>>
        tpu.enqueue_dma source(%dma_start3A_252 : memref<1x2x128xi32, #tpu.memory_space<hbm>>) target(%arg8 : memref<1x2x128xi32, #tpu.memory_space<vmem>>) target_semaphore(%arg17 : memref<!tpu.dma_semaphore, #tpu.memory_space<semaphore_mem>>)
      } else {
      }
    }
    %scan3A_60 = arith.constant 20 : i32
    %barrier3A_61 = arith.constant 0 : index
    tpu.barrier barrier_id(%barrier3A_61)
    %mul3A_62 = arith.constant 632 : i32
    %mul3A_63 = arith.muli %arg1, %mul3A_62 : i32
    %mul3A_64 = arith.constant 10112 : i32
    %mul3A_65 = arith.muli %arg0, %mul3A_64 : i32
    %mul3A_66 = arith.constant 632 : i32
    %mul3A_67 = arith.muli %arg1, %mul3A_66 : i32
    %add3A_68 = arith.addi %mul3A_65, %mul3A_67 : i32
    "tpu.region"() ({
      %run_scoped3A = tpu.sem_alloc : memref<!tpu.dma_semaphore, #tpu.memory_space<semaphore_mem>>
      %dma_start3A_69 = arith.constant 0 : i32
      %dma_start3A_70 = tpu.memref_slice %arg6[%add3A_68, %dma_start3A_69] : memref<20224x128xf32, #tpu.memory_space<hbm>> -> memref<632x128xf32, #tpu.memory_space<hbm>>
      %dma_start3A_71 = arith.constant 0 : i32
      %dma_start3A_72 = tpu.memref_slice %arg12[%mul3A_63, %dma_start3A_71] : memref<10112x128xf32, #tpu.memory_space<vmem_shared>> -> memref<632x128xf32, #tpu.memory_space<vmem_shared>>
      tpu.enqueue_dma source(%dma_start3A_72 : memref<632x128xf32, #tpu.memory_space<vmem_shared>>) target(%dma_start3A_70 : memref<632x128xf32, #tpu.memory_space<hbm>>) target_semaphore(%run_scoped3A : memref<!tpu.dma_semaphore, #tpu.memory_space<semaphore_mem>>)
      %dma_wait3A_73 = arith.constant 0 : i32
      %dma_wait3A_74 = tpu.memref_slice %arg6[%add3A_68, %dma_wait3A_73] : memref<20224x128xf32, #tpu.memory_space<hbm>> -> memref<632x128xf32, #tpu.memory_space<hbm>>
      %dma_wait3A_75 = arith.constant 0 : i32
      %dma_wait3A_76 = tpu.memref_slice %arg12[%mul3A_63, %dma_wait3A_75] : memref<10112x128xf32, #tpu.memory_space<vmem_shared>> -> memref<632x128xf32, #tpu.memory_space<vmem_shared>>
      tpu.wait_dma2 semaphore(%run_scoped3A : memref<!tpu.dma_semaphore, #tpu.memory_space<semaphore_mem>>) src(%dma_wait3A_76 : memref<632x128xf32, #tpu.memory_space<vmem_shared>>) dst(%dma_wait3A_74 : memref<632x128xf32, #tpu.memory_space<hbm>>)
      tpu.yield
    }) : () -> ()
    return
  }
}

#map = affine_map<(d0, d1) -> (0)>
#map1 = affine_map<(d0, d1) -> (0, 0)>
module attributes {stable_mosaic.version = 14 : i64} {
  func.func @_sc_geom_body(%arg0: i32, %arg1: i32, %arg2: memref<10000xf32, #tpu.memory_space<hbm>>, %arg3: memref<10000xf32, #tpu.memory_space<hbm>>, %arg4: memref<10000xf32, #tpu.memory_space<hbm>>, %arg5: memref<2560x128xi32, #tpu.memory_space<hbm>>, %arg6: memref<2560x128xi32, #tpu.memory_space<hbm>>, %arg7: memref<2560x128xf32, #tpu.memory_space<hbm>>, %arg8: memref<10000xf32, #tpu.memory_space<vmem>>, %arg9: memref<10000xf32, #tpu.memory_space<vmem>>, %arg10: memref<10000xf32, #tpu.memory_space<vmem>>, %arg11: memref<80x128xi32, #tpu.memory_space<vmem>>, %arg12: memref<80x128xi32, #tpu.memory_space<vmem>>, %arg13: memref<80x128xf32, #tpu.memory_space<vmem>>) attributes {dimension_semantics = [#tpu.dimension_semantics<core_parallel>, #tpu.dimension_semantics<subcore_parallel>], iteration_bounds = array<i64: 2, 16>, scalar_prefetch = 0 : i64, scratch_operands = 6 : i64, tpu.core_type = #tpu.core_type<sc_vector_subcore>, window_params = [{transform_indices = #map}, {transform_indices = #map}, {transform_indices = #map}, {transform_indices = #map1}, {transform_indices = #map1}, {transform_indices = #map1}]} {
    %mul3A = arith.constant 16 : i32
    %mul3A_0 = arith.muli %arg0, %mul3A : i32
    %add3A = arith.addi %mul3A_0, %arg1 : i32
    %mul3A_1 = arith.constant 80 : i32
    %mul3A_2 = arith.muli %add3A, %mul3A_1 : i32
    "tpu.region"() ({
      %run_scoped3A = tpu.sem_alloc : memref<!tpu.dma_semaphore, #tpu.memory_space<semaphore_mem>>
      tpu.enqueue_dma source(%arg2 : memref<10000xf32, #tpu.memory_space<hbm>>) target(%arg8 : memref<10000xf32, #tpu.memory_space<vmem>>) target_semaphore(%run_scoped3A : memref<!tpu.dma_semaphore, #tpu.memory_space<semaphore_mem>>)
      tpu.wait_dma2 semaphore(%run_scoped3A : memref<!tpu.dma_semaphore, #tpu.memory_space<semaphore_mem>>) src(%arg2 : memref<10000xf32, #tpu.memory_space<hbm>>) dst(%arg8 : memref<10000xf32, #tpu.memory_space<vmem>>)
      tpu.yield
    }) : () -> ()
    "tpu.region"() ({
      %run_scoped3A = tpu.sem_alloc : memref<!tpu.dma_semaphore, #tpu.memory_space<semaphore_mem>>
      tpu.enqueue_dma source(%arg3 : memref<10000xf32, #tpu.memory_space<hbm>>) target(%arg9 : memref<10000xf32, #tpu.memory_space<vmem>>) target_semaphore(%run_scoped3A : memref<!tpu.dma_semaphore, #tpu.memory_space<semaphore_mem>>)
      tpu.wait_dma2 semaphore(%run_scoped3A : memref<!tpu.dma_semaphore, #tpu.memory_space<semaphore_mem>>) src(%arg3 : memref<10000xf32, #tpu.memory_space<hbm>>) dst(%arg9 : memref<10000xf32, #tpu.memory_space<vmem>>)
      tpu.yield
    }) : () -> ()
    "tpu.region"() ({
      %run_scoped3A = tpu.sem_alloc : memref<!tpu.dma_semaphore, #tpu.memory_space<semaphore_mem>>
      tpu.enqueue_dma source(%arg4 : memref<10000xf32, #tpu.memory_space<hbm>>) target(%arg10 : memref<10000xf32, #tpu.memory_space<vmem>>) target_semaphore(%run_scoped3A : memref<!tpu.dma_semaphore, #tpu.memory_space<semaphore_mem>>)
      tpu.wait_dma2 semaphore(%run_scoped3A : memref<!tpu.dma_semaphore, #tpu.memory_space<semaphore_mem>>) src(%arg4 : memref<10000xf32, #tpu.memory_space<hbm>>) dst(%arg10 : memref<10000xf32, #tpu.memory_space<vmem>>)
      tpu.yield
    }) : () -> ()
    "tpu.region"() ({
      %run_scoped3A = tpu.sem_alloc : memref<!tpu.dma_semaphore, #tpu.memory_space<semaphore_mem>>
      %dma_start3A = arith.constant 0 : i32
      %dma_start3A_7 = tpu.memref_slice %arg5[%mul3A_2, %dma_start3A] : memref<2560x128xi32, #tpu.memory_space<hbm>> -> memref<80x128xi32, #tpu.memory_space<hbm>>
      %dma_start3A_8 = arith.constant 0 : i32
      %dma_start3A_9 = tpu.memref_slice %arg5[%mul3A_2, %dma_start3A_8] : memref<2560x128xi32, #tpu.memory_space<hbm>> -> memref<80x128xi32, #tpu.memory_space<hbm>>
      tpu.enqueue_dma source(%dma_start3A_9 : memref<80x128xi32, #tpu.memory_space<hbm>>) target(%arg11 : memref<80x128xi32, #tpu.memory_space<vmem>>) target_semaphore(%run_scoped3A : memref<!tpu.dma_semaphore, #tpu.memory_space<semaphore_mem>>)
      %dma_wait3A = arith.constant 0 : i32
      %dma_wait3A_10 = tpu.memref_slice %arg5[%mul3A_2, %dma_wait3A] : memref<2560x128xi32, #tpu.memory_space<hbm>> -> memref<80x128xi32, #tpu.memory_space<hbm>>
      %dma_wait3A_11 = arith.constant 0 : i32
      %dma_wait3A_12 = tpu.memref_slice %arg5[%mul3A_2, %dma_wait3A_11] : memref<2560x128xi32, #tpu.memory_space<hbm>> -> memref<80x128xi32, #tpu.memory_space<hbm>>
      tpu.wait_dma2 semaphore(%run_scoped3A : memref<!tpu.dma_semaphore, #tpu.memory_space<semaphore_mem>>) src(%dma_wait3A_12 : memref<80x128xi32, #tpu.memory_space<hbm>>) dst(%arg11 : memref<80x128xi32, #tpu.memory_space<vmem>>)
      tpu.yield
    }) : () -> ()
    "tpu.region"() ({
      %run_scoped3A = tpu.sem_alloc : memref<!tpu.dma_semaphore, #tpu.memory_space<semaphore_mem>>
      %dma_start3A = arith.constant 0 : i32
      %dma_start3A_7 = tpu.memref_slice %arg6[%mul3A_2, %dma_start3A] : memref<2560x128xi32, #tpu.memory_space<hbm>> -> memref<80x128xi32, #tpu.memory_space<hbm>>
      %dma_start3A_8 = arith.constant 0 : i32
      %dma_start3A_9 = tpu.memref_slice %arg6[%mul3A_2, %dma_start3A_8] : memref<2560x128xi32, #tpu.memory_space<hbm>> -> memref<80x128xi32, #tpu.memory_space<hbm>>
      tpu.enqueue_dma source(%dma_start3A_9 : memref<80x128xi32, #tpu.memory_space<hbm>>) target(%arg12 : memref<80x128xi32, #tpu.memory_space<vmem>>) target_semaphore(%run_scoped3A : memref<!tpu.dma_semaphore, #tpu.memory_space<semaphore_mem>>)
      %dma_wait3A = arith.constant 0 : i32
      %dma_wait3A_10 = tpu.memref_slice %arg6[%mul3A_2, %dma_wait3A] : memref<2560x128xi32, #tpu.memory_space<hbm>> -> memref<80x128xi32, #tpu.memory_space<hbm>>
      %dma_wait3A_11 = arith.constant 0 : i32
      %dma_wait3A_12 = tpu.memref_slice %arg6[%mul3A_2, %dma_wait3A_11] : memref<2560x128xi32, #tpu.memory_space<hbm>> -> memref<80x128xi32, #tpu.memory_space<hbm>>
      tpu.wait_dma2 semaphore(%run_scoped3A : memref<!tpu.dma_semaphore, #tpu.memory_space<semaphore_mem>>) src(%dma_wait3A_12 : memref<80x128xi32, #tpu.memory_space<hbm>>) dst(%arg12 : memref<80x128xi32, #tpu.memory_space<vmem>>)
      tpu.yield
    }) : () -> ()
    %scan3A = arith.constant 0 : i32
    %scan3A_3 = arith.constant 80 : i32
    %scan3A_4 = arith.addi %scan3A, %scan3A_3 : i32
    %scan3A_5 = arith.constant 1 : i32
    scf.for %scan3A_7 = %scan3A to %scan3A_4 step %scan3A_5  : i32 {
      %mul3A_8 = arith.constant 1 : i32
      %mul3A_9 = arith.muli %scan3A_7, %mul3A_8 : i32
      %add3A_10 = arith.constant 0 : i32
      %add3A_11 = arith.addi %add3A_10, %mul3A_9 : i32
      %scan3A_12 = arith.constant 0 : i32
      %scan3A_13 = arith.constant 8 : i32
      %scan3A_14 = arith.addi %scan3A_12, %scan3A_13 : i32
      %scan3A_15 = arith.constant 1 : i32
      scf.for %scan3A_17 = %scan3A_12 to %scan3A_14 step %scan3A_15  : i32 {
        %mul3A_18 = arith.constant 1 : i32
        %mul3A_19 = arith.muli %scan3A_17, %mul3A_18 : i32
        %add3A_20 = arith.constant 0 : i32
        %add3A_21 = arith.addi %add3A_20, %mul3A_19 : i32
        %mul3A_22 = arith.constant 16 : i32
        %mul3A_23 = arith.muli %add3A_21, %mul3A_22 : i32
        %get3A = arith.index_cast %add3A_11 : i32 to index
        %get3A_24 = arith.index_cast %mul3A_23 : i32 to index
        %get3A_25 = tpu.vector_load %arg11[%get3A, %get3A_24] {strides = array<i32>} : memref<80x128xi32, #tpu.memory_space<vmem>>, vector<16xi32>,
        %mul3A_26 = arith.constant 16 : i32
        %mul3A_27 = arith.muli %add3A_21, %mul3A_26 : i32
        %get3A_28 = arith.index_cast %add3A_11 : i32 to index
        %get3A_29 = arith.index_cast %mul3A_27 : i32 to index
        %get3A_30 = tpu.vector_load %arg12[%get3A_28, %get3A_29] {strides = array<i32>} : memref<80x128xi32, #tpu.memory_space<vmem>>, vector<16xi32>,
        %gather3A = tpu.vector_load_idx %arg8[%get3A_25] : memref<10000xf32, #tpu.memory_space<vmem>>[vector<16xi32>], vector<16xf32>,
        %gather3A_31 = tpu.vector_load_idx %arg8[%get3A_30] : memref<10000xf32, #tpu.memory_space<vmem>>[vector<16xi32>], vector<16xf32>,
        %sub3A = arith.subf %gather3A, %gather3A_31 : vector<16xf32>
        %gather3A_32 = tpu.vector_load_idx %arg9[%get3A_25] : memref<10000xf32, #tpu.memory_space<vmem>>[vector<16xi32>], vector<16xf32>,
        %gather3A_33 = tpu.vector_load_idx %arg9[%get3A_30] : memref<10000xf32, #tpu.memory_space<vmem>>[vector<16xi32>], vector<16xf32>,
        %sub3A_34 = arith.subf %gather3A_32, %gather3A_33 : vector<16xf32>
        %gather3A_35 = tpu.vector_load_idx %arg10[%get3A_25] : memref<10000xf32, #tpu.memory_space<vmem>>[vector<16xi32>], vector<16xf32>,
        %gather3A_36 = tpu.vector_load_idx %arg10[%get3A_30] : memref<10000xf32, #tpu.memory_space<vmem>>[vector<16xi32>], vector<16xf32>,
        %sub3A_37 = arith.subf %gather3A_35, %gather3A_36 : vector<16xf32>
        %mul3A_38 = arith.mulf %sub3A, %sub3A : vector<16xf32>
        %mul3A_39 = arith.mulf %sub3A_34, %sub3A_34 : vector<16xf32>
        %add3A_40 = arith.addf %mul3A_38, %mul3A_39 : vector<16xf32>
        %mul3A_41 = arith.mulf %sub3A_37, %sub3A_37 : vector<16xf32>
        %add3A_42 = arith.addf %add3A_40, %mul3A_41 : vector<16xf32>
        %mul3A_43 = arith.constant 16 : i32
        %mul3A_44 = arith.muli %add3A_21, %mul3A_43 : i32
        %swap3A = arith.index_cast %add3A_11 : i32 to index
        %swap3A_45 = arith.index_cast %mul3A_44 : i32 to index
        %swap3A_46 = tpu.vector_load %arg13[%swap3A, %swap3A_45] {strides = array<i32>} : memref<80x128xf32, #tpu.memory_space<vmem>>, vector<16xf32>,
        tpu.vector_store %arg13[%swap3A, %swap3A_45], %add3A_42 {strides = array<i32>} : memref<80x128xf32, #tpu.memory_space<vmem>>, vector<16xf32>,
      }
      %scan3A_16 = arith.constant 8 : i32
    }
    %scan3A_6 = arith.constant 80 : i32
    "tpu.region"() ({
      %run_scoped3A = tpu.sem_alloc : memref<!tpu.dma_semaphore, #tpu.memory_space<semaphore_mem>>
      %dma_start3A = arith.constant 0 : i32
      %dma_start3A_7 = tpu.memref_slice %arg7[%mul3A_2, %dma_start3A] : memref<2560x128xf32, #tpu.memory_space<hbm>> -> memref<80x128xf32, #tpu.memory_space<hbm>>
      %dma_start3A_8 = arith.constant 0 : i32
      %dma_start3A_9 = tpu.memref_slice %arg7[%mul3A_2, %dma_start3A_8] : memref<2560x128xf32, #tpu.memory_space<hbm>> -> memref<80x128xf32, #tpu.memory_space<hbm>>
      tpu.enqueue_dma source(%arg13 : memref<80x128xf32, #tpu.memory_space<vmem>>) target(%dma_start3A_9 : memref<80x128xf32, #tpu.memory_space<hbm>>) target_semaphore(%run_scoped3A : memref<!tpu.dma_semaphore, #tpu.memory_space<semaphore_mem>>)
      %dma_wait3A = arith.constant 0 : i32
      %dma_wait3A_10 = tpu.memref_slice %arg7[%mul3A_2, %dma_wait3A] : memref<2560x128xf32, #tpu.memory_space<hbm>> -> memref<80x128xf32, #tpu.memory_space<hbm>>
      %dma_wait3A_11 = arith.constant 0 : i32
      %dma_wait3A_12 = tpu.memref_slice %arg7[%mul3A_2, %dma_wait3A_11] : memref<2560x128xf32, #tpu.memory_space<hbm>> -> memref<80x128xf32, #tpu.memory_space<hbm>>
      tpu.wait_dma2 semaphore(%run_scoped3A : memref<!tpu.dma_semaphore, #tpu.memory_space<semaphore_mem>>) src(%arg13 : memref<80x128xf32, #tpu.memory_space<vmem>>) dst(%dma_wait3A_12 : memref<80x128xf32, #tpu.memory_space<hbm>>)
      tpu.yield
    }) : () -> ()
    return
  }
}

#map = affine_map<(d0, d1) -> (0, 0)>
#map1 = affine_map<(d0, d1) -> (0, 0, 0)>
module attributes {stable_mosaic.version = 14 : i64} {
  func.func @_sc_scatter_body(%arg0: i32, %arg1: i32, %arg2: memref<163840x128xf32, #tpu.memory_space<hbm>>, %arg3: memref<1280x2x128xi32, #tpu.memory_space<hbm>>, %arg4: memref<10000x128xf32, #tpu.memory_space<hbm>>, %arg5: memref<632x128xf32, #tpu.memory_space<hbm>>, %arg6: memref<20224x128xf32, #tpu.memory_space<hbm>>, %arg7: memref<1x2x128xi32, #tpu.memory_space<vmem>>, %arg8: memref<1x2x128xi32, #tpu.memory_space<vmem>>, %arg9: memref<128x128xf32, #tpu.memory_space<vmem>>, %arg10: memref<128x128xf32, #tpu.memory_space<vmem>>, %arg11: memref<128x128xf32, #tpu.memory_space<vmem>>, %arg12: memref<10112x128xf32, #tpu.memory_space<vmem_shared>>, %arg13: memref<!tpu.dma_semaphore, #tpu.memory_space<semaphore_mem>>, %arg14: memref<!tpu.dma_semaphore, #tpu.memory_space<semaphore_mem>>, %arg15: memref<!tpu.dma_semaphore, #tpu.memory_space<semaphore_mem>>, %arg16: memref<!tpu.dma_semaphore, #tpu.memory_space<semaphore_mem>>, %arg17: memref<!tpu.dma_semaphore, #tpu.memory_space<semaphore_mem>>) attributes {dimension_semantics = [#tpu.dimension_semantics<core_parallel>, #tpu.dimension_semantics<subcore_parallel>], iteration_bounds = array<i64: 2, 16>, scalar_prefetch = 0 : i64, scratch_operands = 11 : i64, tpu.core_type = #tpu.core_type<sc_vector_subcore>, window_params = [{transform_indices = #map}, {transform_indices = #map1}, {transform_indices = #map}, {transform_indices = #map}, {transform_indices = #map}]} {
    %mul3A = arith.constant 16 : i32
    %mul3A_0 = arith.muli %arg0, %mul3A : i32
    %add3A = arith.addi %mul3A_0, %arg1 : i32
    %mul3A_1 = arith.constant 40 : i32
    %mul3A_2 = arith.muli %add3A, %mul3A_1 : i32
    %mul3A_3 = arith.constant 632 : i32
    %mul3A_4 = arith.muli %arg1, %mul3A_3 : i32
    "tpu.region"() ({
      %run_scoped3A = tpu.sem_alloc : memref<!tpu.dma_semaphore, #tpu.memory_space<semaphore_mem>>
      %dma_start3A_69 = arith.constant 0 : i32
      %dma_start3A_70 = tpu.memref_slice %arg12[%mul3A_4, %dma_start3A_69] : memref<10112x128xf32, #tpu.memory_space<vmem_shared>> -> memref<632x128xf32, #tpu.memory_space<vmem_shared>>
      tpu.enqueue_dma source(%arg5 : memref<632x128xf32, #tpu.memory_space<hbm>>) target(%dma_start3A_70 : memref<632x128xf32, #tpu.memory_space<vmem_shared>>) target_semaphore(%run_scoped3A : memref<!tpu.dma_semaphore, #tpu.memory_space<semaphore_mem>>)
      %dma_wait3A_71 = arith.constant 0 : i32
      %dma_wait3A_72 = tpu.memref_slice %arg12[%mul3A_4, %dma_wait3A_71] : memref<10112x128xf32, #tpu.memory_space<vmem_shared>> -> memref<632x128xf32, #tpu.memory_space<vmem_shared>>
      tpu.wait_dma2 semaphore(%run_scoped3A : memref<!tpu.dma_semaphore, #tpu.memory_space<semaphore_mem>>) src(%arg5 : memref<632x128xf32, #tpu.memory_space<hbm>>) dst(%dma_wait3A_72 : memref<632x128xf32, #tpu.memory_space<vmem_shared>>)
      tpu.yield
    }) : () -> ()
    %barrier3A = arith.constant 0 : index
    tpu.barrier barrier_id(%barrier3A)
    %add3A_5 = arith.constant 0 : i32
    %add3A_6 = arith.addi %mul3A_2, %add3A_5 : i32
    %dma_start3A = arith.constant 0 : i32
    %dma_start3A_7 = arith.constant 0 : i32
    %dma_start3A_8 = tpu.memref_slice %arg3[%add3A_6, %dma_start3A, %dma_start3A_7] : memref<1280x2x128xi32, #tpu.memory_space<hbm>> -> memref<1x2x128xi32, #tpu.memory_space<hbm>>
    %dma_start3A_9 = arith.constant 0 : i32
    %dma_start3A_10 = arith.constant 0 : i32
    %dma_start3A_11 = tpu.memref_slice %arg3[%add3A_6, %dma_start3A_9, %dma_start3A_10] : memref<1280x2x128xi32, #tpu.memory_space<hbm>> -> memref<1x2x128xi32, #tpu.memory_space<hbm>>
    tpu.enqueue_dma source(%dma_start3A_11 : memref<1x2x128xi32, #tpu.memory_space<hbm>>) target(%arg7 : memref<1x2x128xi32, #tpu.memory_space<vmem>>) target_semaphore(%arg16 : memref<!tpu.dma_semaphore, #tpu.memory_space<semaphore_mem>>)
    %add3A_12 = arith.constant 0 : i32
    %add3A_13 = arith.addi %mul3A_2, %add3A_12 : i32
    %dma_wait3A = arith.constant 0 : i32
    %dma_wait3A_14 = arith.constant 0 : i32
    %dma_wait3A_15 = tpu.memref_slice %arg3[%add3A_13, %dma_wait3A, %dma_wait3A_14] : memref<1280x2x128xi32, #tpu.memory_space<hbm>> -> memref<1x2x128xi32, #tpu.memory_space<hbm>>
    %dma_wait3A_16 = arith.constant 0 : i32
    %dma_wait3A_17 = arith.constant 0 : i32
    %dma_wait3A_18 = tpu.memref_slice %arg3[%add3A_13, %dma_wait3A_16, %dma_wait3A_17] : memref<1280x2x128xi32, #tpu.memory_space<hbm>> -> memref<1x2x128xi32, #tpu.memory_space<hbm>>
    tpu.wait_dma2 semaphore(%arg16 : memref<!tpu.dma_semaphore, #tpu.memory_space<semaphore_mem>>) src(%dma_wait3A_18 : memref<1x2x128xi32, #tpu.memory_space<hbm>>) dst(%arg7 : memref<1x2x128xi32, #tpu.memory_space<vmem>>)
    %add3A_19 = arith.constant 1 : i32
    %add3A_20 = arith.addi %mul3A_2, %add3A_19 : i32
    %dma_start3A_21 = arith.constant 0 : i32
    %dma_start3A_22 = arith.constant 0 : i32
    %dma_start3A_23 = tpu.memref_slice %arg3[%add3A_20, %dma_start3A_21, %dma_start3A_22] : memref<1280x2x128xi32, #tpu.memory_space<hbm>> -> memref<1x2x128xi32, #tpu.memory_space<hbm>>
    %dma_start3A_24 = arith.constant 0 : i32
    %dma_start3A_25 = arith.constant 0 : i32
    %dma_start3A_26 = tpu.memref_slice %arg3[%add3A_20, %dma_start3A_24, %dma_start3A_25] : memref<1280x2x128xi32, #tpu.memory_space<hbm>> -> memref<1x2x128xi32, #tpu.memory_space<hbm>>
    tpu.enqueue_dma source(%dma_start3A_26 : memref<1x2x128xi32, #tpu.memory_space<hbm>>) target(%arg8 : memref<1x2x128xi32, #tpu.memory_space<vmem>>) target_semaphore(%arg17 : memref<!tpu.dma_semaphore, #tpu.memory_space<semaphore_mem>>)
    %dma_start3A_27 = arith.constant 0 : i32
    %dma_start3A_28 = arith.constant 0 : i32
    %dma_start3A_29 = arith.constant 0 : i32
    %dma_start3A_30 = arith.constant 0 : i32
    %dma_start3A_31 = tpu.memref_slice %arg10[%dma_start3A_29, %dma_start3A_30] : memref<128x128xf32, #tpu.memory_space<vmem>> -> memref<64x128xf32, #tpu.memory_space<vmem>>
    %dma_start3A_32 = arith.constant 0 : i32
    %dma_start3A_33 = tpu.memref_slice %arg7[%dma_start3A_27, %dma_start3A_28, %dma_start3A_32] : memref<1x2x128xi32, #tpu.memory_space<vmem>> -> memref<1x1x64xi32, #tpu.memory_space<vmem>>
    %dma_start3A_34 = tpu.memref_squeeze %dma_start3A_33 : memref<1x1x64xi32, #tpu.memory_space<vmem>> -> memref<64xi32, #tpu.memory_space<vmem>>
    %dma_start3A_35 = arith.constant 0 : i32
    %dma_start3A_36 = arith.constant 0 : i32
    %dma_start3A_37 = tpu.memref_slice %arg4[%dma_start3A_35, %dma_start3A_36] : memref<10000x128xf32, #tpu.memory_space<hbm>> -> memref<10000x128xf32, #tpu.memory_space<hbm>>
    tpu.enqueue_indirect_dma source(%dma_start3A_37 : memref<10000x128xf32, #tpu.memory_space<hbm>>) target(%dma_start3A_31 : memref<64x128xf32, #tpu.memory_space<vmem>>) offsets(%dma_start3A_34 : memref<64xi32, #tpu.memory_space<vmem>>) semaphore(%arg14 : memref<!tpu.dma_semaphore, #tpu.memory_space<semaphore_mem>>)
    %dma_start3A_38 = arith.constant 0 : i32
    %dma_start3A_39 = arith.constant 0 : i32
    %dma_start3A_40 = arith.constant 64 : i32
    %dma_start3A_41 = arith.constant 0 : i32
    %dma_start3A_42 = tpu.memref_slice %arg10[%dma_start3A_40, %dma_start3A_41] : memref<128x128xf32, #tpu.memory_space<vmem>> -> memref<64x128xf32, #tpu.memory_space<vmem>>
    %dma_start3A_43 = arith.constant 64 : i32
    %dma_start3A_44 = tpu.memref_slice %arg7[%dma_start3A_38, %dma_start3A_39, %dma_start3A_43] : memref<1x2x128xi32, #tpu.memory_space<vmem>> -> memref<1x1x64xi32, #tpu.memory_space<vmem>>
    %dma_start3A_45 = tpu.memref_squeeze %dma_start3A_44 : memref<1x1x64xi32, #tpu.memory_space<vmem>> -> memref<64xi32, #tpu.memory_space<vmem>>
    %dma_start3A_46 = arith.constant 0 : i32
    %dma_start3A_47 = arith.constant 0 : i32
    %dma_start3A_48 = tpu.memref_slice %arg4[%dma_start3A_46, %dma_start3A_47] : memref<10000x128xf32, #tpu.memory_space<hbm>> -> memref<10000x128xf32, #tpu.memory_space<hbm>>
    tpu.enqueue_indirect_dma source(%dma_start3A_48 : memref<10000x128xf32, #tpu.memory_space<hbm>>) target(%dma_start3A_42 : memref<64x128xf32, #tpu.memory_space<vmem>>) offsets(%dma_start3A_45 : memref<64xi32, #tpu.memory_space<vmem>>) semaphore(%arg14 : memref<!tpu.dma_semaphore, #tpu.memory_space<semaphore_mem>>)
    %add3A_49 = arith.constant 0 : i32
    %add3A_50 = arith.addi %mul3A_2, %add3A_49 : i32
    %mul3A_51 = arith.constant 128 : i32
    %mul3A_52 = arith.muli %add3A_50, %mul3A_51 : i32
    %dma_start3A_53 = arith.constant 0 : i32
    %dma_start3A_54 = tpu.memref_slice %arg2[%mul3A_52, %dma_start3A_53] : memref<163840x128xf32, #tpu.memory_space<hbm>> -> memref<128x128xf32, #tpu.memory_space<hbm>>
    %dma_start3A_55 = arith.constant 0 : i32
    %dma_start3A_56 = tpu.memref_slice %arg2[%mul3A_52, %dma_start3A_55] : memref<163840x128xf32, #tpu.memory_space<hbm>> -> memref<128x128xf32, #tpu.memory_space<hbm>>
    tpu.enqueue_dma source(%dma_start3A_56 : memref<128x128xf32, #tpu.memory_space<hbm>>) target(%arg9 : memref<128x128xf32, #tpu.memory_space<vmem>>) target_semaphore(%arg13 : memref<!tpu.dma_semaphore, #tpu.memory_space<semaphore_mem>>)
    %scan3A = arith.constant 0 : i32
    %scan3A_57 = arith.constant 20 : i32
    %scan3A_58 = arith.addi %scan3A, %scan3A_57 : i32
    %scan3A_59 = arith.constant 1 : i32
    scf.for %scan3A_69 = %scan3A to %scan3A_58 step %scan3A_59  : i32 {
      %mul3A_70 = arith.constant 2 : i32
      %mul3A_71 = arith.muli %scan3A_69, %mul3A_70 : i32
      %add3A_72 = arith.constant 0 : i32
      %add3A_73 = arith.addi %add3A_72, %mul3A_71 : i32
      %add3A_74 = arith.constant 1 : i32
      %add3A_75 = arith.addi %add3A_73, %add3A_74 : i32
      %add3A_76 = arith.addi %mul3A_2, %add3A_75 : i32
      %dma_wait3A_77 = arith.constant 0 : i32
      %dma_wait3A_78 = arith.constant 0 : i32
      %dma_wait3A_79 = tpu.memref_slice %arg3[%add3A_76, %dma_wait3A_77, %dma_wait3A_78] : memref<1280x2x128xi32, #tpu.memory_space<hbm>> -> memref<1x2x128xi32, #tpu.memory_space<hbm>>
      %dma_wait3A_80 = arith.constant 0 : i32
      %dma_wait3A_81 = arith.constant 0 : i32
      %dma_wait3A_82 = tpu.memref_slice %arg3[%add3A_76, %dma_wait3A_80, %dma_wait3A_81] : memref<1280x2x128xi32, #tpu.memory_space<hbm>> -> memref<1x2x128xi32, #tpu.memory_space<hbm>>
      tpu.wait_dma2 semaphore(%arg17 : memref<!tpu.dma_semaphore, #tpu.memory_space<semaphore_mem>>) src(%dma_wait3A_82 : memref<1x2x128xi32, #tpu.memory_space<hbm>>) dst(%arg8 : memref<1x2x128xi32, #tpu.memory_space<vmem>>)
      %add3A_83 = arith.constant 1 : i32
      %add3A_84 = arith.addi %add3A_73, %add3A_83 : i32
      %dma_start3A_85 = arith.constant 0 : i32
      %dma_start3A_86 = arith.constant 0 : i32
      %dma_start3A_87 = arith.constant 0 : i32
      %dma_start3A_88 = arith.constant 0 : i32
      %dma_start3A_89 = tpu.memref_slice %arg11[%dma_start3A_87, %dma_start3A_88] : memref<128x128xf32, #tpu.memory_space<vmem>> -> memref<64x128xf32, #tpu.memory_space<vmem>>
      %dma_start3A_90 = arith.constant 0 : i32
      %dma_start3A_91 = tpu.memref_slice %arg8[%dma_start3A_85, %dma_start3A_86, %dma_start3A_90] : memref<1x2x128xi32, #tpu.memory_space<vmem>> -> memref<1x1x64xi32, #tpu.memory_space<vmem>>
      %dma_start3A_92 = tpu.memref_squeeze %dma_start3A_91 : memref<1x1x64xi32, #tpu.memory_space<vmem>> -> memref<64xi32, #tpu.memory_space<vmem>>
      %dma_start3A_93 = arith.constant 0 : i32
      %dma_start3A_94 = arith.constant 0 : i32
      %dma_start3A_95 = tpu.memref_slice %arg4[%dma_start3A_93, %dma_start3A_94] : memref<10000x128xf32, #tpu.memory_space<hbm>> -> memref<10000x128xf32, #tpu.memory_space<hbm>>
      tpu.enqueue_indirect_dma source(%dma_start3A_95 : memref<10000x128xf32, #tpu.memory_space<hbm>>) target(%dma_start3A_89 : memref<64x128xf32, #tpu.memory_space<vmem>>) offsets(%dma_start3A_92 : memref<64xi32, #tpu.memory_space<vmem>>) semaphore(%arg15 : memref<!tpu.dma_semaphore, #tpu.memory_space<semaphore_mem>>)
      %dma_start3A_96 = arith.constant 0 : i32
      %dma_start3A_97 = arith.constant 0 : i32
      %dma_start3A_98 = arith.constant 64 : i32
      %dma_start3A_99 = arith.constant 0 : i32
      %dma_start3A_100 = tpu.memref_slice %arg11[%dma_start3A_98, %dma_start3A_99] : memref<128x128xf32, #tpu.memory_space<vmem>> -> memref<64x128xf32, #tpu.memory_space<vmem>>
      %dma_start3A_101 = arith.constant 64 : i32
      %dma_start3A_102 = tpu.memref_slice %arg8[%dma_start3A_96, %dma_start3A_97, %dma_start3A_101] : memref<1x2x128xi32, #tpu.memory_space<vmem>> -> memref<1x1x64xi32, #tpu.memory_space<vmem>>
      %dma_start3A_103 = tpu.memref_squeeze %dma_start3A_102 : memref<1x1x64xi32, #tpu.memory_space<vmem>> -> memref<64xi32, #tpu.memory_space<vmem>>
      %dma_start3A_104 = arith.constant 0 : i32
      %dma_start3A_105 = arith.constant 0 : i32
      %dma_start3A_106 = tpu.memref_slice %arg4[%dma_start3A_104, %dma_start3A_105] : memref<10000x128xf32, #tpu.memory_space<hbm>> -> memref<10000x128xf32, #tpu.memory_space<hbm>>
      tpu.enqueue_indirect_dma source(%dma_start3A_106 : memref<10000x128xf32, #tpu.memory_space<hbm>>) target(%dma_start3A_100 : memref<64x128xf32, #tpu.memory_space<vmem>>) offsets(%dma_start3A_103 : memref<64xi32, #tpu.memory_space<vmem>>) semaphore(%arg15 : memref<!tpu.dma_semaphore, #tpu.memory_space<semaphore_mem>>)
      %add3A_107 = arith.addi %mul3A_2, %add3A_73 : i32
      %mul3A_108 = arith.constant 128 : i32
      %mul3A_109 = arith.muli %add3A_107, %mul3A_108 : i32
      %dma_wait3A_110 = arith.constant 0 : i32
      %dma_wait3A_111 = tpu.memref_slice %arg2[%mul3A_109, %dma_wait3A_110] : memref<163840x128xf32, #tpu.memory_space<hbm>> -> memref<128x128xf32, #tpu.memory_space<hbm>>
      %dma_wait3A_112 = arith.constant 0 : i32
      %dma_wait3A_113 = tpu.memref_slice %arg2[%mul3A_109, %dma_wait3A_112] : memref<163840x128xf32, #tpu.memory_space<hbm>> -> memref<128x128xf32, #tpu.memory_space<hbm>>
      tpu.wait_dma2 semaphore(%arg13 : memref<!tpu.dma_semaphore, #tpu.memory_space<semaphore_mem>>) src(%dma_wait3A_113 : memref<128x128xf32, #tpu.memory_space<hbm>>) dst(%arg9 : memref<128x128xf32, #tpu.memory_space<vmem>>)
      %dma_wait3A_114 = arith.constant 0 : i32
      %dma_wait3A_115 = arith.constant 0 : i32
      %dma_wait3A_116 = arith.constant 0 : i32
      %dma_wait3A_117 = arith.constant 0 : i32
      %dma_wait3A_118 = tpu.memref_slice %arg10[%dma_wait3A_116, %dma_wait3A_117] : memref<128x128xf32, #tpu.memory_space<vmem>> -> memref<64x128xf32, #tpu.memory_space<vmem>>
      %dma_wait3A_119 = arith.constant 0 : i32
      %dma_wait3A_120 = tpu.memref_slice %arg7[%dma_wait3A_114, %dma_wait3A_115, %dma_wait3A_119] : memref<1x2x128xi32, #tpu.memory_space<vmem>> -> memref<1x1x64xi32, #tpu.memory_space<vmem>>
      %dma_wait3A_121 = tpu.memref_squeeze %dma_wait3A_120 : memref<1x1x64xi32, #tpu.memory_space<vmem>> -> memref<64xi32, #tpu.memory_space<vmem>>
      %dma_wait3A_122 = arith.constant 0 : i32
      %dma_wait3A_123 = arith.constant 0 : i32
      %dma_wait3A_124 = tpu.memref_slice %arg4[%dma_wait3A_122, %dma_wait3A_123] : memref<10000x128xf32, #tpu.memory_space<hbm>> -> memref<10000x128xf32, #tpu.memory_space<hbm>>
      tpu.wait_indirect_dma semaphore(%arg14 : memref<!tpu.dma_semaphore, #tpu.memory_space<semaphore_mem>>) src(%dma_wait3A_124 : memref<10000x128xf32, #tpu.memory_space<hbm>>) dst(%dma_wait3A_118 : memref<64x128xf32, #tpu.memory_space<vmem>>)
      %dma_wait3A_125 = arith.constant 0 : i32
      %dma_wait3A_126 = arith.constant 0 : i32
      %dma_wait3A_127 = arith.constant 64 : i32
      %dma_wait3A_128 = arith.constant 0 : i32
      %dma_wait3A_129 = tpu.memref_slice %arg10[%dma_wait3A_127, %dma_wait3A_128] : memref<128x128xf32, #tpu.memory_space<vmem>> -> memref<64x128xf32, #tpu.memory_space<vmem>>
      %dma_wait3A_130 = arith.constant 64 : i32
      %dma_wait3A_131 = tpu.memref_slice %arg7[%dma_wait3A_125, %dma_wait3A_126, %dma_wait3A_130] : memref<1x2x128xi32, #tpu.memory_space<vmem>> -> memref<1x1x64xi32, #tpu.memory_space<vmem>>
      %dma_wait3A_132 = tpu.memref_squeeze %dma_wait3A_131 : memref<1x1x64xi32, #tpu.memory_space<vmem>> -> memref<64xi32, #tpu.memory_space<vmem>>
      %dma_wait3A_133 = arith.constant 0 : i32
      %dma_wait3A_134 = arith.constant 0 : i32
      %dma_wait3A_135 = tpu.memref_slice %arg4[%dma_wait3A_133, %dma_wait3A_134] : memref<10000x128xf32, #tpu.memory_space<hbm>> -> memref<10000x128xf32, #tpu.memory_space<hbm>>
      tpu.wait_indirect_dma semaphore(%arg14 : memref<!tpu.dma_semaphore, #tpu.memory_space<semaphore_mem>>) src(%dma_wait3A_135 : memref<10000x128xf32, #tpu.memory_space<hbm>>) dst(%dma_wait3A_129 : memref<64x128xf32, #tpu.memory_space<vmem>>)
      %scan3A_136 = arith.constant 0 : i32
      %scan3A_137 = arith.constant 128 : i32
      %scan3A_138 = arith.addi %scan3A_136, %scan3A_137 : i32
      %scan3A_139 = arith.constant 1 : i32
      scf.for %scan3A_202 = %scan3A_136 to %scan3A_138 step %scan3A_139  : i32 {
        %mul3A_203 = arith.constant 1 : i32
        %mul3A_204 = arith.muli %scan3A_202, %mul3A_203 : i32
        %add3A_205 = arith.constant 0 : i32
        %add3A_206 = arith.addi %add3A_205, %mul3A_204 : i32
        %get3A = arith.index_cast %add3A_206 : i32 to index
        %get3A_207 = arith.constant 0 : index
        %get3A_208 = tpu.vector_load %arg10[%get3A, %get3A_207] {strides = array<i32>} : memref<128x128xf32, #tpu.memory_space<vmem>>, vector<16xf32>,
        %get3A_209 = arith.index_cast %add3A_206 : i32 to index
        %get3A_210 = arith.constant 0 : index
        %get3A_211 = tpu.vector_load %arg9[%get3A_209, %get3A_210] {strides = array<i32>} : memref<128x128xf32, #tpu.memory_space<vmem>>, vector<16xf32>,
        %mul3A_212 = arith.mulf %get3A_208, %get3A_211 : vector<16xf32>
        %swap3A = arith.index_cast %add3A_206 : i32 to index
        %swap3A_213 = arith.constant 0 : index
        %swap3A_214 = tpu.vector_load %arg10[%swap3A, %swap3A_213] {strides = array<i32>} : memref<128x128xf32, #tpu.memory_space<vmem>>, vector<16xf32>,
        tpu.vector_store %arg10[%swap3A, %swap3A_213], %mul3A_212 {strides = array<i32>} : memref<128x128xf32, #tpu.memory_space<vmem>>, vector<16xf32>,
        %get3A_215 = arith.index_cast %add3A_206 : i32 to index
        %get3A_216 = arith.constant 16 : index
        %get3A_217 = tpu.vector_load %arg10[%get3A_215, %get3A_216] {strides = array<i32>} : memref<128x128xf32, #tpu.memory_space<vmem>>, vector<16xf32>,
        %get3A_218 = arith.index_cast %add3A_206 : i32 to index
        %get3A_219 = arith.constant 16 : index
        %get3A_220 = tpu.vector_load %arg9[%get3A_218, %get3A_219] {strides = array<i32>} : memref<128x128xf32, #tpu.memory_space<vmem>>, vector<16xf32>,
        %mul3A_221 = arith.mulf %get3A_217, %get3A_220 : vector<16xf32>
        %swap3A_222 = arith.index_cast %add3A_206 : i32 to index
        %swap3A_223 = arith.constant 16 : index
        %swap3A_224 = tpu.vector_load %arg10[%swap3A_222, %swap3A_223] {strides = array<i32>} : memref<128x128xf32, #tpu.memory_space<vmem>>, vector<16xf32>,
        tpu.vector_store %arg10[%swap3A_222, %swap3A_223], %mul3A_221 {strides = array<i32>} : memref<128x128xf32, #tpu.memory_space<vmem>>, vector<16xf32>,
        %get3A_225 = arith.index_cast %add3A_206 : i32 to index
        %get3A_226 = arith.constant 32 : index
        %get3A_227 = tpu.vector_load %arg10[%get3A_225, %get3A_226] {strides = array<i32>} : memref<128x128xf32, #tpu.memory_space<vmem>>, vector<16xf32>,
        %get3A_228 = arith.index_cast %add3A_206 : i32 to index
        %get3A_229 = arith.constant 32 : index
        %get3A_230 = tpu.vector_load %arg9[%get3A_228, %get3A_229] {strides = array<i32>} : memref<128x128xf32, #tpu.memory_space<vmem>>, vector<16xf32>,
        %mul3A_231 = arith.mulf %get3A_227, %get3A_230 : vector<16xf32>
        %swap3A_232 = arith.index_cast %add3A_206 : i32 to index
        %swap3A_233 = arith.constant 32 : index
        %swap3A_234 = tpu.vector_load %arg10[%swap3A_232, %swap3A_233] {strides = array<i32>} : memref<128x128xf32, #tpu.memory_space<vmem>>, vector<16xf32>,
        tpu.vector_store %arg10[%swap3A_232, %swap3A_233], %mul3A_231 {strides = array<i32>} : memref<128x128xf32, #tpu.memory_space<vmem>>, vector<16xf32>,
        %get3A_235 = arith.index_cast %add3A_206 : i32 to index
        %get3A_236 = arith.constant 48 : index
        %get3A_237 = tpu.vector_load %arg10[%get3A_235, %get3A_236] {strides = array<i32>} : memref<128x128xf32, #tpu.memory_space<vmem>>, vector<16xf32>,
        %get3A_238 = arith.index_cast %add3A_206 : i32 to index
        %get3A_239 = arith.constant 48 : index
        %get3A_240 = tpu.vector_load %arg9[%get3A_238, %get3A_239] {strides = array<i32>} : memref<128x128xf32, #tpu.memory_space<vmem>>, vector<16xf32>,
        %mul3A_241 = arith.mulf %get3A_237, %get3A_240 : vector<16xf32>
        %swap3A_242 = arith.index_cast %add3A_206 : i32 to index
        %swap3A_243 = arith.constant 48 : index
        %swap3A_244 = tpu.vector_load %arg10[%swap3A_242, %swap3A_243] {strides = array<i32>} : memref<128x128xf32, #tpu.memory_space<vmem>>, vector<16xf32>,
        tpu.vector_store %arg10[%swap3A_242, %swap3A_243], %mul3A_241 {strides = array<i32>} : memref<128x128xf32, #tpu.memory_space<vmem>>, vector<16xf32>,
        %get3A_245 = arith.index_cast %add3A_206 : i32 to index
        %get3A_246 = arith.constant 64 : index
        %get3A_247 = tpu.vector_load %arg10[%get3A_245, %get3A_246] {strides = array<i32>} : memref<128x128xf32, #tpu.memory_space<vmem>>, vector<16xf32>,
        %get3A_248 = arith.index_cast %add3A_206 : i32 to index
        %get3A_249 = arith.constant 64 : index
        %get3A_250 = tpu.vector_load %arg9[%get3A_248, %get3A_249] {strides = array<i32>} : memref<128x128xf32, #tpu.memory_space<vmem>>, vector<16xf32>,
        %mul3A_251 = arith.mulf %get3A_247, %get3A_250 : vector<16xf32>
        %swap3A_252 = arith.index_cast %add3A_206 : i32 to index
        %swap3A_253 = arith.constant 64 : index
        %swap3A_254 = tpu.vector_load %arg10[%swap3A_252, %swap3A_253] {strides = array<i32>} : memref<128x128xf32, #tpu.memory_space<vmem>>, vector<16xf32>,
        tpu.vector_store %arg10[%swap3A_252, %swap3A_253], %mul3A_251 {strides = array<i32>} : memref<128x128xf32, #tpu.memory_space<vmem>>, vector<16xf32>,
        %get3A_255 = arith.index_cast %add3A_206 : i32 to index
        %get3A_256 = arith.constant 80 : index
        %get3A_257 = tpu.vector_load %arg10[%get3A_255, %get3A_256] {strides = array<i32>} : memref<128x128xf32, #tpu.memory_space<vmem>>, vector<16xf32>,
        %get3A_258 = arith.index_cast %add3A_206 : i32 to index
        %get3A_259 = arith.constant 80 : index
        %get3A_260 = tpu.vector_load %arg9[%get3A_258, %get3A_259] {strides = array<i32>} : memref<128x128xf32, #tpu.memory_space<vmem>>, vector<16xf32>,
        %mul3A_261 = arith.mulf %get3A_257, %get3A_260 : vector<16xf32>
        %swap3A_262 = arith.index_cast %add3A_206 : i32 to index
        %swap3A_263 = arith.constant 80 : index
        %swap3A_264 = tpu.vector_load %arg10[%swap3A_262, %swap3A_263] {strides = array<i32>} : memref<128x128xf32, #tpu.memory_space<vmem>>, vector<16xf32>,
        tpu.vector_store %arg10[%swap3A_262, %swap3A_263], %mul3A_261 {strides = array<i32>} : memref<128x128xf32, #tpu.memory_space<vmem>>, vector<16xf32>,
        %get3A_265 = arith.index_cast %add3A_206 : i32 to index
        %get3A_266 = arith.constant 96 : index
        %get3A_267 = tpu.vector_load %arg10[%get3A_265, %get3A_266] {strides = array<i32>} : memref<128x128xf32, #tpu.memory_space<vmem>>, vector<16xf32>,
        %get3A_268 = arith.index_cast %add3A_206 : i32 to index
        %get3A_269 = arith.constant 96 : index
        %get3A_270 = tpu.vector_load %arg9[%get3A_268, %get3A_269] {strides = array<i32>} : memref<128x128xf32, #tpu.memory_space<vmem>>, vector<16xf32>,
        %mul3A_271 = arith.mulf %get3A_267, %get3A_270 : vector<16xf32>
        %swap3A_272 = arith.index_cast %add3A_206 : i32 to index
        %swap3A_273 = arith.constant 96 : index
        %swap3A_274 = tpu.vector_load %arg10[%swap3A_272, %swap3A_273] {strides = array<i32>} : memref<128x128xf32, #tpu.memory_space<vmem>>, vector<16xf32>,
        tpu.vector_store %arg10[%swap3A_272, %swap3A_273], %mul3A_271 {strides = array<i32>} : memref<128x128xf32, #tpu.memory_space<vmem>>, vector<16xf32>,
        %get3A_275 = arith.index_cast %add3A_206 : i32 to index
        %get3A_276 = arith.constant 112 : index
        %get3A_277 = tpu.vector_load %arg10[%get3A_275, %get3A_276] {strides = array<i32>} : memref<128x128xf32, #tpu.memory_space<vmem>>, vector<16xf32>,
        %get3A_278 = arith.index_cast %add3A_206 : i32 to index
        %get3A_279 = arith.constant 112 : index
        %get3A_280 = tpu.vector_load %arg9[%get3A_278, %get3A_279] {strides = array<i32>} : memref<128x128xf32, #tpu.memory_space<vmem>>, vector<16xf32>,
        %mul3A_281 = arith.mulf %get3A_277, %get3A_280 : vector<16xf32>
        %swap3A_282 = arith.index_cast %add3A_206 : i32 to index
        %swap3A_283 = arith.constant 112 : index
        %swap3A_284 = tpu.vector_load %arg10[%swap3A_282, %swap3A_283] {strides = array<i32>} : memref<128x128xf32, #tpu.memory_space<vmem>>, vector<16xf32>,
        tpu.vector_store %arg10[%swap3A_282, %swap3A_283], %mul3A_281 {strides = array<i32>} : memref<128x128xf32, #tpu.memory_space<vmem>>, vector<16xf32>,
      }
      %scan3A_140 = arith.constant 128 : i32
      %add3A_141 = arith.constant 1 : i32
      %add3A_142 = arith.addi %add3A_73, %add3A_141 : i32
      %add3A_143 = arith.addi %mul3A_2, %add3A_142 : i32
      %mul3A_144 = arith.constant 128 : i32
      %mul3A_145 = arith.muli %add3A_143, %mul3A_144 : i32
      %dma_start3A_146 = arith.constant 0 : i32
      %dma_start3A_147 = tpu.memref_slice %arg2[%mul3A_145, %dma_start3A_146] : memref<163840x128xf32, #tpu.memory_space<hbm>> -> memref<128x128xf32, #tpu.memory_space<hbm>>
      %dma_start3A_148 = arith.constant 0 : i32
      %dma_start3A_149 = tpu.memref_slice %arg2[%mul3A_145, %dma_start3A_148] : memref<163840x128xf32, #tpu.memory_space<hbm>> -> memref<128x128xf32, #tpu.memory_space<hbm>>
      tpu.enqueue_dma source(%dma_start3A_149 : memref<128x128xf32, #tpu.memory_space<hbm>>) target(%arg9 : memref<128x128xf32, #tpu.memory_space<vmem>>) target_semaphore(%arg13 : memref<!tpu.dma_semaphore, #tpu.memory_space<semaphore_mem>>)
      %run_scoped3A = arith.constant 0 : i32
      %run_scoped3A_150 = arith.constant 1 : i32
      "tpu.region"() ({
        %run_scoped3A_202 = tpu.sem_alloc : memref<!tpu.dma_semaphore, #tpu.memory_space<semaphore_mem>>
        %dma_start3A_203 = arith.constant 0 : i32
        %dma_start3A_204 = tpu.memref_slice %arg7[%run_scoped3A, %run_scoped3A_150, %dma_start3A_203] : memref<1x2x128xi32, #tpu.memory_space<vmem>> -> memref<1x1x128xi32, #tpu.memory_space<vmem>>
        %dma_start3A_205 = tpu.memref_squeeze %dma_start3A_204 : memref<1x1x128xi32, #tpu.memory_space<vmem>> -> memref<128xi32, #tpu.memory_space<vmem>>
        %dma_start3A_206 = arith.constant 0 : i32
        %dma_start3A_207 = arith.constant 0 : i32
        %dma_start3A_208 = tpu.memref_slice %arg12[%dma_start3A_206, %dma_start3A_207] : memref<10112x128xf32, #tpu.memory_space<vmem_shared>> -> memref<10112x128xf32, #tpu.memory_space<vmem_shared>>
        tpu.enqueue_indirect_dma source(%arg10 : memref<128x128xf32, #tpu.memory_space<vmem>>) target(%dma_start3A_208 : memref<10112x128xf32, #tpu.memory_space<vmem_shared>>) offsets(%dma_start3A_205 : memref<128xi32, #tpu.memory_space<vmem>>) semaphore(%run_scoped3A_202 : memref<!tpu.dma_semaphore, #tpu.memory_space<semaphore_mem>>) {add = true}
        %dma_wait3A_209 = arith.constant 0 : i32
        %dma_wait3A_210 = tpu.memref_slice %arg7[%run_scoped3A, %run_scoped3A_150, %dma_wait3A_209] : memref<1x2x128xi32, #tpu.memory_space<vmem>> -> memref<1x1x128xi32, #tpu.memory_space<vmem>>
        %dma_wait3A_211 = tpu.memref_squeeze %dma_wait3A_210 : memref<1x1x128xi32, #tpu.memory_space<vmem>> -> memref<128xi32, #tpu.memory_space<vmem>>
        %dma_wait3A_212 = arith.constant 0 : i32
        %dma_wait3A_213 = arith.constant 0 : i32
        %dma_wait3A_214 = tpu.memref_slice %arg12[%dma_wait3A_212, %dma_wait3A_213] : memref<10112x128xf32, #tpu.memory_space<vmem_shared>> -> memref<10112x128xf32, #tpu.memory_space<vmem_shared>>
        tpu.wait_indirect_dma semaphore(%run_scoped3A_202 : memref<!tpu.dma_semaphore, #tpu.memory_space<semaphore_mem>>) src(%arg10 : memref<128x128xf32, #tpu.memory_space<vmem>>) dst(%dma_wait3A_214 : memref<10112x128xf32, #tpu.memory_space<vmem_shared>>)
        tpu.yield
      }) : () -> ()
      %add3A_151 = arith.constant 2 : i32
      %add3A_152 = arith.addi %add3A_73, %add3A_151 : i32
      %lt3A = arith.constant 40 : i32
      %lt3A_153 = arith.cmpi slt, %add3A_152, %lt3A : i32
      %convert_element_type3A = arith.extui %lt3A_153 : i1 to i32
      %cond3A = arith.constant 0 : i32
      %cond3A_154 = arith.cmpi ne, %convert_element_type3A, %cond3A : i32
      scf.if %cond3A_154 {
        %add3A_202 = arith.constant 2 : i32
        %add3A_203 = arith.addi %add3A_73, %add3A_202 : i32
        %add3A_204 = arith.addi %mul3A_2, %add3A_203 : i32
        %dma_start3A_205 = arith.constant 0 : i32
        %dma_start3A_206 = arith.constant 0 : i32
        %dma_start3A_207 = tpu.memref_slice %arg3[%add3A_204, %dma_start3A_205, %dma_start3A_206] : memref<1280x2x128xi32, #tpu.memory_space<hbm>> -> memref<1x2x128xi32, #tpu.memory_space<hbm>>
        %dma_start3A_208 = arith.constant 0 : i32
        %dma_start3A_209 = arith.constant 0 : i32
        %dma_start3A_210 = tpu.memref_slice %arg3[%add3A_204, %dma_start3A_208, %dma_start3A_209] : memref<1280x2x128xi32, #tpu.memory_space<hbm>> -> memref<1x2x128xi32, #tpu.memory_space<hbm>>
        tpu.enqueue_dma source(%dma_start3A_210 : memref<1x2x128xi32, #tpu.memory_space<hbm>>) target(%arg7 : memref<1x2x128xi32, #tpu.memory_space<vmem>>) target_semaphore(%arg16 : memref<!tpu.dma_semaphore, #tpu.memory_space<semaphore_mem>>)
      } else {
      }
      %add3A_155 = arith.constant 1 : i32
      %add3A_156 = arith.addi %add3A_73, %add3A_155 : i32
      %add3A_157 = arith.addi %mul3A_2, %add3A_156 : i32
      %mul3A_158 = arith.constant 128 : i32
      %mul3A_159 = arith.muli %add3A_157, %mul3A_158 : i32
      %dma_wait3A_160 = arith.constant 0 : i32
      %dma_wait3A_161 = tpu.memref_slice %arg2[%mul3A_159, %dma_wait3A_160] : memref<163840x128xf32, #tpu.memory_space<hbm>> -> memref<128x128xf32, #tpu.memory_space<hbm>>
      %dma_wait3A_162 = arith.constant 0 : i32
      %dma_wait3A_163 = tpu.memref_slice %arg2[%mul3A_159, %dma_wait3A_162] : memref<163840x128xf32, #tpu.memory_space<hbm>> -> memref<128x128xf32, #tpu.memory_space<hbm>>
      tpu.wait_dma2 semaphore(%arg13 : memref<!tpu.dma_semaphore, #tpu.memory_space<semaphore_mem>>) src(%dma_wait3A_163 : memref<128x128xf32, #tpu.memory_space<hbm>>) dst(%arg9 : memref<128x128xf32, #tpu.memory_space<vmem>>)
      %add3A_164 = arith.constant 1 : i32
      %add3A_165 = arith.addi %add3A_73, %add3A_164 : i32
      %dma_wait3A_166 = arith.constant 0 : i32
      %dma_wait3A_167 = arith.constant 0 : i32
      %dma_wait3A_168 = arith.constant 0 : i32
      %dma_wait3A_169 = arith.constant 0 : i32
      %dma_wait3A_170 = tpu.memref_slice %arg11[%dma_wait3A_168, %dma_wait3A_169] : memref<128x128xf32, #tpu.memory_space<vmem>> -> memref<64x128xf32, #tpu.memory_space<vmem>>
      %dma_wait3A_171 = arith.constant 0 : i32
      %dma_wait3A_172 = tpu.memref_slice %arg8[%dma_wait3A_166, %dma_wait3A_167, %dma_wait3A_171] : memref<1x2x128xi32, #tpu.memory_space<vmem>> -> memref<1x1x64xi32, #tpu.memory_space<vmem>>
      %dma_wait3A_173 = tpu.memref_squeeze %dma_wait3A_172 : memref<1x1x64xi32, #tpu.memory_space<vmem>> -> memref<64xi32, #tpu.memory_space<vmem>>
      %dma_wait3A_174 = arith.constant 0 : i32
      %dma_wait3A_175 = arith.constant 0 : i32
      %dma_wait3A_176 = tpu.memref_slice %arg4[%dma_wait3A_174, %dma_wait3A_175] : memref<10000x128xf32, #tpu.memory_space<hbm>> -> memref<10000x128xf32, #tpu.memory_space<hbm>>
      tpu.wait_indirect_dma semaphore(%arg15 : memref<!tpu.dma_semaphore, #tpu.memory_space<semaphore_mem>>) src(%dma_wait3A_176 : memref<10000x128xf32, #tpu.memory_space<hbm>>) dst(%dma_wait3A_170 : memref<64x128xf32, #tpu.memory_space<vmem>>)
      %dma_wait3A_177 = arith.constant 0 : i32
      %dma_wait3A_178 = arith.constant 0 : i32
      %dma_wait3A_179 = arith.constant 64 : i32
      %dma_wait3A_180 = arith.constant 0 : i32
      %dma_wait3A_181 = tpu.memref_slice %arg11[%dma_wait3A_179, %dma_wait3A_180] : memref<128x128xf32, #tpu.memory_space<vmem>> -> memref<64x128xf32, #tpu.memory_space<vmem>>
      %dma_wait3A_182 = arith.constant 64 : i32
      %dma_wait3A_183 = tpu.memref_slice %arg8[%dma_wait3A_177, %dma_wait3A_178, %dma_wait3A_182] : memref<1x2x128xi32, #tpu.memory_space<vmem>> -> memref<1x1x64xi32, #tpu.memory_space<vmem>>
      %dma_wait3A_184 = tpu.memref_squeeze %dma_wait3A_183 : memref<1x1x64xi32, #tpu.memory_space<vmem>> -> memref<64xi32, #tpu.memory_space<vmem>>
      %dma_wait3A_185 = arith.constant 0 : i32
      %dma_wait3A_186 = arith.constant 0 : i32
      %dma_wait3A_187 = tpu.memref_slice %arg4[%dma_wait3A_185, %dma_wait3A_186] : memref<10000x128xf32, #tpu.memory_space<hbm>> -> memref<10000x128xf32, #tpu.memory_space<hbm>>
      tpu.wait_indirect_dma semaphore(%arg15 : memref<!tpu.dma_semaphore, #tpu.memory_space<semaphore_mem>>) src(%dma_wait3A_187 : memref<10000x128xf32, #tpu.memory_space<hbm>>) dst(%dma_wait3A_181 : memref<64x128xf32, #tpu.memory_space<vmem>>)
      %scan3A_188 = arith.constant 0 : i32
      %scan3A_189 = arith.constant 128 : i32
      %scan3A_190 = arith.addi %scan3A_188, %scan3A_189 : i32
      %scan3A_191 = arith.constant 1 : i32
      scf.for %scan3A_202 = %scan3A_188 to %scan3A_190 step %scan3A_191  : i32 {
        %mul3A_203 = arith.constant 1 : i32
        %mul3A_204 = arith.muli %scan3A_202, %mul3A_203 : i32
        %add3A_205 = arith.constant 0 : i32
        %add3A_206 = arith.addi %add3A_205, %mul3A_204 : i32
        %get3A = arith.index_cast %add3A_206 : i32 to index
        %get3A_207 = arith.constant 0 : index
        %get3A_208 = tpu.vector_load %arg11[%get3A, %get3A_207] {strides = array<i32>} : memref<128x128xf32, #tpu.memory_space<vmem>>, vector<16xf32>,
        %get3A_209 = arith.index_cast %add3A_206 : i32 to index
        %get3A_210 = arith.constant 0 : index
        %get3A_211 = tpu.vector_load %arg9[%get3A_209, %get3A_210] {strides = array<i32>} : memref<128x128xf32, #tpu.memory_space<vmem>>, vector<16xf32>,
        %mul3A_212 = arith.mulf %get3A_208, %get3A_211 : vector<16xf32>
        %swap3A = arith.index_cast %add3A_206 : i32 to index
        %swap3A_213 = arith.constant 0 : index
        %swap3A_214 = tpu.vector_load %arg11[%swap3A, %swap3A_213] {strides = array<i32>} : memref<128x128xf32, #tpu.memory_space<vmem>>, vector<16xf32>,
        tpu.vector_store %arg11[%swap3A, %swap3A_213], %mul3A_212 {strides = array<i32>} : memref<128x128xf32, #tpu.memory_space<vmem>>, vector<16xf32>,
        %get3A_215 = arith.index_cast %add3A_206 : i32 to index
        %get3A_216 = arith.constant 16 : index
        %get3A_217 = tpu.vector_load %arg11[%get3A_215, %get3A_216] {strides = array<i32>} : memref<128x128xf32, #tpu.memory_space<vmem>>, vector<16xf32>,
        %get3A_218 = arith.index_cast %add3A_206 : i32 to index
        %get3A_219 = arith.constant 16 : index
        %get3A_220 = tpu.vector_load %arg9[%get3A_218, %get3A_219] {strides = array<i32>} : memref<128x128xf32, #tpu.memory_space<vmem>>, vector<16xf32>,
        %mul3A_221 = arith.mulf %get3A_217, %get3A_220 : vector<16xf32>
        %swap3A_222 = arith.index_cast %add3A_206 : i32 to index
        %swap3A_223 = arith.constant 16 : index
        %swap3A_224 = tpu.vector_load %arg11[%swap3A_222, %swap3A_223] {strides = array<i32>} : memref<128x128xf32, #tpu.memory_space<vmem>>, vector<16xf32>,
        tpu.vector_store %arg11[%swap3A_222, %swap3A_223], %mul3A_221 {strides = array<i32>} : memref<128x128xf32, #tpu.memory_space<vmem>>, vector<16xf32>,
        %get3A_225 = arith.index_cast %add3A_206 : i32 to index
        %get3A_226 = arith.constant 32 : index
        %get3A_227 = tpu.vector_load %arg11[%get3A_225, %get3A_226] {strides = array<i32>} : memref<128x128xf32, #tpu.memory_space<vmem>>, vector<16xf32>,
        %get3A_228 = arith.index_cast %add3A_206 : i32 to index
        %get3A_229 = arith.constant 32 : index
        %get3A_230 = tpu.vector_load %arg9[%get3A_228, %get3A_229] {strides = array<i32>} : memref<128x128xf32, #tpu.memory_space<vmem>>, vector<16xf32>,
        %mul3A_231 = arith.mulf %get3A_227, %get3A_230 : vector<16xf32>
        %swap3A_232 = arith.index_cast %add3A_206 : i32 to index
        %swap3A_233 = arith.constant 32 : index
        %swap3A_234 = tpu.vector_load %arg11[%swap3A_232, %swap3A_233] {strides = array<i32>} : memref<128x128xf32, #tpu.memory_space<vmem>>, vector<16xf32>,
        tpu.vector_store %arg11[%swap3A_232, %swap3A_233], %mul3A_231 {strides = array<i32>} : memref<128x128xf32, #tpu.memory_space<vmem>>, vector<16xf32>,
        %get3A_235 = arith.index_cast %add3A_206 : i32 to index
        %get3A_236 = arith.constant 48 : index
        %get3A_237 = tpu.vector_load %arg11[%get3A_235, %get3A_236] {strides = array<i32>} : memref<128x128xf32, #tpu.memory_space<vmem>>, vector<16xf32>,
        %get3A_238 = arith.index_cast %add3A_206 : i32 to index
        %get3A_239 = arith.constant 48 : index
        %get3A_240 = tpu.vector_load %arg9[%get3A_238, %get3A_239] {strides = array<i32>} : memref<128x128xf32, #tpu.memory_space<vmem>>, vector<16xf32>,
        %mul3A_241 = arith.mulf %get3A_237, %get3A_240 : vector<16xf32>
        %swap3A_242 = arith.index_cast %add3A_206 : i32 to index
        %swap3A_243 = arith.constant 48 : index
        %swap3A_244 = tpu.vector_load %arg11[%swap3A_242, %swap3A_243] {strides = array<i32>} : memref<128x128xf32, #tpu.memory_space<vmem>>, vector<16xf32>,
        tpu.vector_store %arg11[%swap3A_242, %swap3A_243], %mul3A_241 {strides = array<i32>} : memref<128x128xf32, #tpu.memory_space<vmem>>, vector<16xf32>,
        %get3A_245 = arith.index_cast %add3A_206 : i32 to index
        %get3A_246 = arith.constant 64 : index
        %get3A_247 = tpu.vector_load %arg11[%get3A_245, %get3A_246] {strides = array<i32>} : memref<128x128xf32, #tpu.memory_space<vmem>>, vector<16xf32>,
        %get3A_248 = arith.index_cast %add3A_206 : i32 to index
        %get3A_249 = arith.constant 64 : index
        %get3A_250 = tpu.vector_load %arg9[%get3A_248, %get3A_249] {strides = array<i32>} : memref<128x128xf32, #tpu.memory_space<vmem>>, vector<16xf32>,
        %mul3A_251 = arith.mulf %get3A_247, %get3A_250 : vector<16xf32>
        %swap3A_252 = arith.index_cast %add3A_206 : i32 to index
        %swap3A_253 = arith.constant 64 : index
        %swap3A_254 = tpu.vector_load %arg11[%swap3A_252, %swap3A_253] {strides = array<i32>} : memref<128x128xf32, #tpu.memory_space<vmem>>, vector<16xf32>,
        tpu.vector_store %arg11[%swap3A_252, %swap3A_253], %mul3A_251 {strides = array<i32>} : memref<128x128xf32, #tpu.memory_space<vmem>>, vector<16xf32>,
        %get3A_255 = arith.index_cast %add3A_206 : i32 to index
        %get3A_256 = arith.constant 80 : index
        %get3A_257 = tpu.vector_load %arg11[%get3A_255, %get3A_256] {strides = array<i32>} : memref<128x128xf32, #tpu.memory_space<vmem>>, vector<16xf32>,
        %get3A_258 = arith.index_cast %add3A_206 : i32 to index
        %get3A_259 = arith.constant 80 : index
        %get3A_260 = tpu.vector_load %arg9[%get3A_258, %get3A_259] {strides = array<i32>} : memref<128x128xf32, #tpu.memory_space<vmem>>, vector<16xf32>,
        %mul3A_261 = arith.mulf %get3A_257, %get3A_260 : vector<16xf32>
        %swap3A_262 = arith.index_cast %add3A_206 : i32 to index
        %swap3A_263 = arith.constant 80 : index
        %swap3A_264 = tpu.vector_load %arg11[%swap3A_262, %swap3A_263] {strides = array<i32>} : memref<128x128xf32, #tpu.memory_space<vmem>>, vector<16xf32>,
        tpu.vector_store %arg11[%swap3A_262, %swap3A_263], %mul3A_261 {strides = array<i32>} : memref<128x128xf32, #tpu.memory_space<vmem>>, vector<16xf32>,
        %get3A_265 = arith.index_cast %add3A_206 : i32 to index
        %get3A_266 = arith.constant 96 : index
        %get3A_267 = tpu.vector_load %arg11[%get3A_265, %get3A_266] {strides = array<i32>} : memref<128x128xf32, #tpu.memory_space<vmem>>, vector<16xf32>,
        %get3A_268 = arith.index_cast %add3A_206 : i32 to index
        %get3A_269 = arith.constant 96 : index
        %get3A_270 = tpu.vector_load %arg9[%get3A_268, %get3A_269] {strides = array<i32>} : memref<128x128xf32, #tpu.memory_space<vmem>>, vector<16xf32>,
        %mul3A_271 = arith.mulf %get3A_267, %get3A_270 : vector<16xf32>
        %swap3A_272 = arith.index_cast %add3A_206 : i32 to index
        %swap3A_273 = arith.constant 96 : index
        %swap3A_274 = tpu.vector_load %arg11[%swap3A_272, %swap3A_273] {strides = array<i32>} : memref<128x128xf32, #tpu.memory_space<vmem>>, vector<16xf32>,
        tpu.vector_store %arg11[%swap3A_272, %swap3A_273], %mul3A_271 {strides = array<i32>} : memref<128x128xf32, #tpu.memory_space<vmem>>, vector<16xf32>,
        %get3A_275 = arith.index_cast %add3A_206 : i32 to index
        %get3A_276 = arith.constant 112 : index
        %get3A_277 = tpu.vector_load %arg11[%get3A_275, %get3A_276] {strides = array<i32>} : memref<128x128xf32, #tpu.memory_space<vmem>>, vector<16xf32>,
        %get3A_278 = arith.index_cast %add3A_206 : i32 to index
        %get3A_279 = arith.constant 112 : index
        %get3A_280 = tpu.vector_load %arg9[%get3A_278, %get3A_279] {strides = array<i32>} : memref<128x128xf32, #tpu.memory_space<vmem>>, vector<16xf32>,
        %mul3A_281 = arith.mulf %get3A_277, %get3A_280 : vector<16xf32>
        %swap3A_282 = arith.index_cast %add3A_206 : i32 to index
        %swap3A_283 = arith.constant 112 : index
        %swap3A_284 = tpu.vector_load %arg11[%swap3A_282, %swap3A_283] {strides = array<i32>} : memref<128x128xf32, #tpu.memory_space<vmem>>, vector<16xf32>,
        tpu.vector_store %arg11[%swap3A_282, %swap3A_283], %mul3A_281 {strides = array<i32>} : memref<128x128xf32, #tpu.memory_space<vmem>>, vector<16xf32>,
      }
      %scan3A_192 = arith.constant 128 : i32
      %run_scoped3A_193 = arith.constant 0 : i32
      %run_scoped3A_194 = arith.constant 1 : i32
      "tpu.region"() ({
        %run_scoped3A_202 = tpu.sem_alloc : memref<!tpu.dma_semaphore, #tpu.memory_space<semaphore_mem>>
        %dma_start3A_203 = arith.constant 0 : i32
        %dma_start3A_204 = tpu.memref_slice %arg8[%run_scoped3A_193, %run_scoped3A_194, %dma_start3A_203] : memref<1x2x128xi32, #tpu.memory_space<vmem>> -> memref<1x1x128xi32, #tpu.memory_space<vmem>>
        %dma_start3A_205 = tpu.memref_squeeze %dma_start3A_204 : memref<1x1x128xi32, #tpu.memory_space<vmem>> -> memref<128xi32, #tpu.memory_space<vmem>>
        %dma_start3A_206 = arith.constant 0 : i32
        %dma_start3A_207 = arith.constant 0 : i32
        %dma_start3A_208 = tpu.memref_slice %arg12[%dma_start3A_206, %dma_start3A_207] : memref<10112x128xf32, #tpu.memory_space<vmem_shared>> -> memref<10112x128xf32, #tpu.memory_space<vmem_shared>>
        tpu.enqueue_indirect_dma source(%arg11 : memref<128x128xf32, #tpu.memory_space<vmem>>) target(%dma_start3A_208 : memref<10112x128xf32, #tpu.memory_space<vmem_shared>>) offsets(%dma_start3A_205 : memref<128xi32, #tpu.memory_space<vmem>>) semaphore(%run_scoped3A_202 : memref<!tpu.dma_semaphore, #tpu.memory_space<semaphore_mem>>) {add = true}
        %dma_wait3A_209 = arith.constant 0 : i32
        %dma_wait3A_210 = tpu.memref_slice %arg8[%run_scoped3A_193, %run_scoped3A_194, %dma_wait3A_209] : memref<1x2x128xi32, #tpu.memory_space<vmem>> -> memref<1x1x128xi32, #tpu.memory_space<vmem>>
        %dma_wait3A_211 = tpu.memref_squeeze %dma_wait3A_210 : memref<1x1x128xi32, #tpu.memory_space<vmem>> -> memref<128xi32, #tpu.memory_space<vmem>>
        %dma_wait3A_212 = arith.constant 0 : i32
        %dma_wait3A_213 = arith.constant 0 : i32
        %dma_wait3A_214 = tpu.memref_slice %arg12[%dma_wait3A_212, %dma_wait3A_213] : memref<10112x128xf32, #tpu.memory_space<vmem_shared>> -> memref<10112x128xf32, #tpu.memory_space<vmem_shared>>
        tpu.wait_indirect_dma semaphore(%run_scoped3A_202 : memref<!tpu.dma_semaphore, #tpu.memory_space<semaphore_mem>>) src(%arg11 : memref<128x128xf32, #tpu.memory_space<vmem>>) dst(%dma_wait3A_214 : memref<10112x128xf32, #tpu.memory_space<vmem_shared>>)
        tpu.yield
      }) : () -> ()
      %add3A_195 = arith.constant 2 : i32
      %add3A_196 = arith.addi %add3A_73, %add3A_195 : i32
      %lt3A_197 = arith.constant 40 : i32
      %lt3A_198 = arith.cmpi slt, %add3A_196, %lt3A_197 : i32
      %convert_element_type3A_199 = arith.extui %lt3A_198 : i1 to i32
      %cond3A_200 = arith.constant 0 : i32
      %cond3A_201 = arith.cmpi ne, %convert_element_type3A_199, %cond3A_200 : i32
      scf.if %cond3A_201 {
        %add3A_202 = arith.constant 2 : i32
        %add3A_203 = arith.addi %add3A_73, %add3A_202 : i32
        %add3A_204 = arith.addi %mul3A_2, %add3A_203 : i32
        %dma_wait3A_205 = arith.constant 0 : i32
        %dma_wait3A_206 = arith.constant 0 : i32
        %dma_wait3A_207 = tpu.memref_slice %arg3[%add3A_204, %dma_wait3A_205, %dma_wait3A_206] : memref<1280x2x128xi32, #tpu.memory_space<hbm>> -> memref<1x2x128xi32, #tpu.memory_space<hbm>>
        %dma_wait3A_208 = arith.constant 0 : i32
        %dma_wait3A_209 = arith.constant 0 : i32
        %dma_wait3A_210 = tpu.memref_slice %arg3[%add3A_204, %dma_wait3A_208, %dma_wait3A_209] : memref<1280x2x128xi32, #tpu.memory_space<hbm>> -> memref<1x2x128xi32, #tpu.memory_space<hbm>>
        tpu.wait_dma2 semaphore(%arg16 : memref<!tpu.dma_semaphore, #tpu.memory_space<semaphore_mem>>) src(%dma_wait3A_210 : memref<1x2x128xi32, #tpu.memory_space<hbm>>) dst(%arg7 : memref<1x2x128xi32, #tpu.memory_space<vmem>>)
        %add3A_211 = arith.constant 2 : i32
        %add3A_212 = arith.addi %add3A_73, %add3A_211 : i32
        %dma_start3A_213 = arith.constant 0 : i32
        %dma_start3A_214 = arith.constant 0 : i32
        %dma_start3A_215 = arith.constant 0 : i32
        %dma_start3A_216 = arith.constant 0 : i32
        %dma_start3A_217 = tpu.memref_slice %arg10[%dma_start3A_215, %dma_start3A_216] : memref<128x128xf32, #tpu.memory_space<vmem>> -> memref<64x128xf32, #tpu.memory_space<vmem>>
        %dma_start3A_218 = arith.constant 0 : i32
        %dma_start3A_219 = tpu.memref_slice %arg7[%dma_start3A_213, %dma_start3A_214, %dma_start3A_218] : memref<1x2x128xi32, #tpu.memory_space<vmem>> -> memref<1x1x64xi32, #tpu.memory_space<vmem>>
        %dma_start3A_220 = tpu.memref_squeeze %dma_start3A_219 : memref<1x1x64xi32, #tpu.memory_space<vmem>> -> memref<64xi32, #tpu.memory_space<vmem>>
        %dma_start3A_221 = arith.constant 0 : i32
        %dma_start3A_222 = arith.constant 0 : i32
        %dma_start3A_223 = tpu.memref_slice %arg4[%dma_start3A_221, %dma_start3A_222] : memref<10000x128xf32, #tpu.memory_space<hbm>> -> memref<10000x128xf32, #tpu.memory_space<hbm>>
        tpu.enqueue_indirect_dma source(%dma_start3A_223 : memref<10000x128xf32, #tpu.memory_space<hbm>>) target(%dma_start3A_217 : memref<64x128xf32, #tpu.memory_space<vmem>>) offsets(%dma_start3A_220 : memref<64xi32, #tpu.memory_space<vmem>>) semaphore(%arg14 : memref<!tpu.dma_semaphore, #tpu.memory_space<semaphore_mem>>)
        %dma_start3A_224 = arith.constant 0 : i32
        %dma_start3A_225 = arith.constant 0 : i32
        %dma_start3A_226 = arith.constant 64 : i32
        %dma_start3A_227 = arith.constant 0 : i32
        %dma_start3A_228 = tpu.memref_slice %arg10[%dma_start3A_226, %dma_start3A_227] : memref<128x128xf32, #tpu.memory_space<vmem>> -> memref<64x128xf32, #tpu.memory_space<vmem>>
        %dma_start3A_229 = arith.constant 64 : i32
        %dma_start3A_230 = tpu.memref_slice %arg7[%dma_start3A_224, %dma_start3A_225, %dma_start3A_229] : memref<1x2x128xi32, #tpu.memory_space<vmem>> -> memref<1x1x64xi32, #tpu.memory_space<vmem>>
        %dma_start3A_231 = tpu.memref_squeeze %dma_start3A_230 : memref<1x1x64xi32, #tpu.memory_space<vmem>> -> memref<64xi32, #tpu.memory_space<vmem>>
        %dma_start3A_232 = arith.constant 0 : i32
        %dma_start3A_233 = arith.constant 0 : i32
        %dma_start3A_234 = tpu.memref_slice %arg4[%dma_start3A_232, %dma_start3A_233] : memref<10000x128xf32, #tpu.memory_space<hbm>> -> memref<10000x128xf32, #tpu.memory_space<hbm>>
        tpu.enqueue_indirect_dma source(%dma_start3A_234 : memref<10000x128xf32, #tpu.memory_space<hbm>>) target(%dma_start3A_228 : memref<64x128xf32, #tpu.memory_space<vmem>>) offsets(%dma_start3A_231 : memref<64xi32, #tpu.memory_space<vmem>>) semaphore(%arg14 : memref<!tpu.dma_semaphore, #tpu.memory_space<semaphore_mem>>)
        %add3A_235 = arith.constant 2 : i32
        %add3A_236 = arith.addi %add3A_73, %add3A_235 : i32
        %add3A_237 = arith.addi %mul3A_2, %add3A_236 : i32
        %mul3A_238 = arith.constant 128 : i32
        %mul3A_239 = arith.muli %add3A_237, %mul3A_238 : i32
        %dma_start3A_240 = arith.constant 0 : i32
        %dma_start3A_241 = tpu.memref_slice %arg2[%mul3A_239, %dma_start3A_240] : memref<163840x128xf32, #tpu.memory_space<hbm>> -> memref<128x128xf32, #tpu.memory_space<hbm>>
        %dma_start3A_242 = arith.constant 0 : i32
        %dma_start3A_243 = tpu.memref_slice %arg2[%mul3A_239, %dma_start3A_242] : memref<163840x128xf32, #tpu.memory_space<hbm>> -> memref<128x128xf32, #tpu.memory_space<hbm>>
        tpu.enqueue_dma source(%dma_start3A_243 : memref<128x128xf32, #tpu.memory_space<hbm>>) target(%arg9 : memref<128x128xf32, #tpu.memory_space<vmem>>) target_semaphore(%arg13 : memref<!tpu.dma_semaphore, #tpu.memory_space<semaphore_mem>>)
        %add3A_244 = arith.constant 3 : i32
        %add3A_245 = arith.addi %add3A_73, %add3A_244 : i32
        %add3A_246 = arith.addi %mul3A_2, %add3A_245 : i32
        %dma_start3A_247 = arith.constant 0 : i32
        %dma_start3A_248 = arith.constant 0 : i32
        %dma_start3A_249 = tpu.memref_slice %arg3[%add3A_246, %dma_start3A_247, %dma_start3A_248] : memref<1280x2x128xi32, #tpu.memory_space<hbm>> -> memref<1x2x128xi32, #tpu.memory_space<hbm>>
        %dma_start3A_250 = arith.constant 0 : i32
        %dma_start3A_251 = arith.constant 0 : i32
        %dma_start3A_252 = tpu.memref_slice %arg3[%add3A_246, %dma_start3A_250, %dma_start3A_251] : memref<1280x2x128xi32, #tpu.memory_space<hbm>> -> memref<1x2x128xi32, #tpu.memory_space<hbm>>
        tpu.enqueue_dma source(%dma_start3A_252 : memref<1x2x128xi32, #tpu.memory_space<hbm>>) target(%arg8 : memref<1x2x128xi32, #tpu.memory_space<vmem>>) target_semaphore(%arg17 : memref<!tpu.dma_semaphore, #tpu.memory_space<semaphore_mem>>)
      } else {
      }
    }
    %scan3A_60 = arith.constant 20 : i32
    %barrier3A_61 = arith.constant 0 : index
    tpu.barrier barrier_id(%barrier3A_61)
    %mul3A_62 = arith.constant 632 : i32
    %mul3A_63 = arith.muli %arg1, %mul3A_62 : i32
    %mul3A_64 = arith.constant 10112 : i32
    %mul3A_65 = arith.muli %arg0, %mul3A_64 : i32
    %mul3A_66 = arith.constant 632 : i32
    %mul3A_67 = arith.muli %arg1, %mul3A_66 : i32
    %add3A_68 = arith.addi %mul3A_65, %mul3A_67 : i32
    "tpu.region"() ({
      %run_scoped3A = tpu.sem_alloc : memref<!tpu.dma_semaphore, #tpu.memory_space<semaphore_mem>>
      %dma_start3A_69 = arith.constant 0 : i32
      %dma_start3A_70 = tpu.memref_slice %arg6[%add3A_68, %dma_start3A_69] : memref<20224x128xf32, #tpu.memory_space<hbm>> -> memref<632x128xf32, #tpu.memory_space<hbm>>
      %dma_start3A_71 = arith.constant 0 : i32
      %dma_start3A_72 = tpu.memref_slice %arg12[%mul3A_63, %dma_start3A_71] : memref<10112x128xf32, #tpu.memory_space<vmem_shared>> -> memref<632x128xf32, #tpu.memory_space<vmem_shared>>
      tpu.enqueue_dma source(%dma_start3A_72 : memref<632x128xf32, #tpu.memory_space<vmem_shared>>) target(%dma_start3A_70 : memref<632x128xf32, #tpu.memory_space<hbm>>) target_semaphore(%run_scoped3A : memref<!tpu.dma_semaphore, #tpu.memory_space<semaphore_mem>>)
      %dma_wait3A_73 = arith.constant 0 : i32
      %dma_wait3A_74 = tpu.memref_slice %arg6[%add3A_68, %dma_wait3A_73] : memref<20224x128xf32, #tpu.memory_space<hbm>> -> memref<632x128xf32, #tpu.memory_space<hbm>>
      %dma_wait3A_75 = arith.constant 0 : i32
      %dma_wait3A_76 = tpu.memref_slice %arg12[%mul3A_63, %dma_wait3A_75] : memref<10112x128xf32, #tpu.memory_space<vmem_shared>> -> memref<632x128xf32, #tpu.memory_space<vmem_shared>>
      tpu.wait_dma2 semaphore(%run_scoped3A : memref<!tpu.dma_semaphore, #tpu.memory_space<semaphore_mem>>) src(%dma_wait3A_76 : memref<632x128xf32, #tpu.memory_space<vmem_shared>>) dst(%dma_wait3A_74 : memref<632x128xf32, #tpu.memory_space<hbm>>)
      tpu.yield
    }) : () -> ()
    return
  }
}

module attributes {stable_mosaic.version = 14 : i64} {
  func.func @_edge_mlp_body(%arg0: i32, %arg1: memref<1024x1xf32, #tpu.memory_space<vmem>>, %arg2: memref<1x128xf32, #tpu.memory_space<vmem>>, %arg3: memref<1x128xf32, #tpu.memory_space<vmem>>, %arg4: memref<128x128xf32, #tpu.memory_space<vmem>>, %arg5: memref<1x128xf32, #tpu.memory_space<vmem>>, %arg6: memref<128x256xf32, #tpu.memory_space<vmem>>, %arg7: memref<1x256xf32, #tpu.memory_space<vmem>>, %arg8: memref<1024x128xf32, #tpu.memory_space<vmem>>) attributes {dimension_semantics = [#tpu.dimension_semantics<arbitrary>], iteration_bounds = array<i64: 160>, scalar_prefetch = 0 : i64, scratch_operands = 0 : i64, tpu.core_type = #tpu.core_type<tc>, window_params = [{transform_indices = @transform_0, window_bounds = array<i64: 1024, 1>}, {pipeline_mode = #tpu.pipeline_mode<synchronous>, transform_indices = @transform_1, window_bounds = array<i64: 1, 128>}, {pipeline_mode = #tpu.pipeline_mode<synchronous>, transform_indices = @transform_2, window_bounds = array<i64: 1, 128>}, {pipeline_mode = #tpu.pipeline_mode<synchronous>, transform_indices = @transform_3, window_bounds = array<i64: 128, 128>}, {pipeline_mode = #tpu.pipeline_mode<synchronous>, transform_indices = @transform_4, window_bounds = array<i64: 1, 128>}, {pipeline_mode = #tpu.pipeline_mode<synchronous>, transform_indices = @transform_5, window_bounds = array<i64: 128, 256>}, {pipeline_mode = #tpu.pipeline_mode<synchronous>, transform_indices = @transform_6, window_bounds = array<i64: 1, 256>}, {transform_indices = @transform_7, window_bounds = array<i64: 1024, 128>}]} {
    %get3A = arith.constant 0 : index
    %get3A_0 = arith.constant 0 : index
    %get3A_1 = vector.load %arg1[%get3A, %get3A_0] : memref<1024x1xf32, #tpu.memory_space<vmem>>, vector<1024x1xf32>
    %add3A = arith.constant 9.99999996E-13 : f32
    %add3A_2 = vector.broadcast %add3A : f32 to vector<1024x1xf32>
    %add3A_3 = arith.addf %get3A_1, %add3A_2 : vector<1024x1xf32>
    %sqrt3A = math.sqrt %add3A_3 : vector<1024x1xf32>
    %mul3A = arith.constant -1.44269502 : f32
    %mul3A_4 = vector.broadcast %mul3A : f32 to vector<1024x1xf32>
    %mul3A_5 = arith.mulf %mul3A_4, %sqrt3A : vector<1024x1xf32>
    %max3A = arith.constant -1.260000e+02 : f32
    %max3A_6 = vector.broadcast %max3A : f32 to vector<1024x1xf32>
    %max3A_7 = arith.maximumf %mul3A_5, %max3A_6 : vector<1024x1xf32>
    %add3A_8 = arith.constant 0x4B400000 : f32
    %add3A_9 = vector.broadcast %add3A_8 : f32 to vector<1024x1xf32>
    %add3A_10 = arith.addf %max3A_7, %add3A_9 : vector<1024x1xf32>
    %sub3A = arith.constant 0x4B400000 : f32
    %sub3A_11 = vector.broadcast %sub3A : f32 to vector<1024x1xf32>
    %sub3A_12 = arith.subf %add3A_10, %sub3A_11 : vector<1024x1xf32>
    %sub3A_13 = arith.subf %max3A_7, %sub3A_12 : vector<1024x1xf32>
    %mul3A_14 = arith.constant 0.00961812865 : f32
    %mul3A_15 = vector.broadcast %mul3A_14 : f32 to vector<1024x1xf32>
    %mul3A_16 = arith.mulf %mul3A_15, %sub3A_13 : vector<1024x1xf32>
    %add3A_17 = arith.constant 0.0555041097 : f32
    %add3A_18 = vector.broadcast %add3A_17 : f32 to vector<1024x1xf32>
    %add3A_19 = arith.addf %mul3A_16, %add3A_18 : vector<1024x1xf32>
    %mul3A_20 = arith.mulf %add3A_19, %sub3A_13 : vector<1024x1xf32>
    %add3A_21 = arith.constant 0.240226507 : f32
    %add3A_22 = vector.broadcast %add3A_21 : f32 to vector<1024x1xf32>
    %add3A_23 = arith.addf %mul3A_20, %add3A_22 : vector<1024x1xf32>
    %mul3A_24 = arith.mulf %add3A_23, %sub3A_13 : vector<1024x1xf32>
    %add3A_25 = arith.constant 0.693147182 : f32
    %add3A_26 = vector.broadcast %add3A_25 : f32 to vector<1024x1xf32>
    %add3A_27 = arith.addf %mul3A_24, %add3A_26 : vector<1024x1xf32>
    %mul3A_28 = arith.mulf %add3A_27, %sub3A_13 : vector<1024x1xf32>
    %add3A_29 = arith.constant 1.000000e+00 : f32
    %add3A_30 = vector.broadcast %add3A_29 : f32 to vector<1024x1xf32>
    %add3A_31 = arith.addf %mul3A_28, %add3A_30 : vector<1024x1xf32>
    %bitcast_convert_type3A = tpu.bitcast %add3A_10 : vector<1024x1xf32> -> vector<1024x1xi32>
    %sub3A_32 = arith.constant 1262485377 : i32
    %sub3A_33 = vector.broadcast %sub3A_32 : i32 to vector<1024x1xi32>
    %sub3A_34 = arith.subi %bitcast_convert_type3A, %sub3A_33 : vector<1024x1xi32>
    %shift_left3A = arith.constant 23 : i32
    %shift_left3A_35 = vector.broadcast %shift_left3A : i32 to vector<1024x1xi32>
    %shift_left3A_36 = arith.shli %sub3A_34, %shift_left3A_35 : vector<1024x1xi32>
    %bitcast_convert_type3A_37 = tpu.bitcast %shift_left3A_36 : vector<1024x1xi32> -> vector<1024x1xf32>
    %mul3A_38 = arith.mulf %add3A_31, %bitcast_convert_type3A_37 : vector<1024x1xf32>
    %min3A = arith.constant 5.000000e+00 : f32
    %min3A_39 = vector.broadcast %min3A : f32 to vector<1024x1xf32>
    %min3A_40 = arith.minimumf %sqrt3A, %min3A_39 : vector<1024x1xf32>
    %mul3A_41 = arith.constant 0.628318548 : f32
    %mul3A_42 = vector.broadcast %mul3A_41 : f32 to vector<1024x1xf32>
    %mul3A_43 = arith.mulf %min3A_40, %mul3A_42 : vector<1024x1xf32>
    %sub3A_44 = arith.constant 1.57079637 : f32
    %sub3A_45 = vector.broadcast %sub3A_44 : f32 to vector<1024x1xf32>
    %sub3A_46 = arith.subf %mul3A_43, %sub3A_45 : vector<1024x1xf32>
    %mul3A_47 = arith.mulf %sub3A_46, %sub3A_46 : vector<1024x1xf32>
    %mul3A_48 = arith.constant 2.75573188E-6 : f32
    %mul3A_49 = vector.broadcast %mul3A_48 : f32 to vector<1024x1xf32>
    %mul3A_50 = arith.mulf %mul3A_47, %mul3A_49 : vector<1024x1xf32>
    %sub3A_51 = arith.constant 1.98412701E-4 : f32
    %sub3A_52 = vector.broadcast %sub3A_51 : f32 to vector<1024x1xf32>
    %sub3A_53 = arith.subf %mul3A_50, %sub3A_52 : vector<1024x1xf32>
    %mul3A_54 = arith.mulf %sub3A_53, %mul3A_47 : vector<1024x1xf32>
    %add3A_55 = arith.constant 0.00833333377 : f32
    %add3A_56 = vector.broadcast %add3A_55 : f32 to vector<1024x1xf32>
    %add3A_57 = arith.addf %mul3A_54, %add3A_56 : vector<1024x1xf32>
    %mul3A_58 = arith.mulf %add3A_57, %mul3A_47 : vector<1024x1xf32>
    %sub3A_59 = arith.constant 0.166666672 : f32
    %sub3A_60 = vector.broadcast %sub3A_59 : f32 to vector<1024x1xf32>
    %sub3A_61 = arith.subf %mul3A_58, %sub3A_60 : vector<1024x1xf32>
    %mul3A_62 = arith.mulf %sub3A_61, %mul3A_47 : vector<1024x1xf32>
    %add3A_63 = arith.constant 1.000000e+00 : f32
    %add3A_64 = vector.broadcast %add3A_63 : f32 to vector<1024x1xf32>
    %add3A_65 = arith.addf %mul3A_62, %add3A_64 : vector<1024x1xf32>
    %mul3A_66 = arith.mulf %sub3A_46, %add3A_65 : vector<1024x1xf32>
    %mul3A_67 = arith.constant 5.000000e-01 : f32
    %mul3A_68 = vector.broadcast %mul3A_67 : f32 to vector<1024x1xf32>
    %mul3A_69 = arith.mulf %mul3A_68, %mul3A_66 : vector<1024x1xf32>
    %sub3A_70 = arith.constant 5.000000e-01 : f32
    %sub3A_71 = vector.broadcast %sub3A_70 : f32 to vector<1024x1xf32>
    %sub3A_72 = arith.subf %sub3A_71, %mul3A_69 : vector<1024x1xf32>
    %lt3A = arith.constant 5.000000e+00 : f32
    %lt3A_73 = vector.broadcast %lt3A : f32 to vector<1024x1xf32>
    %lt3A_74 = arith.cmpf olt, %sqrt3A, %lt3A_73 : vector<1024x1xf32>
    %jit3A = arith.constant 0.000000e+00 : f32
    %broadcast_in_dim3A = vector.broadcast %jit3A : f32 to vector<1024x1xf32>
    %select_n3A = arith.select %lt3A_74, %sub3A_72, %broadcast_in_dim3A : vector<1024x1xi1>, vector<1024x1xf32>
    %iota3A = tpu.iota {dimensions = array<i32: 1>} : vector<1x128xi32>
    %lt3A_75 = arith.constant 64 : i32
    %lt3A_76 = vector.broadcast %lt3A_75 : i32 to vector<1x128xi32>
    %lt3A_77 = arith.cmpi slt, %iota3A, %lt3A_76 : vector<1x128xi32>
    %convert_element_type3A = arith.extui %lt3A_77 : vector<1x128xi1> to vector<1x128xi32>
    %convert_element_type3A_78 = arith.sitofp %convert_element_type3A : vector<1x128xi32> to vector<1x128xf32>
    %sub3A_79 = arith.constant 1.000000e+00 : f32
    %sub3A_80 = vector.broadcast %sub3A_79 : f32 to vector<1x128xf32>
    %sub3A_81 = arith.subf %sub3A_80, %convert_element_type3A_78 : vector<1x128xf32>
    %slice3A = vector.extract_strided_slice %mul3A_38 {offsets = [0, 0], sizes = [512, 1], strides = [1, 1]} : vector<1024x1xf32> to vector<512x1xf32>
    %dot_general3A = arith.constant dense<0.000000e+00> : vector<512x128xf32>
    %dot_general3A_82 = tpu.matmul %slice3A, %convert_element_type3A_78, %dot_general3A {dimension_numbers = #tpu.dot_dimension_numbers<[1], [0], [0], [1], [0, 0, 1, 1], [], []>, transpose_lhs_hint = false} : vector<512x1xf32>, vector<1x128xf32>, vector<512x128xf32> -> vector<512x128xf32>
    %slice3A_83 = vector.extract_strided_slice %mul3A_38 {offsets = [512, 0], sizes = [512, 1], strides = [1, 1]} : vector<1024x1xf32> to vector<512x1xf32>
    %dot_general3A_84 = arith.constant dense<0.000000e+00> : vector<512x128xf32>
    %dot_general3A_85 = tpu.matmul %slice3A_83, %sub3A_81, %dot_general3A_84 {dimension_numbers = #tpu.dot_dimension_numbers<[1], [0], [0], [1], [0, 0, 1, 1], [], []>, transpose_lhs_hint = false} : vector<512x1xf32>, vector<1x128xf32>, vector<512x128xf32> -> vector<512x128xf32>
    %add3A_86 = arith.addf %dot_general3A_82, %dot_general3A_85 : vector<512x128xf32>
    %slice3A_87 = vector.extract_strided_slice %select_n3A {offsets = [0, 0], sizes = [512, 1], strides = [1, 1]} : vector<1024x1xf32> to vector<512x1xf32>
    %dot_general3A_88 = arith.constant dense<0.000000e+00> : vector<512x128xf32>
    %dot_general3A_89 = tpu.matmul %slice3A_87, %convert_element_type3A_78, %dot_general3A_88 {dimension_numbers = #tpu.dot_dimension_numbers<[1], [0], [0], [1], [0, 0, 1, 1], [], []>, transpose_lhs_hint = false} : vector<512x1xf32>, vector<1x128xf32>, vector<512x128xf32> -> vector<512x128xf32>
    %slice3A_90 = vector.extract_strided_slice %select_n3A {offsets = [512, 0], sizes = [512, 1], strides = [1, 1]} : vector<1024x1xf32> to vector<512x1xf32>
    %dot_general3A_91 = arith.constant dense<0.000000e+00> : vector<512x128xf32>
    %dot_general3A_92 = tpu.matmul %slice3A_90, %sub3A_81, %dot_general3A_91 {dimension_numbers = #tpu.dot_dimension_numbers<[1], [0], [0], [1], [0, 0, 1, 1], [], []>, transpose_lhs_hint = false} : vector<512x1xf32>, vector<1x128xf32>, vector<512x128xf32> -> vector<512x128xf32>
    %add3A_93 = arith.addf %dot_general3A_89, %dot_general3A_92 : vector<512x128xf32>
    %get3A_94 = arith.constant 0 : index
    %get3A_95 = arith.constant 0 : index
    %get3A_96 = vector.load %arg2[%get3A_94, %get3A_95] : memref<1x128xf32, #tpu.memory_space<vmem>>, vector<1x128xf32>
    %sub3A_97 = vector.broadcast %get3A_96 : vector<1x128xf32> to vector<512x128xf32>
    %sub3A_98 = arith.subf %add3A_86, %sub3A_97 : vector<512x128xf32>
    %get3A_99 = arith.constant 0 : index
    %get3A_100 = arith.constant 0 : index
    %get3A_101 = vector.load %arg3[%get3A_99, %get3A_100] : memref<1x128xf32, #tpu.memory_space<vmem>>, vector<1x128xf32>
    %neg3A = arith.constant 0.000000e+00 : f32
    %neg3A_102 = vector.broadcast %neg3A : f32 to vector<1x128xf32>
    %neg3A_103 = arith.subf %neg3A_102, %get3A_101 : vector<1x128xf32>
    %mul3A_104 = vector.broadcast %neg3A_103 : vector<1x128xf32> to vector<512x128xf32>
    %mul3A_105 = arith.mulf %mul3A_104, %sub3A_98 : vector<512x128xf32>
    %mul3A_106 = arith.mulf %mul3A_105, %sub3A_98 : vector<512x128xf32>
    %max3A_107 = arith.constant -1.260000e+02 : f32
    %max3A_108 = vector.broadcast %max3A_107 : f32 to vector<512x128xf32>
    %max3A_109 = arith.maximumf %mul3A_106, %max3A_108 : vector<512x128xf32>
    %add3A_110 = arith.constant 0x4B400000 : f32
    %add3A_111 = vector.broadcast %add3A_110 : f32 to vector<512x128xf32>
    %add3A_112 = arith.addf %max3A_109, %add3A_111 : vector<512x128xf32>
    %sub3A_113 = arith.constant 0x4B400000 : f32
    %sub3A_114 = vector.broadcast %sub3A_113 : f32 to vector<512x128xf32>
    %sub3A_115 = arith.subf %add3A_112, %sub3A_114 : vector<512x128xf32>
    %sub3A_116 = arith.subf %max3A_109, %sub3A_115 : vector<512x128xf32>
    %mul3A_117 = arith.constant 0.00961812865 : f32
    %mul3A_118 = vector.broadcast %mul3A_117 : f32 to vector<512x128xf32>
    %mul3A_119 = arith.mulf %mul3A_118, %sub3A_116 : vector<512x128xf32>
    %add3A_120 = arith.constant 0.0555041097 : f32
    %add3A_121 = vector.broadcast %add3A_120 : f32 to vector<512x128xf32>
    %add3A_122 = arith.addf %mul3A_119, %add3A_121 : vector<512x128xf32>
    %mul3A_123 = arith.mulf %add3A_122, %sub3A_116 : vector<512x128xf32>
    %add3A_124 = arith.constant 0.240226507 : f32
    %add3A_125 = vector.broadcast %add3A_124 : f32 to vector<512x128xf32>
    %add3A_126 = arith.addf %mul3A_123, %add3A_125 : vector<512x128xf32>
    %mul3A_127 = arith.mulf %add3A_126, %sub3A_116 : vector<512x128xf32>
    %add3A_128 = arith.constant 0.693147182 : f32
    %add3A_129 = vector.broadcast %add3A_128 : f32 to vector<512x128xf32>
    %add3A_130 = arith.addf %mul3A_127, %add3A_129 : vector<512x128xf32>
    %mul3A_131 = arith.mulf %add3A_130, %sub3A_116 : vector<512x128xf32>
    %add3A_132 = arith.constant 1.000000e+00 : f32
    %add3A_133 = vector.broadcast %add3A_132 : f32 to vector<512x128xf32>
    %add3A_134 = arith.addf %mul3A_131, %add3A_133 : vector<512x128xf32>
    %bitcast_convert_type3A_135 = tpu.bitcast %add3A_112 : vector<512x128xf32> -> vector<512x128xi32>
    %sub3A_136 = arith.constant 1262485377 : i32
    %sub3A_137 = vector.broadcast %sub3A_136 : i32 to vector<512x128xi32>
    %sub3A_138 = arith.subi %bitcast_convert_type3A_135, %sub3A_137 : vector<512x128xi32>
    %shift_left3A_139 = arith.constant 23 : i32
    %shift_left3A_140 = vector.broadcast %shift_left3A_139 : i32 to vector<512x128xi32>
    %shift_left3A_141 = arith.shli %sub3A_138, %shift_left3A_140 : vector<512x128xi32>
    %bitcast_convert_type3A_142 = tpu.bitcast %shift_left3A_141 : vector<512x128xi32> -> vector<512x128xf32>
    %mul3A_143 = arith.mulf %add3A_134, %bitcast_convert_type3A_142 : vector<512x128xf32>
    %mul3A_144 = arith.mulf %mul3A_143, %add3A_93 : vector<512x128xf32>
    %get3A_145 = arith.constant 0 : index
    %get3A_146 = arith.constant 0 : index
    %get3A_147 = vector.load %arg4[%get3A_145, %get3A_146] : memref<128x128xf32, #tpu.memory_space<vmem>>, vector<128x128xf32>
    %dot_general3A_148 = arith.constant dense<0.000000e+00> : vector<512x128xf32>
    %dot_general3A_149 = tpu.matmul %mul3A_144, %get3A_147, %dot_general3A_148 {dimension_numbers = #tpu.dot_dimension_numbers<[1], [0], [0], [1], [0, 0, 1, 1], [], []>, transpose_lhs_hint = false} : vector<512x128xf32>, vector<128x128xf32>, vector<512x128xf32> -> vector<512x128xf32>
    %get3A_150 = arith.constant 0 : index
    %get3A_151 = arith.constant 0 : index
    %get3A_152 = vector.load %arg5[%get3A_150, %get3A_151] : memref<1x128xf32, #tpu.memory_space<vmem>>, vector<1x128xf32>
    %add3A_153 = vector.broadcast %get3A_152 : vector<1x128xf32> to vector<512x128xf32>
    %add3A_154 = arith.addf %dot_general3A_149, %add3A_153 : vector<512x128xf32>
    %mul3A_155 = arith.constant 5.000000e-01 : f32
    %mul3A_156 = vector.broadcast %mul3A_155 : f32 to vector<512x128xf32>
    %mul3A_157 = arith.mulf %mul3A_156, %add3A_154 : vector<512x128xf32>
    %mul3A_158 = arith.constant 5.000000e-01 : f32
    %mul3A_159 = vector.broadcast %mul3A_158 : f32 to vector<512x128xf32>
    %mul3A_160 = arith.mulf %mul3A_159, %add3A_154 : vector<512x128xf32>
    %tanh3A = math.tanh %mul3A_160 : vector<512x128xf32>
    %add3A_161 = arith.constant 1.000000e+00 : f32
    %add3A_162 = vector.broadcast %add3A_161 : f32 to vector<512x128xf32>
    %add3A_163 = arith.addf %tanh3A, %add3A_162 : vector<512x128xf32>
    %mul3A_164 = arith.mulf %mul3A_157, %add3A_163 : vector<512x128xf32>
    %get3A_165 = arith.constant 0 : index
    %get3A_166 = arith.constant 0 : index
    %get3A_167 = vector.load %arg6[%get3A_165, %get3A_166] : memref<128x256xf32, #tpu.memory_space<vmem>>, vector<128x256xf32>
    %dot_general3A_168 = arith.constant dense<0.000000e+00> : vector<512x256xf32>
    %dot_general3A_169 = tpu.matmul %mul3A_164, %get3A_167, %dot_general3A_168 {dimension_numbers = #tpu.dot_dimension_numbers<[1], [0], [0], [1], [0, 0, 1, 1], [], []>, transpose_lhs_hint = false} : vector<512x128xf32>, vector<128x256xf32>, vector<512x256xf32> -> vector<512x256xf32>
    %get3A_170 = arith.constant 0 : index
    %get3A_171 = arith.constant 0 : index
    %get3A_172 = vector.load %arg7[%get3A_170, %get3A_171] : memref<1x256xf32, #tpu.memory_space<vmem>>, vector<1x256xf32>
    %add3A_173 = vector.broadcast %get3A_172 : vector<1x256xf32> to vector<512x256xf32>
    %add3A_174 = arith.addf %dot_general3A_169, %add3A_173 : vector<512x256xf32>
    %slice3A_175 = vector.extract_strided_slice %add3A_174 {offsets = [0, 0], sizes = [512, 128], strides = [1, 1]} : vector<512x256xf32> to vector<512x128xf32>
    %swap3A = arith.constant 0 : index
    %swap3A_176 = arith.constant 0 : index
    %swap3A_177 = vector.load %arg8[%swap3A, %swap3A_176] : memref<1024x128xf32, #tpu.memory_space<vmem>>, vector<512x128xf32>
    tpu.vector_store %arg8[%swap3A, %swap3A_176], %slice3A_175 {strides = array<i32>} : memref<1024x128xf32, #tpu.memory_space<vmem>>, vector<512x128xf32>,
    %slice3A_178 = vector.extract_strided_slice %add3A_174 {offsets = [0, 128], sizes = [512, 128], strides = [1, 1]} : vector<512x256xf32> to vector<512x128xf32>
    %swap3A_179 = arith.constant 512 : index
    %swap3A_180 = arith.constant 0 : index
    %swap3A_181 = vector.load %arg8[%swap3A_179, %swap3A_180] : memref<1024x128xf32, #tpu.memory_space<vmem>>, vector<512x128xf32>
    tpu.vector_store %arg8[%swap3A_179, %swap3A_180], %slice3A_178 {strides = array<i32>} : memref<1024x128xf32, #tpu.memory_space<vmem>>, vector<512x128xf32>,
    return
  }
  func.func @transform_0(%arg0: i32) -> (i32, i32) {
    %c0_i32 = arith.constant 0 : i32
    %c0_i32_0 = arith.constant 0 : i32
    return %arg0, %c0_i32 : i32, i32
  }
  func.func @transform_1(%arg0: i32) -> (i32, i32) {
    %c0_i32 = arith.constant 0 : i32
    %c0_i32_0 = arith.constant 0 : i32
    %c0_i32_1 = arith.constant 0 : i32
    return %c0_i32, %c0_i32_0 : i32, i32
  }
  func.func @transform_2(%arg0: i32) -> (i32, i32) {
    %c0_i32 = arith.constant 0 : i32
    %c0_i32_0 = arith.constant 0 : i32
    %c0_i32_1 = arith.constant 0 : i32
    return %c0_i32, %c0_i32_0 : i32, i32
  }
  func.func @transform_3(%arg0: i32) -> (i32, i32) {
    %c0_i32 = arith.constant 0 : i32
    %c0_i32_0 = arith.constant 0 : i32
    %c0_i32_1 = arith.constant 0 : i32
    return %c0_i32, %c0_i32_0 : i32, i32
  }
  func.func @transform_4(%arg0: i32) -> (i32, i32) {
    %c0_i32 = arith.constant 0 : i32
    %c0_i32_0 = arith.constant 0 : i32
    %c0_i32_1 = arith.constant 0 : i32
    return %c0_i32, %c0_i32_0 : i32, i32
  }
  func.func @transform_5(%arg0: i32) -> (i32, i32) {
    %c0_i32 = arith.constant 0 : i32
    %c0_i32_0 = arith.constant 0 : i32
    %c0_i32_1 = arith.constant 0 : i32
    return %c0_i32, %c0_i32_0 : i32, i32
  }
  func.func @transform_6(%arg0: i32) -> (i32, i32) {
    %c0_i32 = arith.constant 0 : i32
    %c0_i32_0 = arith.constant 0 : i32
    %c0_i32_1 = arith.constant 0 : i32
    return %c0_i32, %c0_i32_0 : i32, i32
  }
  func.func @transform_7(%arg0: i32) -> (i32, i32) {
    %c0_i32 = arith.constant 0 : i32
    %c0_i32_0 = arith.constant 0 : i32
    return %arg0, %c0_i32 : i32, i32
  }
}

module attributes {stable_mosaic.version = 14 : i64} {
  func.func @_node_update_body(%arg0: i32, %arg1: memref<1000x128xf32, #tpu.memory_space<vmem>>, %arg2: memref<1000x128xf32, #tpu.memory_space<vmem>>, %arg3: memref<1000x128xf32, #tpu.memory_space<vmem>>, %arg4: memref<128x128xf32, #tpu.memory_space<vmem>>, %arg5: memref<128x128xf32, #tpu.memory_space<vmem>>, %arg6: memref<1x128xf32, #tpu.memory_space<vmem>>, %arg7: memref<1000x128xf32, #tpu.memory_space<vmem>>) attributes {dimension_semantics = [#tpu.dimension_semantics<arbitrary>], iteration_bounds = array<i64: 10>, scalar_prefetch = 0 : i64, scratch_operands = 0 : i64, tpu.core_type = #tpu.core_type<tc>, window_params = [{transform_indices = @transform_0, window_bounds = array<i64: 1000, 128>}, {transform_indices = @transform_1, window_bounds = array<i64: 1000, 128>}, {transform_indices = @transform_2, window_bounds = array<i64: 1000, 128>}, {pipeline_mode = #tpu.pipeline_mode<synchronous>, transform_indices = @transform_3, window_bounds = array<i64: 128, 128>}, {pipeline_mode = #tpu.pipeline_mode<synchronous>, transform_indices = @transform_4, window_bounds = array<i64: 128, 128>}, {pipeline_mode = #tpu.pipeline_mode<synchronous>, transform_indices = @transform_5, window_bounds = array<i64: 1, 128>}, {transform_indices = @transform_6, window_bounds = array<i64: 1000, 128>}]} {
    %get3A = arith.constant 0 : index
    %get3A_0 = arith.constant 0 : index
    %get3A_1 = vector.load %arg1[%get3A, %get3A_0] : memref<1000x128xf32, #tpu.memory_space<vmem>>, vector<1000x128xf32>
    %get3A_2 = arith.constant 0 : index
    %get3A_3 = arith.constant 0 : index
    %get3A_4 = vector.load %arg2[%get3A_2, %get3A_3] : memref<1000x128xf32, #tpu.memory_space<vmem>>, vector<1000x128xf32>
    %get3A_5 = arith.constant 0 : index
    %get3A_6 = arith.constant 0 : index
    %get3A_7 = vector.load %arg3[%get3A_5, %get3A_6] : memref<1000x128xf32, #tpu.memory_space<vmem>>, vector<1000x128xf32>
    %add3A = arith.addf %get3A_4, %get3A_7 : vector<1000x128xf32>
    %get3A_8 = arith.constant 0 : index
    %get3A_9 = arith.constant 0 : index
    %get3A_10 = vector.load %arg5[%get3A_8, %get3A_9] : memref<128x128xf32, #tpu.memory_space<vmem>>, vector<128x128xf32>
    %dot_general3A = arith.constant dense<0.000000e+00> : vector<1000x128xf32>
    %dot_general3A_11 = tpu.matmul %add3A, %get3A_10, %dot_general3A {dimension_numbers = #tpu.dot_dimension_numbers<[1], [0], [0], [1], [0, 0, 1, 1], [], []>, transpose_lhs_hint = false} : vector<1000x128xf32>, vector<128x128xf32>, vector<1000x128xf32> -> vector<1000x128xf32>
    %get3A_12 = arith.constant 0 : index
    %get3A_13 = arith.constant 0 : index
    %get3A_14 = vector.load %arg6[%get3A_12, %get3A_13] : memref<1x128xf32, #tpu.memory_space<vmem>>, vector<1x128xf32>
    %add3A_15 = vector.broadcast %get3A_14 : vector<1x128xf32> to vector<1000x128xf32>
    %add3A_16 = arith.addf %dot_general3A_11, %add3A_15 : vector<1000x128xf32>
    %mul3A = arith.constant 5.000000e-01 : f32
    %mul3A_17 = vector.broadcast %mul3A : f32 to vector<1000x128xf32>
    %mul3A_18 = arith.mulf %mul3A_17, %add3A_16 : vector<1000x128xf32>
    %mul3A_19 = arith.constant 5.000000e-01 : f32
    %mul3A_20 = vector.broadcast %mul3A_19 : f32 to vector<1000x128xf32>
    %mul3A_21 = arith.mulf %mul3A_20, %add3A_16 : vector<1000x128xf32>
    %tanh3A = math.tanh %mul3A_21 : vector<1000x128xf32>
    %add3A_22 = arith.constant 1.000000e+00 : f32
    %add3A_23 = vector.broadcast %add3A_22 : f32 to vector<1000x128xf32>
    %add3A_24 = arith.addf %tanh3A, %add3A_23 : vector<1000x128xf32>
    %mul3A_25 = arith.mulf %mul3A_18, %add3A_24 : vector<1000x128xf32>
    %get3A_26 = arith.constant 0 : index
    %get3A_27 = arith.constant 0 : index
    %get3A_28 = vector.load %arg4[%get3A_26, %get3A_27] : memref<128x128xf32, #tpu.memory_space<vmem>>, vector<128x128xf32>
    %dot_general3A_29 = arith.constant dense<0.000000e+00> : vector<1000x128xf32>
    %dot_general3A_30 = tpu.matmul %get3A_1, %get3A_28, %dot_general3A_29 {dimension_numbers = #tpu.dot_dimension_numbers<[1], [0], [0], [1], [0, 0, 1, 1], [], []>, transpose_lhs_hint = false} : vector<1000x128xf32>, vector<128x128xf32>, vector<1000x128xf32> -> vector<1000x128xf32>
    %add3A_31 = arith.addf %get3A_1, %dot_general3A_30 : vector<1000x128xf32>
    %add3A_32 = arith.addf %add3A_31, %mul3A_25 : vector<1000x128xf32>
    %swap3A = arith.constant 0 : index
    %swap3A_33 = arith.constant 0 : index
    %swap3A_34 = vector.load %arg7[%swap3A, %swap3A_33] : memref<1000x128xf32, #tpu.memory_space<vmem>>, vector<1000x128xf32>
    tpu.vector_store %arg7[%swap3A, %swap3A_33], %add3A_32 {strides = array<i32>} : memref<1000x128xf32, #tpu.memory_space<vmem>>, vector<1000x128xf32>,
    return
  }
  func.func @transform_0(%arg0: i32) -> (i32, i32) {
    %c0_i32 = arith.constant 0 : i32
    %c0_i32_0 = arith.constant 0 : i32
    return %arg0, %c0_i32 : i32, i32
  }
  func.func @transform_1(%arg0: i32) -> (i32, i32) {
    %c0_i32 = arith.constant 0 : i32
    %c0_i32_0 = arith.constant 0 : i32
    return %arg0, %c0_i32 : i32, i32
  }
  func.func @transform_2(%arg0: i32) -> (i32, i32) {
    %c0_i32 = arith.constant 0 : i32
    %c0_i32_0 = arith.constant 0 : i32
    return %arg0, %c0_i32 : i32, i32
  }
  func.func @transform_3(%arg0: i32) -> (i32, i32) {
    %c0_i32 = arith.constant 0 : i32
    %c0_i32_0 = arith.constant 0 : i32
    %c0_i32_1 = arith.constant 0 : i32
    return %c0_i32, %c0_i32_0 : i32, i32
  }
  func.func @transform_4(%arg0: i32) -> (i32, i32) {
    %c0_i32 = arith.constant 0 : i32
    %c0_i32_0 = arith.constant 0 : i32
    %c0_i32_1 = arith.constant 0 : i32
    return %c0_i32, %c0_i32_0 : i32, i32
  }
  func.func @transform_5(%arg0: i32) -> (i32, i32) {
    %c0_i32 = arith.constant 0 : i32
    %c0_i32_0 = arith.constant 0 : i32
    %c0_i32_1 = arith.constant 0 : i32
    return %c0_i32, %c0_i32_0 : i32, i32
  }
  func.func @transform_6(%arg0: i32) -> (i32, i32) {
    %c0_i32 = arith.constant 0 : i32
    %c0_i32_0 = arith.constant 0 : i32
    return %arg0, %c0_i32 : i32, i32
  }
}

</mosaic_0001>

<sc_bundles>
// kernel: kernel.11.cloned.1.call-start
scs
__scs_entry_jumppad:
0x0: {  	(pc) =	sbr.rel $0x88, $3  }
0x1: {  	(tag) =	ssettag $0x0;
	lr =	simm.s32 $0x1  }
0x2: {  	[smem:$0x3F95] =	sst lr;
	_ =	strace $0xD0000000  }
0x3: {  	_ = 	snop  }
0x4: {  	_ = 	snop  }
0x5: {  	_ = 	snop  }
0x6: {  	_ = 	snop  }
0x7: {  	_ = 	snop  }
__scs_overlays_trampoline_lowered:
0x8: {  	[smem:$0x3FA4] =	sst s0  }
0x9: {  	[smem:$0x3FA5] =	sst s1  }
0xa: {  	[smem:$0x3FA6] =	sst s2  }
0xb: {  	[smem:$0x3FA7] =	sst s3  }
0xc: {  	[smem:$0x3FA8] =	sst s4  }
0xd: {  	[smem:$0x3FA9] =	sst s5  }
0xe: {  	[smem:$0x3FAA] =	sst s6  }
0xf: {  	[smem:$0x3FAB] =	sst s7  }
0x10: {  	[smem:$0x3FAC] =	sst s8  }
0x11: {  	[smem:$0x3FAD] =	sst s9;
	s0 =	simm.s32 @!p0 $0x0  }
0x12: {  	s1 =	sld [smem:$0x3F93];
	s0 =	simm.s32 @p0 $0x1  }
0x13: {  	[smem:$0x3FAE] =	sst s0;
	s0 =	simm.s32 @!p1 $0x0  }
0x14: {  	s2 =	sld [smem:$0x3F92];
	s0 =	simm.s32 @p1 $0x1  }
0x15: {  	[smem:$0x3FAF] =	sst s0;
	s0 =	simm.s32 @!p2 $0x0  }
0x16: {  	s3 =	sld [smem:$0x3FDB];
	s0 =	simm.s32 @p2 $0x1  }
0x17: {  	s4 =	simm.s32 $0x1BF5;
	[smem:$0x3FB1] =	sst s0  }
0x18: {  	s0 =	sld [smem:$0x3F94];
	_ =	swait.ge [sflag:s4], $0x0  }
0x19: {  	s7 =	sld [smem:$0x3F95]  }
0x1a: {  	s8 =	sadd.s32 $0xFFFFE003, lr  }
0x1b: {  	s9 =	sadd.s32 $0xFFFFFEF7, lr;
	s5 =	simm.s32 $0xFFFFFFFF;
	p2 =	slt.u32 s8, $0xFFFFF086  }
0x1c: {  	p1 =	slt.u32 s9, $0xF7A;
	s5 =	simm.s32 @!p2 $0x0  }
0x1d: {  	s5 =	simm.s32 @p1 $0x1;
	p0 =	seq.s32 s7, s2  }
0x1e: {  	s7 =	smul.u32 @!p0 $0xF7A, s2;
	p2 =	seq.s32 @!p0 s5, $0x0  }
0x1f: {  	s9 =	smul.u32 $0xF7A, s1;
	s8 =	simm.s32 @!p0 $0x1BF5;
	p2 =	por !p2, p0  }
0x20: {  	[sflag:s8] =	ssyncset.s32 @!p0 $0xFFFFF086;
	s6 =	sadd.s32 @!p0 s3, s7;
	s7 =	simm.s32 @!p0 $0x108  }
0x21: {  	s3 =	sadd.s32 s3, s9;
	s6 =	sadd.s32 @!p0 $0x88, s6;
	s7 =	simm.s32 @p2 $0x1082  }
0x22: {  	[simem:s7], [sflag:s8] =	dma.local @!p0 [hbm:s6], $0xF7A  }
0x23: {  	s9 =	sor.u32 $0xD0000000, s2;
	s6 =	simm.s32 $0x108;
	_ =	swait.ge @!p0 [sflag:s8], $0x0  }
0x24: {  	s3 =	sadd.s32 $0x88, s3;
	s6 =	simm.s32 @!p1 $0x1082;
	[sflag:s4] =	ssyncset.s32 $0xFFFFF086  }
0x25: {  	[simem:s6], [sflag:s4] =	dma.local [hbm:s3], $0xF7A  }
0x26: {  	[smem:$0x3F95] =	sst s1;
	(tag) =	ssettag s2;
	_ =	strace s9  }
0x27: {  	s1 =	sld [smem:$0x3FA5]  }
0x28: {  	s2 =	sld [smem:$0x3FA6]  }
0x29: {  	s4 =	sld [smem:$0x3FA8]  }
0x2a: {  	p0 =	seq.s32 s5, $0x0;
	s5 =	sld [smem:$0x3FA9]  }
0x2b: {  	s6 =	sld [smem:$0x3FAA]  }
0x2c: {  	s7 =	sld [smem:$0x3FAB]  }
0x2d: {  	s3 =	simm.s32 $0x108;
	s8 =	sld [smem:$0x3FAC]  }
0x2e: {  	s3 =	simm.s32 @!p0 $0x1082;
	s9 =	sld [smem:$0x3FAD]  }
0x2f: {  	lr =	sadd.s32 s0, s3;
	s0 =	sld [smem:$0x3FA4]  }
0x30: {  	s3 =	sld [smem:$0x3FA7]  }
0x31: {  	[smem:$0x3FB0] =	sst s10  }
0x32: {  	s10 =	sld [smem:$0x3FAE];
	_ =	sdelay $0x3  }
0x33: {  	p0 =	seq.s32 s10, $0x1;
	s10 =	sld [smem:$0x3FB0];
	_ =	sdelay $0x3  }
0x34: {  	[smem:$0x3FB0] =	sst s10  }
0x35: {  	s10 =	sld [smem:$0x3FAF];
	_ =	sdelay $0x3  }
0x36: {  	p1 =	seq.s32 s10, $0x1;
	s10 =	sld [smem:$0x3FB0];
	_ =	sdelay $0x3  }
0x37: {  	[smem:$0x3FB0] =	sst s10  }
0x38: {  	s10 =	sld [smem:$0x3FB1]  }
0x39: {  	_ = 	snop;
	(pc) =	sbr.ind lr, $3  }
0x3a: {  	_ = 	snop  }
0x3b: {  	_ = 	snop  }
0x3c: {  	p2 =	seq.s32 s10, $0x1;
	s10 =	sld [smem:$0x3FB0]  }
0x3d: {  	_ =	shalt  }
0x3e: {  	_ =	shalt  }
0x3f: {  	_ =	shalt  }
0x40: {  	_ =	shalt  }
0x41: {  	_ =	shalt  }
0x42: {  	_ =	shalt  }
0x43: {  	_ =	shalt  }
0x44: {  	_ =	shalt  }
0x45: {  	_ =	shalt  }
0x46: {  	_ =	shalt  }
0x47: {  	_ =	shalt  }
0x48: {  	_ =	shalt  }
0x49: {  	_ =	shalt  }
0x4a: {  	_ =	shalt  }
0x4b: {  	_ =	shalt  }
0x4c: {  	_ =	shalt  }
0x4d: {  	_ =	shalt  }
0x4e: {  	_ =	shalt  }
0x4f: {  	_ =	shalt  }
0x50: {  	_ =	shalt  }
0x51: {  	_ =	shalt  }
0x52: {  	_ =	shalt  }
0x53: {  	_ =	shalt  }
0x54: {  	_ =	shalt  }
0x55: {  	_ =	shalt  }
0x56: {  	_ =	shalt  }
0x57: {  	_ =	shalt  }
0x58: {  	_ =	shalt  }
0x59: {  	_ =	shalt  }
0x5a: {  	_ =	shalt  }
0x5b: {  	_ =	shalt  }
0x5c: {  	_ =	shalt  }
0x5d: {  	_ =	shalt  }
0x5e: {  	_ =	shalt  }
0x5f: {  	_ =	shalt  }
0x60: {  	_ =	shalt  }
0x61: {  	_ =	shalt  }
0x62: {  	_ =	shalt  }
0x63: {  	_ =	shalt  }
0x64: {  	_ =	shalt  }
0x65: {  	_ =	shalt  }
0x66: {  	_ =	shalt  }
0x67: {  	_ =	shalt  }
0x68: {  	_ =	shalt  }
0x69: {  	_ =	shalt  }
0x6a: {  	_ =	shalt  }
0x6b: {  	_ =	shalt  }
0x6c: {  	_ =	shalt  }
0x6d: {  	_ =	shalt  }
0x6e: {  	_ =	shalt  }
0x6f: {  	_ =	shalt  }
0x70: {  	_ =	shalt  }
0x71: {  	_ =	shalt  }
0x72: {  	_ =	shalt  }
0x73: {  	_ =	shalt  }
0x74: {  	_ =	shalt  }
0x75: {  	_ =	shalt  }
0x76: {  	_ =	shalt  }
0x77: {  	_ =	shalt  }
0x78: {  	_ =	shalt  }
0x79: {  	_ =	shalt  }
0x7a: {  	_ =	shalt  }
0x7b: {  	_ =	shalt  }
0x7c: {  	_ =	shalt  }
0x7d: {  	_ =	shalt  }
0x7e: {  	_ =	shalt  }
0x7f: {  	_ =	shalt  }
0x80: {  	_ =	shalt  }
0x81: {  	_ =	shalt  }
0x82: {  	_ =	shalt  }
0x83: {  	_ =	shalt  }
0x84: {  	_ =	shalt  }
0x85: {  	_ =	shalt  }
0x86: {  	_ =	shalt  }
0x87: {  	_ =	shalt  }
.Lfunc_end0:
.L_simem_size_0:
called_computation.1_lowered:
.L_overlay_start_0:
0x88: {  	s2 =	sld [smem:$0x3FD9]  }
0x89: {  	s3 =	sld [smem:$0x3FFE];
	_ =	sdelay $0x1  }
0x8a: {  	s1 =	srdreg.scid  }
0x8b: {  	s0 =	sand.u32 $0x1, s1  }
0x8c: {  	s17 =	sshll.u32 s0, $0xA;
	s2 =	sadd.s32 s3, s2  }
0x8d: {  	s2 =	sadd.s32 s2, s17  }
0x8e: {  	[smem:$0x3FBC] =	sst s2  }
0x8f: {  	_ = 	snop  }
0x90: {  	s2 =	sld [smem:$0x3FC9]  }
0x91: {  	s18 =	sld [smem:$0x3FD0];
	(tm) =	ssettm $0x1  }
0x92: {  	s4 =	sld [smem:$0x3FFB];
	_ =	sdelay $0x3  }
0x93: {  	_ =	strace s4  }
0x94: {  	s4 =	sld [smem:$0x3FFC];
	_ =	sdelay $0x3  }
0x95: {  	_ =	strace s4  }
0x96: {  	s4 =	sld [smem:$0x3FFD];
	_ =	sdelay $0x3  }
0x97: {  	_ =	strace s4  }
0x98: {  	_ =	strace $0x8FFFFFFF  }
0x99: {  	s19 =	sld [smem:$0x3FDB];
	_ =	sdelay $0x1  }
0x9a: {  	s5 =	simm.s32 $_scs_section_size  }
0x9b: {  	s6 =	simm.s32 $_size__tile_overlayer_lowered;
	s7 =	simm.s32 $_tile_overlayer_lowered  }
0x9c: {  	s22 =	simm.s32 $0x1BFF;
	s21 =	sshll.u32 s7, $0x1;
	s4 =	sadd.s32 s5, s19  }
0x9d: {  	s8 =	simm.s32 $0x0;
	s20 =	sshll.u32 s6, $0x1;
	s6 =	sadd.s32 s21, s4  }
0x9e: {  	[timem:s8], [sflag:s22] =	dma.local [hbm:s6], s20  }
0x9f: {  	_ =	swait.ge [sflag:s22], s20  }
0xa0: {  	s5 =	ssub.s32 $0x0, s20;
	[sflag:s22] =	ssyncset.done $0x0  }
0xa1: {  	[sflag:s22] =	ssyncadd.s32 s5;
	_ =	sdelay $0x1  }
0xa2: {  	s23 =	simm.s32 $0x1B8B  }
0xa3: {  	_ =	swait.ge [sflag:s23], $0x1  }
0xa4: {  	[sflag:s23] =	ssyncset.done $0x0  }
0xa5: {  	s25 =	simm.s32 $0x1B8E;
	s24 =	sld [smem:$0x3FFE];
	[sflag:s23] =	ssyncadd.s32 $0xFFFFFFFF  }
0xa6: {  	s26 =	simm.s32 $execute0_lowered;
	[smem:$0x3FD2] =	sst s25  }
0xa7: {  	s6 =	sshll.u32 s26, $0x1;
	_ =	strace $0x80000049;
	[dreg:$0x1] =	wrdreg $0xFFFFFFFF  }
0xa8: {  	s28 =	simm.s32 $_size_execute0_lowered;
	s4 =	sadd.s32 s4, s6;
	[dreg:$0x0] =	wrdreg $0x0  }
0xa9: {  	s6 =	sshll.u32 s28, $0x1;
	[dreg:$0x2] =	wrdreg s4  }
0xaa: {  	[dreg:$0x3] =	wrdreg s6  }
0xab: {  	[dreg:$0x4] =	wrdreg $0xC0  }
0xac: {  	_ =	task [dreg:s8], $0x5FFFF  }
0xad: {  	[dreg:$0x1] =	wrdreg $0xFFFFFFFF  }
0xae: {  	[dreg:$0x0] =	wrdreg $0x60  }
0xaf: {  	[dreg:$0x2] =	wrdreg s24  }
0xb0: {  	[dreg:$0x3] =	wrdreg s2  }
0xb1: {  	[dreg:$0x4] =	wrdreg s18  }
0xb2: {  	[dreg:$0x5] =	wrdreg $0xC2000  }
0xb3: {  	[dreg:$0x6] =	wrdreg $0x9  }
0xb4: {  	_ =	task.clear_ibuf [dreg:s8], $0x7FFFF;
	_ =	strace $0x90000049  }
0xb5: {  	s29 =	simm.s32 $0x9;
	_ =	strace $0x8000004B  }
0xb6: {  	_ =	swait.ge [sflag:s29], $0x1  }
0xb7: {  	[sflag:s29] =	ssyncadd.s32 $0xFFFFFFFF  }
0xb8: {  	_ =	strace $0x9000004B  }
0xb9: {  	_ =	sfence  }
0xba: {  	s30 =	sld [smem:$0x0];
	_ =	sdelay $0x2  }
0xbb: {  	s31 =	sshll.u32 s1, $0xD;
	s1 =	sshrl.u32 s1, $0x2  }
0xbc: {  	s3 =	sand.u32 $0x4000, s31;
	s1 =	sadd.s32 s1, s30  }
0xbd: {  	s0 =	sor.u32 s3, s0;
	s1 =	sshll.u32 s1, $0x11  }
0xbe: {  	s0 =	sor.u32 s1, s0  }
0xbf: {  	s0 =	sadd.s32 $0x8F2B, s0  }
0xc0: {  	[sflag:s0] =	ssyncadd.remote.s32 $0x1  }
0xc1: {  	_ =	sfence.sel $0xFFFF  }
0xc2: {  	[dreg:$0x0] =	wrdreg $0xFFFFFFFF;
	(pc) =	sbr.abs _section_cstart, $3  }
0xc3: {  	[dreg:$0x1] =	wrdreg $0xFFFFFFFF  }
0xc4: {  	_ =	task.clear_ibuf [dreg:s8], $0x2FFFF;
	_ =	strace $0x9FFFFFFF  }
0xc5: {  	(tm) =	ssettm $0x7FFFFFFF  }
tec
execute0_lowered:
.L_overlay_start_1:
0x0: {  	(tag) =	ssettag $0x1  }
0x1: {  	s0 =	rddreg [dreg:$0x0]  }
0x2: {  	s1 =	rddreg [dreg:$0x1]  }
0x3: {  	s3 =	rddreg [dreg:$0x3];
	s5 =	simm.s32 $0x0  }
0x4: {  	s2 =	srdreg.scid;
	s12 =	stileid.u32;
	s18 =	simm.s32 $0x6  }
0x5: {  	s19 =	simm.s32 $0x4;
	s20 =	simm.s32 $0x100;
	s28 =	simm.s32 $0x140  }
0x6: {  	s29 =	simm.s32 $0xA200;
	s30 =	simm.s32 $0x1;
	s31 =	simm.s32 $0x2  }
0x7: {  	[smem:$0x7FF] =	sst s5;
	s2 =	sand.u32 $0x1, s2;
	s4 =	smul.u32 $0x2780, s12  }
0x8: {  	s6 =	sadd.s32 $0x2AA800, s0;
	s11 =	smul.u32 $0x4F000, s12;
	s24 =	sshll.u32 s12, $0x6  }
0x9: {  	_ =	strace $0x8000004A;
	s7 =	sshll.u32 s2, $0x4;
	s9 =	smul.u32 $0x27800, s2  }
0xa: {  	s2 =	ssub.s32 $0x2, s2;
	s10 =	sor.u32 s12, s7;
	s7 =	sadd.s32 $0x16800, s0  }
0xb: {  	s21 =	sshrl.u32 s2, $0x1;
	s23 =	sshrl.u32 s11, $0x2;
	s12 =	sor.u32 $0x1C06, s24  }
0xc: {  	s24 =	simm.s32 $0x200;
	s11 =	simm.s32 $0x0;
	s8 =	smul.u32 $0x28, s10  }
0xd: {  	s4 =	sadd.s32 s4, s9;
	s2 =	ssub.s32 s2, s21;
	s22 =	smul.u32 $0x500, s10  }
0xe: {  	s10 =	smul.u32 $0x14000, s10;
	s9 =	sadd.s32 s23, s3;
	s21 =	simm.s32 $0x40  }
0xf: {  	s23 =	simm.s32 $0x6200;
	[dreg:$0x5] =	wrdreg s12;
	s0 =	sadd.s32 s4, s0  }
0x10: {  	s26 =	smax.u32 s2, $0x1;
	s2 =	simm.s32 $0x180;
	s4 =	sadd.s32 s7, s22  }
0x11: {  	s25 =	sadd.s32 s6, s10;
	s13 =	sor.u32 $0x1, s8;
	[dreg:$0xa] =	wrdreg s26  }
.Ltmp0:
0x12: {  	s14 =	sor.u32 $0x3, s8;
	[dreg:$0x6] =	wrdreg s4;
	(pc) =	sbr.rel .LBB2_1-.Ltmp0, $4  }
0x13: {  	s0 =	sadd.s32 $0x2A800, s0;
	s10 =	sshrl.u32 s9, $0x3;
	[dreg:$0x8] =	wrdreg s25  }
0x14: {  	s22 =	simm.s32 $0x4200;
	s26 =	simm.s32 $0x8200;
	[dreg:$0x9] =	wrdreg s0  }
0x15: {  	s4 =	sadd.s32 $0x20, s4;
	s25 =	simm.s32 $0x5;
	[dreg:$0xb] =	wrdreg s10  }
0x16: {  	s0 =	simm.s32 $0x80;
	[dreg:$0x7] =	wrdreg s4;
	s4 =	simm.s32 $0x3  }
.LBB2_8:
0x17: {  	[bflag:$0x0] =	sbarrier.arrive $0xFFFF  }
0x18: {  	s12 =	rddreg [dreg:$0x5]  }
0x19: {  	s9 =	rddreg [dreg:$0x9]  }
0x1a: {  	s10 =	rddreg [dreg:$0xb]  }
0x1b: {  	[hbm:s9], [sflag:s12] =	dma.local [spmem:s10], $0x2780  }
0x1c: {  	_ =	swait.ge [sflag:s18], $0x2780  }
0x1d: {  	s11 =	sadd.s32 $0x1, s11;
	s17 =	rddreg [dreg:$0xa]  }
0x1e: {  	p0 =	sne.s32 s11, s17  }
.Ltmp1:
0x1f: {  	_ = 	snop;
	(pc) =	sbr.rel @!p0 .LBB2_9-.Ltmp1, $3  }
0x20: {  	_ =	sdelay $0x1  }
0x21: {  	[sflag:s18] =	ssyncset.done $0x0  }
0x22: {  	[sflag:s18] =	ssyncadd.s32 $0xFFFFD880  }
.LBB2_1:
0x23: {  	s9 =	rddreg [dreg:$0x2]  }
0x24: {  	[spmem:s10], [sflag:s12] =	dma.local [hbm:s9], $0x2780  }
0x25: {  	_ =	swait.ge [sflag:s18], $0x2780  }
0x26: {  	[sflag:s18] =	ssyncset.done $0x0  }
0x27: {  	[sflag:s18] =	ssyncadd.s32 $0xFFFFD880  }
0x28: {  	[bflag:$0x0] =	sbarrier.arrive $0xFFFF  }
0x29: {  	s15 =	rddreg [dreg:$0x6]  }
0x2a: {  	[tilespmem:s5], [sflag:$0x4] =	stream.linear.gather [hbm4b:s15+s5], $0x100, $0x38;
	[tilespmem:$0x1FE00] =	vst v63  }
0x2b: {  	_ =	swait.ge [sflag:s19], $0x100  }
0x2c: {  	[sflag:s19] =	ssyncset.done $0x0  }
0x2d: {  	s16 =	rddreg [dreg:$0x7];
	[sflag:s19] =	ssyncadd.s32 $0xFFFFFF00  }
0x2e: {  	[tilespmem:s20], [sflag:$0x5] =	stream.linear.gather [hbm4b:s16+s5], $0x100, $0x38;
	[tilespmem:$0x1FE00] =	vst v63  }
0x2f: {  	_ = 	snop  }
0x30: {  	[tilespmem:s22], [sflag:$0x2] =	stream.indirect.gather [hbm4b:s1+s21], $0x80, s5, s21, $0xb8;
	[tilespmem:$0x1FE00] =	vst v63  }
0x31: {  	_ = 	snop  }
0x32: {  	[tilespmem:s23], [sflag:$0x2] =	stream.indirect.gather [hbm4b:s1+s21], $0x80, s21, s21, $0xb8;
	[tilespmem:$0x1FE00] =	vst v63  }
0x33: {  	s12 =	simm.s32 $0x0;
	s17 =	rddreg [dreg:$0x8]  }
0x34: {  	[tilespmem:s24], [sflag:$0x1] =	stream.linear.gather [hbm4b:s17+s5], $0x4000, $0x38;
	[tilespmem:$0x1FE00] =	vst v63  }
.LBB2_2:
0x35: {  	_ =	swait.ge [sflag:s25], $0x100  }
0x36: {  	[sflag:s25] =	ssyncset.done $0x0  }
0x37: {  	[sflag:s25] =	ssyncadd.s32 $0xFFFFFF00  }
0x38: {  	[tilespmem:s26], [sflag:$0x3] =	stream.indirect.gather [hbm4b:s1+s21], $0x80, s20, s21, $0xb8;
	[tilespmem:$0x1FE00] =	vst v63  }
0x39: {  	_ = 	snop  }
0x3a: {  	[tilespmem:s29], [sflag:$0x3] =	stream.indirect.gather [hbm4b:s1+s21], $0x80, s28, s21, $0xb8;
	[tilespmem:$0x1FE00] =	vst v63  }
0x3b: {  	_ =	swait.ge [sflag:s30], $0x4000  }
0x3c: {  	[sflag:s30] =	ssyncset.done $0x0  }
0x3d: {  	[sflag:s30] =	ssyncadd.s32 $0xFFFFC000  }
0x3e: {  	_ =	swait.ge [sflag:s31], $0x2000  }
0x3f: {  	[sflag:s31] =	ssyncset.done $0x0  }
0x40: {  	[sflag:s31] =	ssyncadd.s32 $0xFFFFE000  }
0x41: {  	_ =	swait.ge [sflag:s31], $0x2000  }
0x42: {  	[sflag:s31] =	ssyncset.done $0x0  }
0x43: {  	s16 =	simm.s32 $0x0;
	[sflag:s31] =	ssyncadd.s32 $0xFFFFE000  }
0x44: {  	v6 =	vld [tilespmem:s16+$0x200]  }
0x45: {  	v11 =	vld [tilespmem:s16+$0x210]  }
0x46: {  	v5 =	vld [tilespmem:s16+$0x220]  }
0x47: {  	v4 =	vld [tilespmem:s16+$0x230]  }
0x48: {  	v3 =	vld [tilespmem:s16+$0x240]  }
0x49: {  	v2 =	vld [tilespmem:s16+$0x250]  }
0x4a: {  	v1 =	vld [tilespmem:s16+$0x260]  }
0x4b: {  	v0 =	vld [tilespmem:s16+$0x270]  }
0x4c: {  	v12 =	vld [tilespmem:s16+$0x4200]  }
0x4d: {  	v13 =	vld [tilespmem:s16+$0x4210]  }
0x4e: {  	v10 =	vld [tilespmem:s16+$0x4220]  }
0x4f: {  	v9 =	vld [tilespmem:s16+$0x4230]  }
0x50: {  	v8 =	vld [tilespmem:s16+$0x4240]  }
0x51: {  	v7 =	vld [tilespmem:s16+$0x4250];
	v12 =	vmul.f32 v6, v12  }
0x52: {  	s10 =	simm.s32 $0x200;
	v11 =	vmul.f32 v11, v13;
	v6 =	vld [tilespmem:s16+$0x4260]  }
.LBB2_3:
0x53: {  	s9 =	sshra.s32 s10, $0x2;
	p0 =	sne.s32 s10, $0xFE00;
	[tilespmem:s16+$0x4200] =	vst v12;
	v5 =	vmul.f32 v5, v10;
	v10 =	vld [tilespmem:s16+$0x4270]  }
0x54: {  	v12 =	vld [tilespmem:s9+$0x200];
	[tilespmem:s16+$0x4210] =	vst v11;
	v4 =	vmul.f32 v4, v9  }
0x55: {  	v11 =	vld [tilespmem:s9+$0x210];
	[tilespmem:s16+$0x4220] =	vst v5;
	v3 =	vmul.f32 v3, v8  }
0x56: {  	v5 =	vld [tilespmem:s9+$0x220];
	[tilespmem:s16+$0x4230] =	vst v4;
	v2 =	vmul.f32 v2, v7  }
0x57: {  	v4 =	vld [tilespmem:s9+$0x230];
	[tilespmem:s16+$0x4240] =	vst v3;
	v1 =	vmul.f32 v1, v6  }
0x58: {  	v3 =	vld [tilespmem:s9+$0x240];
	[tilespmem:s16+$0x4250] =	vst v2;
	v0 =	vmul.f32 v0, v10  }
0x59: {  	v2 =	vld [tilespmem:s9+$0x250];
	[tilespmem:s16+$0x4260] =	vst v1  }
0x5a: {  	v1 =	vld [tilespmem:s9+$0x260];
	[tilespmem:s16+$0x4270] =	vst v0;
	s16 =	smov.u32 s9  }
0x5b: {  	v0 =	vld [tilespmem:s16+$0x270]  }
0x5c: {  	v6 =	vld [tilespmem:s16+$0x4200]  }
0x5d: {  	v13 =	vld [tilespmem:s16+$0x4210]  }
.Ltmp2:
0x5e: {  	v10 =	vld [tilespmem:s16+$0x4220];
	(pc) =	sbr.rel @p0 .LBB2_3-.Ltmp2, $4  }
0x5f: {  	v9 =	vld [tilespmem:s16+$0x4230]  }
0x60: {  	v8 =	vld [tilespmem:s16+$0x4240]  }
0x61: {  	v12 =	vmul.f32 v12, v6;
	v7 =	vld [tilespmem:s16+$0x4250]  }
0x62: {  	s10 =	sadd.s32 $0x200, s10;
	v11 =	vmul.f32 v11, v13;
	v6 =	vld [tilespmem:s16+$0x4260]  }
0x63: {  	[tilespmem:s16+$0x4200] =	vst v12;
	v5 =	vmul.f32 v5, v10;
	v10 =	vld [tilespmem:s16+$0x4270]  }
0x64: {  	[tilespmem:s16+$0x4210] =	vst v11;
	v4 =	vmul.f32 v4, v9  }
0x65: {  	[tilespmem:s16+$0x4220] =	vst v5;
	v3 =	vmul.f32 v3, v8  }
0x66: {  	s15 =	sshll.u32 s12, $0x1;
	[tilespmem:s16+$0x4230] =	vst v4;
	v2 =	vmul.f32 v2, v7  }
0x67: {  	s9 =	sadd.s32 s15, s13;
	[tilespmem:s16+$0x4240] =	vst v3;
	v1 =	vmul.f32 v1, v6  }
0x68: {  	s9 =	sshll.u32 s9, $0xB;
	[tilespmem:s16+$0x4250] =	vst v2;
	v0 =	vmul.f32 v0, v10  }
0x69: {  	s9 =	sand.u32 $0x1FFFF800, s9;
	[tilespmem:s16+$0x4260] =	vst v1  }
0x6a: {  	p0 =	seq.s32 s12, $0x13;
	s9 =	sadd.s32 s6, s9;
	[tilespmem:s16+$0x4270] =	vst v0;
	s16 =	sadd.s32 $0x2, s15  }
0x6b: {  	[tilespmem:s24], [sflag:$0x1] =	stream.linear.gather [hbm4b:s9+s5], $0x4000, $0x38;
	[tilespmem:$0x1FE00] =	vst v63  }
0x6c: {  	s9 =	sadd.s32 @!p0 s8, s16  }
0x6d: {  	[spmem:s3] =	stream.indirect.scatter.add.f32 [tilespmem:s22], [sflag:$0x6], $0x80, s0, s0, $0xb8;
	[tilespmem:$0x1FE00] =	vst v63  }
0x6e: {  	s9 =	sshll.u32 @!p0 s9, $0x5;
	_ =	swait.ge [sflag:s18], $0x4000  }
0x6f: {  	s9 =	sand.u32 @!p0 $0x1FFFFFC0, s9;
	[sflag:s18] =	ssyncset.done $0x0  }
0x70: {  	s10 =	simm.s32 @!p0 $0x0;
	s9 =	sadd.s32 @!p0 s7, s9;
	[sflag:s18] =	ssyncadd.s32 $0xFFFFC000  }
0x71: {  	[tilespmem:s10], [sflag:$0x4] =	stream.linear.gather @!p0 [hbm4b:s9+s10], $0x100, $0x38;
	[tilespmem:$0x1FE00] =	vst v63  }
0x72: {  	_ =	swait.ge [sflag:s30], $0x4000  }
0x73: {  	[sflag:s30] =	ssyncset.done $0x0  }
0x74: {  	[sflag:s30] =	ssyncadd.s32 $0xFFFFC000  }
0x75: {  	_ =	swait.ge [sflag:s4], $0x2000  }
0x76: {  	[sflag:s4] =	ssyncset.done $0x0  }
0x77: {  	[sflag:s4] =	ssyncadd.s32 $0xFFFFE000  }
0x78: {  	_ =	swait.ge [sflag:s4], $0x2000  }
0x79: {  	[sflag:s4] =	ssyncset.done $0x0  }
0x7a: {  	s10 =	simm.s32 $0x0;
	[sflag:s4] =	ssyncadd.s32 $0xFFFFE000  }
0x7b: {  	v7 =	vld [tilespmem:s10+$0x200]  }
0x7c: {  	v11 =	vld [tilespmem:s10+$0x210]  }
0x7d: {  	v5 =	vld [tilespmem:s10+$0x220]  }
0x7e: {  	v4 =	vld [tilespmem:s10+$0x230]  }
0x7f: {  	v3 =	vld [tilespmem:s10+$0x240]  }
0x80: {  	v2 =	vld [tilespmem:s10+$0x250]  }
0x81: {  	v1 =	vld [tilespmem:s10+$0x260]  }
0x82: {  	v0 =	vld [tilespmem:s10+$0x270]  }
0x83: {  	v12 =	vld [tilespmem:s10+$0x8200]  }
0x84: {  	v13 =	vld [tilespmem:s10+$0x8210]  }
0x85: {  	v10 =	vld [tilespmem:s10+$0x8220]  }
0x86: {  	v9 =	vld [tilespmem:s10+$0x8230]  }
0x87: {  	v8 =	vld [tilespmem:s10+$0x8240]  }
0x88: {  	v6 =	vld [tilespmem:s10+$0x8250];
	v12 =	vmul.f32 v7, v12  }
0x89: {  	s9 =	simm.s32 $0x200;
	v11 =	vmul.f32 v11, v13;
	v7 =	vld [tilespmem:s10+$0x8260]  }
.LBB2_5:
0x8a: {  	s17 =	sshra.s32 s9, $0x2;
	p1 =	sne.s32 s9, $0xFE00;
	[tilespmem:s10+$0x8200] =	vst v12;
	v5 =	vmul.f32 v5, v10;
	v10 =	vld [tilespmem:s10+$0x8270]  }
0x8b: {  	v12 =	vld [tilespmem:s17+$0x200];
	[tilespmem:s10+$0x8210] =	vst v11;
	v4 =	vmul.f32 v4, v9  }
0x8c: {  	v11 =	vld [tilespmem:s17+$0x210];
	[tilespmem:s10+$0x8220] =	vst v5;
	v3 =	vmul.f32 v3, v8  }
0x8d: {  	v5 =	vld [tilespmem:s17+$0x220];
	[tilespmem:s10+$0x8230] =	vst v4;
	v2 =	vmul.f32 v2, v6  }
0x8e: {  	v4 =	vld [tilespmem:s17+$0x230];
	[tilespmem:s10+$0x8240] =	vst v3;
	v1 =	vmul.f32 v1, v7  }
0x8f: {  	v3 =	vld [tilespmem:s17+$0x240];
	[tilespmem:s10+$0x8250] =	vst v2;
	v0 =	vmul.f32 v0, v10  }
0x90: {  	v2 =	vld [tilespmem:s17+$0x250];
	[tilespmem:s10+$0x8260] =	vst v1  }
0x91: {  	v1 =	vld [tilespmem:s17+$0x260];
	[tilespmem:s10+$0x8270] =	vst v0;
	s10 =	smov.u32 s17  }
0x92: {  	v0 =	vld [tilespmem:s10+$0x270]  }
0x93: {  	v6 =	vld [tilespmem:s10+$0x8200]  }
0x94: {  	v7 =	vld [tilespmem:s10+$0x8210]  }
.Ltmp3:
0x95: {  	v10 =	vld [tilespmem:s10+$0x8220];
	(pc) =	sbr.rel @p1 .LBB2_5-.Ltmp3, $4  }
0x96: {  	v9 =	vld [tilespmem:s10+$0x8230]  }
0x97: {  	v8 =	vld [tilespmem:s10+$0x8240]  }
0x98: {  	v12 =	vmul.f32 v12, v6;
	v6 =	vld [tilespmem:s10+$0x8250]  }
0x99: {  	s9 =	sadd.s32 $0x200, s9;
	v11 =	vmul.f32 v11, v7;
	v7 =	vld [tilespmem:s10+$0x8260]  }
0x9a: {  	[tilespmem:s10+$0x8200] =	vst v12;
	v5 =	vmul.f32 v5, v10;
	v63 =	vld [tilespmem:s10+$0x8270]  }
0x9b: {  	[tilespmem:s10+$0x8210] =	vst v11;
	v4 =	vmul.f32 v4, v9  }
0x9c: {  	[tilespmem:s10+$0x8220] =	vst v5;
	v3 =	vmul.f32 v3, v8  }
0x9d: {  	[tilespmem:s10+$0x8230] =	vst v4;
	v2 =	vmul.f32 v2, v6  }
0x9e: {  	[tilespmem:s10+$0x8240] =	vst v3;
	v1 =	vmul.f32 v1, v7  }
0x9f: {  	[tilespmem:s10+$0x8250] =	vst v2;
	v0 =	vmul.f32 v0, v63  }
0xa0: {  	[tilespmem:s10+$0x8260] =	vst v1  }
.Ltmp4:
0xa1: {  	[tilespmem:s10+$0x8270] =	vst v0;
	(pc) =	sbr.rel @p0 .LBB2_8-.Ltmp4, $4  }
0xa2: {  	[spmem:s3] =	stream.indirect.scatter.add.f32 [tilespmem:s26], [sflag:$0x6], $0x80, s2, s0, $0xb8;
	[tilespmem:$0x1FE00] =	vst v63  }
0xa3: {  	_ =	swait.ge [sflag:s18], $0x4000  }
0xa4: {  	[sflag:s18] =	ssyncset.done $0x0  }
0xa5: {  	[sflag:s18] =	ssyncadd.s32 $0xFFFFC000  }
0xa6: {  	_ =	swait.ge [sflag:s19], $0x100  }
0xa7: {  	s9 =	sadd.s32 s8, s16;
	[sflag:s19] =	ssyncset.done $0x0  }
0xa8: {  	s9 =	sshll.u32 s9, $0xB;
	[sflag:s19] =	ssyncadd.s32 $0xFFFFFF00  }
0xa9: {  	[tilespmem:s22], [sflag:$0x2] =	stream.indirect.gather [hbm4b:s1+s21], $0x80, s5, s21, $0xb8;
	[tilespmem:$0x1FE00] =	vst v63  }
0xaa: {  	s9 =	sand.u32 $0x1FFFF000, s9  }
0xab: {  	[tilespmem:s23], [sflag:$0x2] =	stream.indirect.gather [hbm4b:s1+s21], $0x80, s21, s21, $0xb8;
	[tilespmem:$0x1FE00] =	vst v63  }
0xac: {  	s9 =	sadd.s32 s6, s9  }
0xad: {  	[tilespmem:s24], [sflag:$0x1] =	stream.linear.gather [hbm4b:s9+s5], $0x4000, $0x38;
	[tilespmem:$0x1FE00] =	vst v63  }
.Ltmp5:
0xae: {  	s17 =	sadd.s32 s15, s14;
	(pc) =	sbr.rel .LBB2_2-.Ltmp5, $4  }
0xaf: {  	s9 =	sshll.u32 s17, $0x5  }
0xb0: {  	s9 =	sand.u32 $0x1FFFFFE0, s9  }
0xb1: {  	s12 =	sadd.s32 $0x1, s12;
	s9 =	sadd.s32 s7, s9  }
0xb2: {  	[tilespmem:s20], [sflag:$0x5] =	stream.linear.gather [hbm4b:s9+s5], $0x100, $0x38;
	[tilespmem:$0x1FE00] =	vst v63  }
.LBB2_9:
0xb3: {  	_ =	sfence.sel $0x180000  }
0xb4: {  	[bflag:$0x0] =	sbarrier.arrive $0xFFFF  }
0xb5: {  	_ =	strace $0x9000004A  }
0xb6: {  	s0 =	stileid.u32;
	[bflag:$0x2] =	sbarrier.arrive $0xFFFF  }
0xb7: {  	p0 =	sne.s32 s0, $0x0;
	s0 =	rddreg [dreg:$0x4]  }
0xb8: {  	s0 =	sadd.s32 @!p0 $0x100000, s0  }
0xb9: {  	[sflag:s0] =	ssyncadd.tile.s32 @!p0 $0x1;
	_ =	shalt  }
.Lfunc_end2:
_tile_overlayer_lowered:
.L_overlay_start_2:
0xba: {  	(tag) =	ssettag $0x2  }
0xbb: {  	s0 =	rddreg [dreg:$0x0];
	s2 =	stileid.u32  }
0xbc: {  	s1 =	rddreg [dreg:$0x1];
	p0 =	sne.s32 s2, $0x0  }
0xbd: {  	s3 =	rddreg [dreg:$0x2];
	[bflag:$0x3] =	sbarrier.arrive $0xFFFF;
	s2 =	simm.s32 @!p0 $0x1C06  }
0xbe: {  	[timem:s3], [sflag:s2] =	dma.local @!p0 [hbm:s0], s1  }
0xbf: {  	s0 =	simm.s32 @!p0 $0x6  }
0xc0: {  	_ =	swait.ge @!p0 [sflag:s0], s1  }
0xc1: {  	s1 =	ssub.s32 @!p0 $0x0, s1;
	[sflag:s0] =	ssyncset.done @!p0 $0x0  }
0xc2: {  	[sflag:s0] =	ssyncadd.s32 @!p0 s1  }
0xc3: {  	[bflag:$0x3] =	sbarrier.arrive $0xFFFF  }
0xc4: {  	_ =	shalt  }

// kernel: kernel.14.cloned.1.call-start
scs
__scs_entry_jumppad:
0x0: {  	(pc) =	sbr.rel $0x88, $3  }
0x1: {  	(tag) =	ssettag $0x0;
	lr =	simm.s32 $0x1  }
0x2: {  	[smem:$0x3F95] =	sst lr;
	_ =	strace $0xD0000000  }
0x3: {  	_ = 	snop  }
0x4: {  	_ = 	snop  }
0x5: {  	_ = 	snop  }
0x6: {  	_ = 	snop  }
0x7: {  	_ = 	snop  }
__scs_overlays_trampoline_lowered:
0x8: {  	[smem:$0x3FA4] =	sst s0  }
0x9: {  	[smem:$0x3FA5] =	sst s1  }
0xa: {  	[smem:$0x3FA6] =	sst s2  }
0xb: {  	[smem:$0x3FA7] =	sst s3  }
0xc: {  	[smem:$0x3FA8] =	sst s4  }
0xd: {  	[smem:$0x3FA9] =	sst s5  }
0xe: {  	[smem:$0x3FAA] =	sst s6  }
0xf: {  	[smem:$0x3FAB] =	sst s7  }
0x10: {  	[smem:$0x3FAC] =	sst s8  }
0x11: {  	[smem:$0x3FAD] =	sst s9;
	s0 =	simm.s32 @!p0 $0x0  }
0x12: {  	s1 =	sld [smem:$0x3F93];
	s0 =	simm.s32 @p0 $0x1  }
0x13: {  	[smem:$0x3FAE] =	sst s0;
	s0 =	simm.s32 @!p1 $0x0  }
0x14: {  	s2 =	sld [smem:$0x3F92];
	s0 =	simm.s32 @p1 $0x1  }
0x15: {  	[smem:$0x3FAF] =	sst s0;
	s0 =	simm.s32 @!p2 $0x0  }
0x16: {  	s3 =	sld [smem:$0x3FDB];
	s0 =	simm.s32 @p2 $0x1  }
0x17: {  	s4 =	simm.s32 $0x1BF5;
	[smem:$0x3FB1] =	sst s0  }
0x18: {  	s0 =	sld [smem:$0x3F94];
	_ =	swait.ge [sflag:s4], $0x0  }
0x19: {  	s7 =	sld [smem:$0x3F95]  }
0x1a: {  	s8 =	sadd.s32 $0xFFFFE003, lr  }
0x1b: {  	s9 =	sadd.s32 $0xFFFFFEF7, lr;
	s5 =	simm.s32 $0xFFFFFFFF;
	p2 =	slt.u32 s8, $0xFFFFF086  }
0x1c: {  	p1 =	slt.u32 s9, $0xF7A;
	s5 =	simm.s32 @!p2 $0x0  }
0x1d: {  	s5 =	simm.s32 @p1 $0x1;
	p0 =	seq.s32 s7, s2  }
0x1e: {  	s7 =	smul.u32 @!p0 $0xF7A, s2;
	p2 =	seq.s32 @!p0 s5, $0x0  }
0x1f: {  	s9 =	smul.u32 $0xF7A, s1;
	s8 =	simm.s32 @!p0 $0x1BF5;
	p2 =	por !p2, p0  }
0x20: {  	[sflag:s8] =	ssyncset.s32 @!p0 $0xFFFFF086;
	s6 =	sadd.s32 @!p0 s3, s7;
	s7 =	simm.s32 @!p0 $0x108  }
0x21: {  	s3 =	sadd.s32 s3, s9;
	s6 =	sadd.s32 @!p0 $0x88, s6;
	s7 =	simm.s32 @p2 $0x1082  }
0x22: {  	[simem:s7], [sflag:s8] =	dma.local @!p0 [hbm:s6], $0xF7A  }
0x23: {  	s9 =	sor.u32 $0xD0000000, s2;
	s6 =	simm.s32 $0x108;
	_ =	swait.ge @!p0 [sflag:s8], $0x0  }
0x24: {  	s3 =	sadd.s32 $0x88, s3;
	s6 =	simm.s32 @!p1 $0x1082;
	[sflag:s4] =	ssyncset.s32 $0xFFFFF086  }
0x25: {  	[simem:s6], [sflag:s4] =	dma.local [hbm:s3], $0xF7A  }
0x26: {  	[smem:$0x3F95] =	sst s1;
	(tag) =	ssettag s2;
	_ =	strace s9  }
0x27: {  	s1 =	sld [smem:$0x3FA5]  }
0x28: {  	s2 =	sld [smem:$0x3FA6]  }
0x29: {  	s4 =	sld [smem:$0x3FA8]  }
0x2a: {  	p0 =	seq.s32 s5, $0x0;
	s5 =	sld [smem:$0x3FA9]  }
0x2b: {  	s6 =	sld [smem:$0x3FAA]  }
0x2c: {  	s7 =	sld [smem:$0x3FAB]  }
0x2d: {  	s3 =	simm.s32 $0x108;
	s8 =	sld [smem:$0x3FAC]  }
0x2e: {  	s3 =	simm.s32 @!p0 $0x1082;
	s9 =	sld [smem:$0x3FAD]  }
0x2f: {  	lr =	sadd.s32 s0, s3;
	s0 =	sld [smem:$0x3FA4]  }
0x30: {  	s3 =	sld [smem:$0x3FA7]  }
0x31: {  	[smem:$0x3FB0] =	sst s10  }
0x32: {  	s10 =	sld [smem:$0x3FAE];
	_ =	sdelay $0x3  }
0x33: {  	p0 =	seq.s32 s10, $0x1;
	s10 =	sld [smem:$0x3FB0];
	_ =	sdelay $0x3  }
0x34: {  	[smem:$0x3FB0] =	sst s10  }
0x35: {  	s10 =	sld [smem:$0x3FAF];
	_ =	sdelay $0x3  }
0x36: {  	p1 =	seq.s32 s10, $0x1;
	s10 =	sld [smem:$0x3FB0];
	_ =	sdelay $0x3  }
0x37: {  	[smem:$0x3FB0] =	sst s10  }
0x38: {  	s10 =	sld [smem:$0x3FB1]  }
0x39: {  	_ = 	snop;
	(pc) =	sbr.ind lr, $3  }
0x3a: {  	_ = 	snop  }
0x3b: {  	_ = 	snop  }
0x3c: {  	p2 =	seq.s32 s10, $0x1;
	s10 =	sld [smem:$0x3FB0]  }
0x3d: {  	_ =	shalt  }
0x3e: {  	_ =	shalt  }
0x3f: {  	_ =	shalt  }
0x40: {  	_ =	shalt  }
0x41: {  	_ =	shalt  }
0x42: {  	_ =	shalt  }
0x43: {  	_ =	shalt  }
0x44: {  	_ =	shalt  }
0x45: {  	_ =	shalt  }
0x46: {  	_ =	shalt  }
0x47: {  	_ =	shalt  }
0x48: {  	_ =	shalt  }
0x49: {  	_ =	shalt  }
0x4a: {  	_ =	shalt  }
0x4b: {  	_ =	shalt  }
0x4c: {  	_ =	shalt  }
0x4d: {  	_ =	shalt  }
0x4e: {  	_ =	shalt  }
0x4f: {  	_ =	shalt  }
0x50: {  	_ =	shalt  }
0x51: {  	_ =	shalt  }
0x52: {  	_ =	shalt  }
0x53: {  	_ =	shalt  }
0x54: {  	_ =	shalt  }
0x55: {  	_ =	shalt  }
0x56: {  	_ =	shalt  }
0x57: {  	_ =	shalt  }
0x58: {  	_ =	shalt  }
0x59: {  	_ =	shalt  }
0x5a: {  	_ =	shalt  }
0x5b: {  	_ =	shalt  }
0x5c: {  	_ =	shalt  }
0x5d: {  	_ =	shalt  }
0x5e: {  	_ =	shalt  }
0x5f: {  	_ =	shalt  }
0x60: {  	_ =	shalt  }
0x61: {  	_ =	shalt  }
0x62: {  	_ =	shalt  }
0x63: {  	_ =	shalt  }
0x64: {  	_ =	shalt  }
0x65: {  	_ =	shalt  }
0x66: {  	_ =	shalt  }
0x67: {  	_ =	shalt  }
0x68: {  	_ =	shalt  }
0x69: {  	_ =	shalt  }
0x6a: {  	_ =	shalt  }
0x6b: {  	_ =	shalt  }
0x6c: {  	_ =	shalt  }
0x6d: {  	_ =	shalt  }
0x6e: {  	_ =	shalt  }
0x6f: {  	_ =	shalt  }
0x70: {  	_ =	shalt  }
0x71: {  	_ =	shalt  }
0x72: {  	_ =	shalt  }
0x73: {  	_ =	shalt  }
0x74: {  	_ =	shalt  }
0x75: {  	_ =	shalt  }
0x76: {  	_ =	shalt  }
0x77: {  	_ =	shalt  }
0x78: {  	_ =	shalt  }
0x79: {  	_ =	shalt  }
0x7a: {  	_ =	shalt  }
0x7b: {  	_ =	shalt  }
0x7c: {  	_ =	shalt  }
0x7d: {  	_ =	shalt  }
0x7e: {  	_ =	shalt  }
0x7f: {  	_ =	shalt  }
0x80: {  	_ =	shalt  }
0x81: {  	_ =	shalt  }
0x82: {  	_ =	shalt  }
0x83: {  	_ =	shalt  }
0x84: {  	_ =	shalt  }
0x85: {  	_ =	shalt  }
0x86: {  	_ =	shalt  }
0x87: {  	_ =	shalt  }
.Lfunc_end0:
.L_simem_size_0:
called_computation.2_lowered:
.L_overlay_start_0:
0x88: {  	s2 =	sld [smem:$0x3FD9]  }
0x89: {  	s3 =	sld [smem:$0x3FFE];
	_ =	sdelay $0x1  }
0x8a: {  	s1 =	srdreg.scid  }
0x8b: {  	s0 =	sand.u32 $0x1, s1  }
0x8c: {  	s17 =	sshll.u32 s0, $0xA;
	s2 =	sadd.s32 s3, s2  }
0x8d: {  	s2 =	sadd.s32 s2, s17  }
0x8e: {  	[smem:$0x3FBC] =	sst s2  }
0x8f: {  	_ = 	snop  }
0x90: {  	s18 =	sld [smem:$0x3FC9]  }
0x91: {  	s4 =	sld [smem:$0x3FD0];
	(tm) =	ssettm $0x1  }
0x92: {  	s19 =	sld [smem:$0x3FFB];
	_ =	sdelay $0x3  }
0x93: {  	_ =	strace s19  }
0x94: {  	s2 =	sld [smem:$0x3FFC];
	_ =	sdelay $0x3  }
0x95: {  	_ =	strace s2  }
0x96: {  	s2 =	sld [smem:$0x3FFD];
	_ =	sdelay $0x3  }
0x97: {  	_ =	strace s2  }
0x98: {  	_ =	strace $0x8FFFFFFF  }
0x99: {  	s20 =	sld [smem:$0x3FDB];
	_ =	sdelay $0x1  }
0x9a: {  	s5 =	simm.s32 $_scs_section_size  }
0x9b: {  	s6 =	simm.s32 $_size__tile_overlayer_lowered;
	s7 =	simm.s32 $_tile_overlayer_lowered  }
0x9c: {  	s8 =	simm.s32 $0x1BFF;
	s21 =	sshll.u32 s7, $0x1;
	s5 =	sadd.s32 s5, s20  }
0x9d: {  	s22 =	simm.s32 $0x0;
	s6 =	sshll.u32 s6, $0x1;
	s7 =	sadd.s32 s21, s5  }
0x9e: {  	[timem:s22], [sflag:s8] =	dma.local [hbm:s7], s6  }
0x9f: {  	_ =	swait.ge [sflag:s8], s6  }
0xa0: {  	s6 =	ssub.s32 $0x0, s6;
	[sflag:s8] =	ssyncset.done $0x0  }
0xa1: {  	[sflag:s8] =	ssyncadd.s32 s6;
	_ =	sdelay $0x1  }
0xa2: {  	s23 =	simm.s32 $0x1B8B  }
0xa3: {  	_ =	swait.ge [sflag:s23], $0x1  }
0xa4: {  	[sflag:s23] =	ssyncset.done $0x0  }
0xa5: {  	[sflag:s23] =	ssyncadd.s32 $0xFFFFFFFF  }
0xa6: {  	s6 =	sld [smem:$0x0]  }
0xa7: {  	s7 =	sand.u32 $0xFFFFFFFE, s1  }
0xa8: {  	p0 =	sne.s32 s1, s7  }
0xa9: {  	s7 =	sshll.u32 @p0 s7, $0xE  }
0xaa: {  	s7 =	sadd.s32 @p0 $0x11B8D, s7;
	s8 =	sshll.u32 @p0 s6, $0x11  }
0xab: {  	s7 =	sor.u32 @p0 s8, s7  }
0xac: {  	[sflag:s7] =	ssyncadd.remote.s32 @p0 $0x1;
	_ =	sdelay $0x1  }
0xad: {  	s7 =	simm.s32 @p0 $0x1B8D  }
0xae: {  	_ =	swait.eq @p0 [sflag:s7], $0x1  }
0xaf: {  	[sflag:s7] =	ssyncadd.s32 @p0 $0xFFFFFFFF  }
0xb0: {  	s8 =	sshll.u32 @!p0 s1, $0xE  }
0xb1: {  	s8 =	sor.u32 @!p0 $0x4000, s8;
	s7 =	simm.s32 @!p0 $0x1B8D  }
0xb2: {  	s6 =	sshll.u32 @!p0 s6, $0x11;
	s8 =	sadd.s32 @!p0 $0x11B8D, s8;
	_ =	swait.eq @!p0 [sflag:s7], $0x1  }
0xb3: {  	s6 =	sor.u32 @!p0 s6, s8;
	[sflag:s7] =	ssyncadd.s32 @!p0 $0xFFFFFFFF  }
0xb4: {  	s25 =	simm.s32 $0x1B8E;
	s24 =	sld [smem:$0x3FFE];
	[sflag:s6] =	ssyncadd.remote.s32 @!p0 $0x1  }
0xb5: {  	s26 =	simm.s32 $execute0_lowered;
	[smem:$0x3FD2] =	sst s25  }
0xb6: {  	s7 =	sshll.u32 s26, $0x1;
	_ =	strace $0x8000004C;
	[dreg:$0x1] =	wrdreg $0xFFFFFFFF  }
0xb7: {  	s28 =	simm.s32 $_size_execute0_lowered;
	s5 =	sadd.s32 s5, s7;
	[dreg:$0x0] =	wrdreg $0x0  }
0xb8: {  	s7 =	sshll.u32 s28, $0x1;
	[dreg:$0x2] =	wrdreg s5  }
0xb9: {  	[dreg:$0x3] =	wrdreg s7  }
0xba: {  	[dreg:$0x4] =	wrdreg $0xC0  }
0xbb: {  	_ =	task [dreg:s22], $0x5FFFF  }
0xbc: {  	[dreg:$0x1] =	wrdreg $0xFFFFFFFF  }
0xbd: {  	[dreg:$0x0] =	wrdreg $0x60  }
0xbe: {  	[dreg:$0x2] =	wrdreg s24  }
0xbf: {  	[dreg:$0x3] =	wrdreg s18  }
0xc0: {  	[dreg:$0x4] =	wrdreg s4  }
0xc1: {  	[dreg:$0x5] =	wrdreg $0xC2000  }
0xc2: {  	[dreg:$0x6] =	wrdreg $0xA  }
0xc3: {  	_ =	task.clear_ibuf [dreg:s22], $0x7FFFF;
	_ =	strace $0x9000004C  }
0xc4: {  	s29 =	simm.s32 $0xA;
	_ =	strace $0x8000004E  }
0xc5: {  	_ =	swait.ge [sflag:s29], $0x1  }
0xc6: {  	[sflag:s29] =	ssyncadd.s32 $0xFFFFFFFF  }
0xc7: {  	_ =	strace $0x9000004E  }
0xc8: {  	_ =	sfence  }
0xc9: {  	s30 =	sld [smem:$0x0];
	_ =	sdelay $0x2  }
0xca: {  	s31 =	sshll.u32 s1, $0xD;
	s1 =	sshrl.u32 s1, $0x2  }
0xcb: {  	s4 =	sand.u32 $0x4000, s31;
	s1 =	sadd.s32 s1, s30  }
0xcc: {  	s0 =	sor.u32 s4, s0;
	s1 =	sshll.u32 s1, $0x11  }
0xcd: {  	s0 =	sor.u32 s1, s0  }
0xce: {  	s0 =	sadd.s32 $0x8F2B, s0  }
0xcf: {  	[sflag:s0] =	ssyncadd.remote.s32 $0x1  }
0xd0: {  	_ =	sfence.sel $0xFFFF  }
0xd1: {  	[dreg:$0x0] =	wrdreg $0xFFFFFFFF;
	(pc) =	sbr.abs _section_cstart, $3  }
0xd2: {  	[dreg:$0x1] =	wrdreg $0xFFFFFFFF  }
0xd3: {  	_ =	task.clear_ibuf [dreg:s22], $0x2FFFF;
	_ =	strace $0x9FFFFFFF  }
0xd4: {  	(tm) =	ssettm $0x7FFFFFFF  }
0xd5: {  	_ =	shalt  }
tec
execute0_lowered:
.L_overlay_start_1:
0x0: {  	(tag) =	ssettag $0x1  }
0x1: {  	s0 =	rddreg [dreg:$0x0]  }
0x2: {  	s1 =	rddreg [dreg:$0x1]  }
0x3: {  	s3 =	rddreg [dreg:$0x3];
	s5 =	simm.s32 $0x0  }
0x4: {  	s2 =	srdreg.scid;
	s12 =	stileid.u32;
	s18 =	simm.s32 $0x6  }
0x5: {  	s19 =	simm.s32 $0x4;
	s20 =	simm.s32 $0x100;
	s28 =	simm.s32 $0x140  }
0x6: {  	s29 =	simm.s32 $0xA200;
	s30 =	simm.s32 $0x1;
	s31 =	simm.s32 $0x2  }
0x7: {  	[smem:$0x7FF] =	sst s5;
	s2 =	sand.u32 $0x1, s2;
	s4 =	smul.u32 $0x2780, s12  }
0x8: {  	s6 =	sadd.s32 $0x7AA800, s0;
	s11 =	smul.u32 $0x4F000, s12;
	s24 =	sshll.u32 s12, $0x6  }
0x9: {  	_ =	strace $0x8000004D;
	s7 =	sshll.u32 s2, $0x4;
	s9 =	smul.u32 $0x27800, s2  }
0xa: {  	s2 =	ssub.s32 $0x2, s2;
	s10 =	sor.u32 s12, s7;
	s7 =	sadd.s32 $0x20800, s0  }
0xb: {  	s21 =	sshrl.u32 s2, $0x1;
	s23 =	sshrl.u32 s11, $0x2;
	s12 =	sor.u32 $0x1C06, s24  }
0xc: {  	s24 =	simm.s32 $0x200;
	s11 =	simm.s32 $0x0;
	s8 =	smul.u32 $0x28, s10  }
0xd: {  	s4 =	sadd.s32 s4, s9;
	s2 =	ssub.s32 s2, s21;
	s22 =	smul.u32 $0x500, s10  }
0xe: {  	s10 =	smul.u32 $0x14000, s10;
	s9 =	sadd.s32 s23, s3;
	s21 =	simm.s32 $0x40  }
0xf: {  	s23 =	simm.s32 $0x6200;
	[dreg:$0x5] =	wrdreg s12;
	s0 =	sadd.s32 s4, s0  }
0x10: {  	s26 =	smax.u32 s2, $0x1;
	s2 =	simm.s32 $0x180;
	s4 =	sadd.s32 s7, s22  }
0x11: {  	s25 =	sadd.s32 s6, s10;
	s13 =	sor.u32 $0x1, s8;
	[dreg:$0xa] =	wrdreg s26  }
.Ltmp0:
0x12: {  	s14 =	sor.u32 $0x3, s8;
	[dreg:$0x6] =	wrdreg s4;
	(pc) =	sbr.rel .LBB2_1-.Ltmp0, $4  }
0x13: {  	s0 =	sadd.s32 $0x79800, s0;
	s10 =	sshrl.u32 s9, $0x3;
	[dreg:$0x8] =	wrdreg s25  }
0x14: {  	s22 =	simm.s32 $0x4200;
	s26 =	simm.s32 $0x8200;
	[dreg:$0x9] =	wrdreg s0  }
0x15: {  	s4 =	sadd.s32 $0x20, s4;
	s25 =	simm.s32 $0x5;
	[dreg:$0xb] =	wrdreg s10  }
0x16: {  	s0 =	simm.s32 $0x80;
	[dreg:$0x7] =	wrdreg s4;
	s4 =	simm.s32 $0x3  }
.LBB2_8:
0x17: {  	[bflag:$0x0] =	sbarrier.arrive $0xFFFF  }
0x18: {  	s12 =	rddreg [dreg:$0x5]  }
0x19: {  	s9 =	rddreg [dreg:$0x9]  }
0x1a: {  	s10 =	rddreg [dreg:$0xb]  }
0x1b: {  	[hbm:s9], [sflag:s12] =	dma.local [spmem:s10], $0x2780  }
0x1c: {  	_ =	swait.ge [sflag:s18], $0x2780  }
0x1d: {  	s11 =	sadd.s32 $0x1, s11;
	s17 =	rddreg [dreg:$0xa]  }
0x1e: {  	p0 =	sne.s32 s11, s17  }
.Ltmp1:
0x1f: {  	_ = 	snop;
	(pc) =	sbr.rel @!p0 .LBB2_9-.Ltmp1, $3  }
0x20: {  	_ =	sdelay $0x1  }
0x21: {  	[sflag:s18] =	ssyncset.done $0x0  }
0x22: {  	[sflag:s18] =	ssyncadd.s32 $0xFFFFD880  }
.LBB2_1:
0x23: {  	s9 =	rddreg [dreg:$0x2]  }
0x24: {  	[spmem:s10], [sflag:s12] =	dma.local [hbm:s9], $0x2780  }
0x25: {  	_ =	swait.ge [sflag:s18], $0x2780  }
0x26: {  	[sflag:s18] =	ssyncset.done $0x0  }
0x27: {  	[sflag:s18] =	ssyncadd.s32 $0xFFFFD880  }
0x28: {  	[bflag:$0x0] =	sbarrier.arrive $0xFFFF  }
0x29: {  	s15 =	rddreg [dreg:$0x6]  }
0x2a: {  	[tilespmem:s5], [sflag:$0x4] =	stream.linear.gather [hbm4b:s15+s5], $0x100, $0x38;
	[tilespmem:$0x1FE00] =	vst v63  }
0x2b: {  	_ =	swait.ge [sflag:s19], $0x100  }
0x2c: {  	[sflag:s19] =	ssyncset.done $0x0  }
0x2d: {  	s16 =	rddreg [dreg:$0x7];
	[sflag:s19] =	ssyncadd.s32 $0xFFFFFF00  }
0x2e: {  	[tilespmem:s20], [sflag:$0x5] =	stream.linear.gather [hbm4b:s16+s5], $0x100, $0x38;
	[tilespmem:$0x1FE00] =	vst v63  }
0x2f: {  	_ = 	snop  }
0x30: {  	[tilespmem:s22], [sflag:$0x2] =	stream.indirect.gather [hbm4b:s1+s21], $0x80, s5, s21, $0xb8;
	[tilespmem:$0x1FE00] =	vst v63  }
0x31: {  	_ = 	snop  }
0x32: {  	[tilespmem:s23], [sflag:$0x2] =	stream.indirect.gather [hbm4b:s1+s21], $0x80, s21, s21, $0xb8;
	[tilespmem:$0x1FE00] =	vst v63  }
0x33: {  	s12 =	simm.s32 $0x0;
	s17 =	rddreg [dreg:$0x8]  }
0x34: {  	[tilespmem:s24], [sflag:$0x1] =	stream.linear.gather [hbm4b:s17+s5], $0x4000, $0x38;
	[tilespmem:$0x1FE00] =	vst v63  }
.LBB2_2:
0x35: {  	_ =	swait.ge [sflag:s25], $0x100  }
0x36: {  	[sflag:s25] =	ssyncset.done $0x0  }
0x37: {  	[sflag:s25] =	ssyncadd.s32 $0xFFFFFF00  }
0x38: {  	[tilespmem:s26], [sflag:$0x3] =	stream.indirect.gather [hbm4b:s1+s21], $0x80, s20, s21, $0xb8;
	[tilespmem:$0x1FE00] =	vst v63  }
0x39: {  	_ = 	snop  }
0x3a: {  	[tilespmem:s29], [sflag:$0x3] =	stream.indirect.gather [hbm4b:s1+s21], $0x80, s28, s21, $0xb8;
	[tilespmem:$0x1FE00] =	vst v63  }
0x3b: {  	_ =	swait.ge [sflag:s30], $0x4000  }
0x3c: {  	[sflag:s30] =	ssyncset.done $0x0  }
0x3d: {  	[sflag:s30] =	ssyncadd.s32 $0xFFFFC000  }
0x3e: {  	_ =	swait.ge [sflag:s31], $0x2000  }
0x3f: {  	[sflag:s31] =	ssyncset.done $0x0  }
0x40: {  	[sflag:s31] =	ssyncadd.s32 $0xFFFFE000  }
0x41: {  	_ =	swait.ge [sflag:s31], $0x2000  }
0x42: {  	[sflag:s31] =	ssyncset.done $0x0  }
0x43: {  	s16 =	simm.s32 $0x0;
	[sflag:s31] =	ssyncadd.s32 $0xFFFFE000  }
0x44: {  	v6 =	vld [tilespmem:s16+$0x200]  }
0x45: {  	v11 =	vld [tilespmem:s16+$0x210]  }
0x46: {  	v5 =	vld [tilespmem:s16+$0x220]  }
0x47: {  	v4 =	vld [tilespmem:s16+$0x230]  }
0x48: {  	v3 =	vld [tilespmem:s16+$0x240]  }
0x49: {  	v2 =	vld [tilespmem:s16+$0x250]  }
0x4a: {  	v1 =	vld [tilespmem:s16+$0x260]  }
0x4b: {  	v0 =	vld [tilespmem:s16+$0x270]  }
0x4c: {  	v12 =	vld [tilespmem:s16+$0x4200]  }
0x4d: {  	v13 =	vld [tilespmem:s16+$0x4210]  }
0x4e: {  	v10 =	vld [tilespmem:s16+$0x4220]  }
0x4f: {  	v9 =	vld [tilespmem:s16+$0x4230]  }
0x50: {  	v8 =	vld [tilespmem:s16+$0x4240]  }
0x51: {  	v7 =	vld [tilespmem:s16+$0x4250];
	v12 =	vmul.f32 v6, v12  }
0x52: {  	s10 =	simm.s32 $0x200;
	v11 =	vmul.f32 v11, v13;
	v6 =	vld [tilespmem:s16+$0x4260]  }
.LBB2_3:
0x53: {  	s9 =	sshra.s32 s10, $0x2;
	p0 =	sne.s32 s10, $0xFE00;
	[tilespmem:s16+$0x4200] =	vst v12;
	v5 =	vmul.f32 v5, v10;
	v10 =	vld [tilespmem:s16+$0x4270]  }
0x54: {  	v12 =	vld [tilespmem:s9+$0x200];
	[tilespmem:s16+$0x4210] =	vst v11;
	v4 =	vmul.f32 v4, v9  }
0x55: {  	v11 =	vld [tilespmem:s9+$0x210];
	[tilespmem:s16+$0x4220] =	vst v5;
	v3 =	vmul.f32 v3, v8  }
0x56: {  	v5 =	vld [tilespmem:s9+$0x220];
	[tilespmem:s16+$0x4230] =	vst v4;
	v2 =	vmul.f32 v2, v7  }
0x57: {  	v4 =	vld [tilespmem:s9+$0x230];
	[tilespmem:s16+$0x4240] =	vst v3;
	v1 =	vmul.f32 v1, v6  }
0x58: {  	v3 =	vld [tilespmem:s9+$0x240];
	[tilespmem:s16+$0x4250] =	vst v2;
	v0 =	vmul.f32 v0, v10  }
0x59: {  	v2 =	vld [tilespmem:s9+$0x250];
	[tilespmem:s16+$0x4260] =	vst v1  }
0x5a: {  	v1 =	vld [tilespmem:s9+$0x260];
	[tilespmem:s16+$0x4270] =	vst v0;
	s16 =	smov.u32 s9  }
0x5b: {  	v0 =	vld [tilespmem:s16+$0x270]  }
0x5c: {  	v6 =	vld [tilespmem:s16+$0x4200]  }
0x5d: {  	v13 =	vld [tilespmem:s16+$0x4210]  }
.Ltmp2:
0x5e: {  	v10 =	vld [tilespmem:s16+$0x4220];
	(pc) =	sbr.rel @p0 .LBB2_3-.Ltmp2, $4  }
0x5f: {  	v9 =	vld [tilespmem:s16+$0x4230]  }
0x60: {  	v8 =	vld [tilespmem:s16+$0x4240]  }
0x61: {  	v12 =	vmul.f32 v12, v6;
	v7 =	vld [tilespmem:s16+$0x4250]  }
0x62: {  	s10 =	sadd.s32 $0x200, s10;
	v11 =	vmul.f32 v11, v13;
	v6 =	vld [tilespmem:s16+$0x4260]  }
0x63: {  	[tilespmem:s16+$0x4200] =	vst v12;
	v5 =	vmul.f32 v5, v10;
	v10 =	vld [tilespmem:s16+$0x4270]  }
0x64: {  	[tilespmem:s16+$0x4210] =	vst v11;
	v4 =	vmul.f32 v4, v9  }
0x65: {  	[tilespmem:s16+$0x4220] =	vst v5;
	v3 =	vmul.f32 v3, v8  }
0x66: {  	s15 =	sshll.u32 s12, $0x1;
	[tilespmem:s16+$0x4230] =	vst v4;
	v2 =	vmul.f32 v2, v7  }
0x67: {  	s9 =	sadd.s32 s15, s13;
	[tilespmem:s16+$0x4240] =	vst v3;
	v1 =	vmul.f32 v1, v6  }
0x68: {  	s9 =	sshll.u32 s9, $0xB;
	[tilespmem:s16+$0x4250] =	vst v2;
	v0 =	vmul.f32 v0, v10  }
0x69: {  	s9 =	sand.u32 $0x1FFFF800, s9;
	[tilespmem:s16+$0x4260] =	vst v1  }
0x6a: {  	p0 =	seq.s32 s12, $0x13;
	s9 =	sadd.s32 s6, s9;
	[tilespmem:s16+$0x4270] =	vst v0;
	s16 =	sadd.s32 $0x2, s15  }
0x6b: {  	[tilespmem:s24], [sflag:$0x1] =	stream.linear.gather [hbm4b:s9+s5], $0x4000, $0x38;
	[tilespmem:$0x1FE00] =	vst v63  }
0x6c: {  	s9 =	sadd.s32 @!p0 s8, s16  }
0x6d: {  	[spmem:s3] =	stream.indirect.scatter.add.f32 [tilespmem:s22], [sflag:$0x6], $0x80, s0, s0, $0xb8;
	[tilespmem:$0x1FE00] =	vst v63  }
0x6e: {  	s9 =	sshll.u32 @!p0 s9, $0x5;
	_ =	swait.ge [sflag:s18], $0x4000  }
0x6f: {  	s9 =	sand.u32 @!p0 $0x1FFFFFC0, s9;
	[sflag:s18] =	ssyncset.done $0x0  }
0x70: {  	s10 =	simm.s32 @!p0 $0x0;
	s9 =	sadd.s32 @!p0 s7, s9;
	[sflag:s18] =	ssyncadd.s32 $0xFFFFC000  }
0x71: {  	[tilespmem:s10], [sflag:$0x4] =	stream.linear.gather @!p0 [hbm4b:s9+s10], $0x100, $0x38;
	[tilespmem:$0x1FE00] =	vst v63  }
0x72: {  	_ =	swait.ge [sflag:s30], $0x4000  }
0x73: {  	[sflag:s30] =	ssyncset.done $0x0  }
0x74: {  	[sflag:s30] =	ssyncadd.s32 $0xFFFFC000  }
0x75: {  	_ =	swait.ge [sflag:s4], $0x2000  }
0x76: {  	[sflag:s4] =	ssyncset.done $0x0  }
0x77: {  	[sflag:s4] =	ssyncadd.s32 $0xFFFFE000  }
0x78: {  	_ =	swait.ge [sflag:s4], $0x2000  }
0x79: {  	[sflag:s4] =	ssyncset.done $0x0  }
0x7a: {  	s10 =	simm.s32 $0x0;
	[sflag:s4] =	ssyncadd.s32 $0xFFFFE000  }
0x7b: {  	v7 =	vld [tilespmem:s10+$0x200]  }
0x7c: {  	v11 =	vld [tilespmem:s10+$0x210]  }
0x7d: {  	v5 =	vld [tilespmem:s10+$0x220]  }
0x7e: {  	v4 =	vld [tilespmem:s10+$0x230]  }
0x7f: {  	v3 =	vld [tilespmem:s10+$0x240]  }
0x80: {  	v2 =	vld [tilespmem:s10+$0x250]  }
0x81: {  	v1 =	vld [tilespmem:s10+$0x260]  }
0x82: {  	v0 =	vld [tilespmem:s10+$0x270]  }
0x83: {  	v12 =	vld [tilespmem:s10+$0x8200]  }
0x84: {  	v13 =	vld [tilespmem:s10+$0x8210]  }
0x85: {  	v10 =	vld [tilespmem:s10+$0x8220]  }
0x86: {  	v9 =	vld [tilespmem:s10+$0x8230]  }
0x87: {  	v8 =	vld [tilespmem:s10+$0x8240]  }
0x88: {  	v6 =	vld [tilespmem:s10+$0x8250];
	v12 =	vmul.f32 v7, v12  }
0x89: {  	s9 =	simm.s32 $0x200;
	v11 =	vmul.f32 v11, v13;
	v7 =	vld [tilespmem:s10+$0x8260]  }
.LBB2_5:
0x8a: {  	s17 =	sshra.s32 s9, $0x2;
	p1 =	sne.s32 s9, $0xFE00;
	[tilespmem:s10+$0x8200] =	vst v12;
	v5 =	vmul.f32 v5, v10;
	v10 =	vld [tilespmem:s10+$0x8270]  }
0x8b: {  	v12 =	vld [tilespmem:s17+$0x200];
	[tilespmem:s10+$0x8210] =	vst v11;
	v4 =	vmul.f32 v4, v9  }
0x8c: {  	v11 =	vld [tilespmem:s17+$0x210];
	[tilespmem:s10+$0x8220] =	vst v5;
	v3 =	vmul.f32 v3, v8  }
0x8d: {  	v5 =	vld [tilespmem:s17+$0x220];
	[tilespmem:s10+$0x8230] =	vst v4;
	v2 =	vmul.f32 v2, v6  }
0x8e: {  	v4 =	vld [tilespmem:s17+$0x230];
	[tilespmem:s10+$0x8240] =	vst v3;
	v1 =	vmul.f32 v1, v7  }
0x8f: {  	v3 =	vld [tilespmem:s17+$0x240];
	[tilespmem:s10+$0x8250] =	vst v2;
	v0 =	vmul.f32 v0, v10  }
0x90: {  	v2 =	vld [tilespmem:s17+$0x250];
	[tilespmem:s10+$0x8260] =	vst v1  }
0x91: {  	v1 =	vld [tilespmem:s17+$0x260];
	[tilespmem:s10+$0x8270] =	vst v0;
	s10 =	smov.u32 s17  }
0x92: {  	v0 =	vld [tilespmem:s10+$0x270]  }
0x93: {  	v6 =	vld [tilespmem:s10+$0x8200]  }
0x94: {  	v7 =	vld [tilespmem:s10+$0x8210]  }
.Ltmp3:
0x95: {  	v10 =	vld [tilespmem:s10+$0x8220];
	(pc) =	sbr.rel @p1 .LBB2_5-.Ltmp3, $4  }
0x96: {  	v9 =	vld [tilespmem:s10+$0x8230]  }
0x97: {  	v8 =	vld [tilespmem:s10+$0x8240]  }
0x98: {  	v12 =	vmul.f32 v12, v6;
	v6 =	vld [tilespmem:s10+$0x8250]  }
0x99: {  	s9 =	sadd.s32 $0x200, s9;
	v11 =	vmul.f32 v11, v7;
	v7 =	vld [tilespmem:s10+$0x8260]  }
0x9a: {  	[tilespmem:s10+$0x8200] =	vst v12;
	v5 =	vmul.f32 v5, v10;
	v63 =	vld [tilespmem:s10+$0x8270]  }
0x9b: {  	[tilespmem:s10+$0x8210] =	vst v11;
	v4 =	vmul.f32 v4, v9  }
0x9c: {  	[tilespmem:s10+$0x8220] =	vst v5;
	v3 =	vmul.f32 v3, v8  }
0x9d: {  	[tilespmem:s10+$0x8230] =	vst v4;
	v2 =	vmul.f32 v2, v6  }
0x9e: {  	[tilespmem:s10+$0x8240] =	vst v3;
	v1 =	vmul.f32 v1, v7  }
0x9f: {  	[tilespmem:s10+$0x8250] =	vst v2;
	v0 =	vmul.f32 v0, v63  }
0xa0: {  	[tilespmem:s10+$0x8260] =	vst v1  }
.Ltmp4:
0xa1: {  	[tilespmem:s10+$0x8270] =	vst v0;
	(pc) =	sbr.rel @p0 .LBB2_8-.Ltmp4, $4  }
0xa2: {  	[spmem:s3] =	stream.indirect.scatter.add.f32 [tilespmem:s26], [sflag:$0x6], $0x80, s2, s0, $0xb8;
	[tilespmem:$0x1FE00] =	vst v63  }
0xa3: {  	_ =	swait.ge [sflag:s18], $0x4000  }
0xa4: {  	[sflag:s18] =	ssyncset.done $0x0  }
0xa5: {  	[sflag:s18] =	ssyncadd.s32 $0xFFFFC000  }
0xa6: {  	_ =	swait.ge [sflag:s19], $0x100  }
0xa7: {  	s9 =	sadd.s32 s8, s16;
	[sflag:s19] =	ssyncset.done $0x0  }
0xa8: {  	s9 =	sshll.u32 s9, $0xB;
	[sflag:s19] =	ssyncadd.s32 $0xFFFFFF00  }
0xa9: {  	[tilespmem:s22], [sflag:$0x2] =	stream.indirect.gather [hbm4b:s1+s21], $0x80, s5, s21, $0xb8;
	[tilespmem:$0x1FE00] =	vst v63  }
0xaa: {  	s9 =	sand.u32 $0x1FFFF000, s9  }
0xab: {  	[tilespmem:s23], [sflag:$0x2] =	stream.indirect.gather [hbm4b:s1+s21], $0x80, s21, s21, $0xb8;
	[tilespmem:$0x1FE00] =	vst v63  }
0xac: {  	s9 =	sadd.s32 s6, s9  }
0xad: {  	[tilespmem:s24], [sflag:$0x1] =	stream.linear.gather [hbm4b:s9+s5], $0x4000, $0x38;
	[tilespmem:$0x1FE00] =	vst v63  }
.Ltmp5:
0xae: {  	s17 =	sadd.s32 s15, s14;
	(pc) =	sbr.rel .LBB2_2-.Ltmp5, $4  }
0xaf: {  	s9 =	sshll.u32 s17, $0x5  }
0xb0: {  	s9 =	sand.u32 $0x1FFFFFE0, s9  }
0xb1: {  	s12 =	sadd.s32 $0x1, s12;
	s9 =	sadd.s32 s7, s9  }
0xb2: {  	[tilespmem:s20], [sflag:$0x5] =	stream.linear.gather [hbm4b:s9+s5], $0x100, $0x38;
	[tilespmem:$0x1FE00] =	vst v63  }
.LBB2_9:
0xb3: {  	_ =	sfence.sel $0x180000  }
0xb4: {  	[bflag:$0x0] =	sbarrier.arrive $0xFFFF  }
0xb5: {  	_ =	strace $0x9000004D  }
0xb6: {  	s0 =	stileid.u32;
	[bflag:$0x2] =	sbarrier.arrive $0xFFFF  }
0xb7: {  	p0 =	sne.s32 s0, $0x0;
	s0 =	rddreg [dreg:$0x4]  }
0xb8: {  	s0 =	sadd.s32 @!p0 $0x100000, s0  }
0xb9: {  	[sflag:s0] =	ssyncadd.tile.s32 @!p0 $0x1;
	_ =	shalt  }
.Lfunc_end2:
_tile_overlayer_lowered:
.L_overlay_start_2:
0xba: {  	(tag) =	ssettag $0x2  }
0xbb: {  	s0 =	rddreg [dreg:$0x0];
	s2 =	stileid.u32  }
0xbc: {  	s1 =	rddreg [dreg:$0x1];
	p0 =	sne.s32 s2, $0x0  }
0xbd: {  	s3 =	rddreg [dreg:$0x2];
	[bflag:$0x3] =	sbarrier.arrive $0xFFFF;
	s2 =	simm.s32 @!p0 $0x1C06  }
0xbe: {  	[timem:s3], [sflag:s2] =	dma.local @!p0 [hbm:s0], s1  }
0xbf: {  	s0 =	simm.s32 @!p0 $0x6  }
0xc0: {  	_ =	swait.ge @!p0 [sflag:s0], s1  }
0xc1: {  	s1 =	ssub.s32 @!p0 $0x0, s1;
	[sflag:s0] =	ssyncset.done @!p0 $0x0  }
0xc2: {  	[sflag:s0] =	ssyncadd.s32 @!p0 s1  }
0xc3: {  	[bflag:$0x3] =	sbarrier.arrive $0xFFFF  }
0xc4: {  	_ =	shalt  }

// kernel: kernel.8.cloned.1.call-start
scs
__scs_entry_jumppad:
0x0: {  	(pc) =	sbr.rel $0x88, $3  }
0x1: {  	(tag) =	ssettag $0x0;
	lr =	simm.s32 $0x1  }
0x2: {  	[smem:$0x3F95] =	sst lr;
	_ =	strace $0xD0000000  }
0x3: {  	_ = 	snop  }
0x4: {  	_ = 	snop  }
0x5: {  	_ = 	snop  }
0x6: {  	_ = 	snop  }
0x7: {  	_ = 	snop  }
__scs_overlays_trampoline_lowered:
0x8: {  	[smem:$0x3FA4] =	sst s0  }
0x9: {  	[smem:$0x3FA5] =	sst s1  }
0xa: {  	[smem:$0x3FA6] =	sst s2  }
0xb: {  	[smem:$0x3FA7] =	sst s3  }
0xc: {  	[smem:$0x3FA8] =	sst s4  }
0xd: {  	[smem:$0x3FA9] =	sst s5  }
0xe: {  	[smem:$0x3FAA] =	sst s6  }
0xf: {  	[smem:$0x3FAB] =	sst s7  }
0x10: {  	[smem:$0x3FAC] =	sst s8  }
0x11: {  	[smem:$0x3FAD] =	sst s9;
	s0 =	simm.s32 @!p0 $0x0  }
0x12: {  	s1 =	sld [smem:$0x3F93];
	s0 =	simm.s32 @p0 $0x1  }
0x13: {  	[smem:$0x3FAE] =	sst s0;
	s0 =	simm.s32 @!p1 $0x0  }
0x14: {  	s2 =	sld [smem:$0x3F92];
	s0 =	simm.s32 @p1 $0x1  }
0x15: {  	[smem:$0x3FAF] =	sst s0;
	s0 =	simm.s32 @!p2 $0x0  }
0x16: {  	s3 =	sld [smem:$0x3FDB];
	s0 =	simm.s32 @p2 $0x1  }
0x17: {  	s4 =	simm.s32 $0x1BF5;
	[smem:$0x3FB1] =	sst s0  }
0x18: {  	s0 =	sld [smem:$0x3F94];
	_ =	swait.ge [sflag:s4], $0x0  }
0x19: {  	s7 =	sld [smem:$0x3F95]  }
0x1a: {  	s8 =	sadd.s32 $0xFFFFE003, lr  }
0x1b: {  	s9 =	sadd.s32 $0xFFFFFEF7, lr;
	s5 =	simm.s32 $0xFFFFFFFF;
	p2 =	slt.u32 s8, $0xFFFFF086  }
0x1c: {  	p1 =	slt.u32 s9, $0xF7A;
	s5 =	simm.s32 @!p2 $0x0  }
0x1d: {  	s5 =	simm.s32 @p1 $0x1;
	p0 =	seq.s32 s7, s2  }
0x1e: {  	s7 =	smul.u32 @!p0 $0xF7A, s2;
	p2 =	seq.s32 @!p0 s5, $0x0  }
0x1f: {  	s9 =	smul.u32 $0xF7A, s1;
	s8 =	simm.s32 @!p0 $0x1BF5;
	p2 =	por !p2, p0  }
0x20: {  	[sflag:s8] =	ssyncset.s32 @!p0 $0xFFFFF086;
	s6 =	sadd.s32 @!p0 s3, s7;
	s7 =	simm.s32 @!p0 $0x108  }
0x21: {  	s3 =	sadd.s32 s3, s9;
	s6 =	sadd.s32 @!p0 $0x88, s6;
	s7 =	simm.s32 @p2 $0x1082  }
0x22: {  	[simem:s7], [sflag:s8] =	dma.local @!p0 [hbm:s6], $0xF7A  }
0x23: {  	s9 =	sor.u32 $0xD0000000, s2;
	s6 =	simm.s32 $0x108;
	_ =	swait.ge @!p0 [sflag:s8], $0x0  }
0x24: {  	s3 =	sadd.s32 $0x88, s3;
	s6 =	simm.s32 @!p1 $0x1082;
	[sflag:s4] =	ssyncset.s32 $0xFFFFF086  }
0x25: {  	[simem:s6], [sflag:s4] =	dma.local [hbm:s3], $0xF7A  }
0x26: {  	[smem:$0x3F95] =	sst s1;
	(tag) =	ssettag s2;
	_ =	strace s9  }
0x27: {  	s1 =	sld [smem:$0x3FA5]  }
0x28: {  	s2 =	sld [smem:$0x3FA6]  }
0x29: {  	s4 =	sld [smem:$0x3FA8]  }
0x2a: {  	p0 =	seq.s32 s5, $0x0;
	s5 =	sld [smem:$0x3FA9]  }
0x2b: {  	s6 =	sld [smem:$0x3FAA]  }
0x2c: {  	s7 =	sld [smem:$0x3FAB]  }
0x2d: {  	s3 =	simm.s32 $0x108;
	s8 =	sld [smem:$0x3FAC]  }
0x2e: {  	s3 =	simm.s32 @!p0 $0x1082;
	s9 =	sld [smem:$0x3FAD]  }
0x2f: {  	lr =	sadd.s32 s0, s3;
	s0 =	sld [smem:$0x3FA4]  }
0x30: {  	s3 =	sld [smem:$0x3FA7]  }
0x31: {  	[smem:$0x3FB0] =	sst s10  }
0x32: {  	s10 =	sld [smem:$0x3FAE];
	_ =	sdelay $0x3  }
0x33: {  	p0 =	seq.s32 s10, $0x1;
	s10 =	sld [smem:$0x3FB0];
	_ =	sdelay $0x3  }
0x34: {  	[smem:$0x3FB0] =	sst s10  }
0x35: {  	s10 =	sld [smem:$0x3FAF];
	_ =	sdelay $0x3  }
0x36: {  	p1 =	seq.s32 s10, $0x1;
	s10 =	sld [smem:$0x3FB0];
	_ =	sdelay $0x3  }
0x37: {  	[smem:$0x3FB0] =	sst s10  }
0x38: {  	s10 =	sld [smem:$0x3FB1]  }
0x39: {  	_ = 	snop;
	(pc) =	sbr.ind lr, $3  }
0x3a: {  	_ = 	snop  }
0x3b: {  	_ = 	snop  }
0x3c: {  	p2 =	seq.s32 s10, $0x1;
	s10 =	sld [smem:$0x3FB0]  }
0x3d: {  	_ =	shalt  }
0x3e: {  	_ =	shalt  }
0x3f: {  	_ =	shalt  }
0x40: {  	_ =	shalt  }
0x41: {  	_ =	shalt  }
0x42: {  	_ =	shalt  }
0x43: {  	_ =	shalt  }
0x44: {  	_ =	shalt  }
0x45: {  	_ =	shalt  }
0x46: {  	_ =	shalt  }
0x47: {  	_ =	shalt  }
0x48: {  	_ =	shalt  }
0x49: {  	_ =	shalt  }
0x4a: {  	_ =	shalt  }
0x4b: {  	_ =	shalt  }
0x4c: {  	_ =	shalt  }
0x4d: {  	_ =	shalt  }
0x4e: {  	_ =	shalt  }
0x4f: {  	_ =	shalt  }
0x50: {  	_ =	shalt  }
0x51: {  	_ =	shalt  }
0x52: {  	_ =	shalt  }
0x53: {  	_ =	shalt  }
0x54: {  	_ =	shalt  }
0x55: {  	_ =	shalt  }
0x56: {  	_ =	shalt  }
0x57: {  	_ =	shalt  }
0x58: {  	_ =	shalt  }
0x59: {  	_ =	shalt  }
0x5a: {  	_ =	shalt  }
0x5b: {  	_ =	shalt  }
0x5c: {  	_ =	shalt  }
0x5d: {  	_ =	shalt  }
0x5e: {  	_ =	shalt  }
0x5f: {  	_ =	shalt  }
0x60: {  	_ =	shalt  }
0x61: {  	_ =	shalt  }
0x62: {  	_ =	shalt  }
0x63: {  	_ =	shalt  }
0x64: {  	_ =	shalt  }
0x65: {  	_ =	shalt  }
0x66: {  	_ =	shalt  }
0x67: {  	_ =	shalt  }
0x68: {  	_ =	shalt  }
0x69: {  	_ =	shalt  }
0x6a: {  	_ =	shalt  }
0x6b: {  	_ =	shalt  }
0x6c: {  	_ =	shalt  }
0x6d: {  	_ =	shalt  }
0x6e: {  	_ =	shalt  }
0x6f: {  	_ =	shalt  }
0x70: {  	_ =	shalt  }
0x71: {  	_ =	shalt  }
0x72: {  	_ =	shalt  }
0x73: {  	_ =	shalt  }
0x74: {  	_ =	shalt  }
0x75: {  	_ =	shalt  }
0x76: {  	_ =	shalt  }
0x77: {  	_ =	shalt  }
0x78: {  	_ =	shalt  }
0x79: {  	_ =	shalt  }
0x7a: {  	_ =	shalt  }
0x7b: {  	_ =	shalt  }
0x7c: {  	_ =	shalt  }
0x7d: {  	_ =	shalt  }
0x7e: {  	_ =	shalt  }
0x7f: {  	_ =	shalt  }
0x80: {  	_ =	shalt  }
0x81: {  	_ =	shalt  }
0x82: {  	_ =	shalt  }
0x83: {  	_ =	shalt  }
0x84: {  	_ =	shalt  }
0x85: {  	_ =	shalt  }
0x86: {  	_ =	shalt  }
0x87: {  	_ =	shalt  }
.Lfunc_end0:
.L_simem_size_0:
called_computation_lowered:
.L_overlay_start_0:
0x88: {  	s2 =	sld [smem:$0x3FD9]  }
0x89: {  	s3 =	sld [smem:$0x3FFE];
	_ =	sdelay $0x1  }
0x8a: {  	s1 =	srdreg.scid  }
0x8b: {  	s0 =	sand.u32 $0x1, s1  }
0x8c: {  	s17 =	sshll.u32 s0, $0xA;
	s2 =	sadd.s32 s3, s2  }
0x8d: {  	s2 =	sadd.s32 s2, s17  }
0x8e: {  	[smem:$0x3FBC] =	sst s2  }
0x8f: {  	_ = 	snop  }
0x90: {  	s2 =	sld [smem:$0x3FD0];
	(tm) =	ssettm $0x1  }
0x91: {  	s18 =	sld [smem:$0x3FFB];
	_ =	sdelay $0x3  }
0x92: {  	_ =	strace s18  }
0x93: {  	s3 =	sld [smem:$0x3FFC];
	_ =	sdelay $0x3  }
0x94: {  	_ =	strace s3  }
0x95: {  	s3 =	sld [smem:$0x3FFD];
	_ =	sdelay $0x3  }
0x96: {  	_ =	strace s3  }
0x97: {  	_ =	strace $0x8FFFFFFF  }
0x98: {  	s19 =	sld [smem:$0x3FDB];
	_ =	sdelay $0x1  }
0x99: {  	s4 =	simm.s32 $_scs_section_size  }
0x9a: {  	s5 =	simm.s32 $_size__tile_overlayer_lowered;
	s6 =	simm.s32 $_tile_overlayer_lowered  }
0x9b: {  	s22 =	simm.s32 $0x1BFF;
	s21 =	sshll.u32 s6, $0x1;
	s3 =	sadd.s32 s4, s19  }
0x9c: {  	s7 =	simm.s32 $0x0;
	s20 =	sshll.u32 s5, $0x1;
	s5 =	sadd.s32 s21, s3  }
0x9d: {  	[timem:s7], [sflag:s22] =	dma.local [hbm:s5], s20  }
0x9e: {  	_ =	swait.ge [sflag:s22], s20  }
0x9f: {  	s4 =	ssub.s32 $0x0, s20;
	[sflag:s22] =	ssyncset.done $0x0  }
0xa0: {  	[sflag:s22] =	ssyncadd.s32 s4;
	_ =	sdelay $0x1  }
0xa1: {  	s23 =	simm.s32 $0x1B8B  }
0xa2: {  	_ =	swait.ge [sflag:s23], $0x1  }
0xa3: {  	[sflag:s23] =	ssyncset.done $0x0  }
0xa4: {  	s25 =	simm.s32 $0x1B8E;
	s24 =	sld [smem:$0x3FFE];
	[sflag:s23] =	ssyncadd.s32 $0xFFFFFFFF  }
0xa5: {  	s26 =	simm.s32 $execute0_lowered;
	[smem:$0x3FD2] =	sst s25  }
0xa6: {  	s5 =	sshll.u32 s26, $0x1;
	_ =	strace $0x80000046;
	[dreg:$0x1] =	wrdreg $0xFFFFFFFF  }
0xa7: {  	s28 =	simm.s32 $_size_execute0_lowered;
	s3 =	sadd.s32 s3, s5;
	[dreg:$0x0] =	wrdreg $0x0  }
0xa8: {  	s5 =	sshll.u32 s28, $0x1;
	[dreg:$0x2] =	wrdreg s3  }
0xa9: {  	[dreg:$0x3] =	wrdreg s5  }
0xaa: {  	[dreg:$0x4] =	wrdreg $0xC0  }
0xab: {  	_ =	task [dreg:s7], $0x5FFFF  }
0xac: {  	[dreg:$0x1] =	wrdreg $0xFFFFFFFF  }
0xad: {  	[dreg:$0x0] =	wrdreg $0x60  }
0xae: {  	[dreg:$0x2] =	wrdreg s24  }
0xaf: {  	[dreg:$0x3] =	wrdreg s2  }
0xb0: {  	[dreg:$0x4] =	wrdreg $0x9  }
0xb1: {  	_ =	task.clear_ibuf [dreg:s7], $0x5FFFF;
	_ =	strace $0x90000046  }
0xb2: {  	s29 =	simm.s32 $0x9;
	_ =	strace $0x80000048  }
0xb3: {  	_ =	swait.ge [sflag:s29], $0x1  }
0xb4: {  	[sflag:s29] =	ssyncadd.s32 $0xFFFFFFFF  }
0xb5: {  	_ =	strace $0x90000048  }
0xb6: {  	_ =	sfence  }
0xb7: {  	s30 =	sld [smem:$0x0];
	_ =	sdelay $0x2  }
0xb8: {  	s31 =	sshll.u32 s1, $0xD;
	s1 =	sshrl.u32 s1, $0x2  }
0xb9: {  	s3 =	sand.u32 $0x4000, s31;
	s1 =	sadd.s32 s1, s30  }
0xba: {  	s0 =	sor.u32 s3, s0;
	s1 =	sshll.u32 s1, $0x11  }
0xbb: {  	s0 =	sor.u32 s1, s0  }
0xbc: {  	s0 =	sadd.s32 $0x8F2B, s0  }
0xbd: {  	[sflag:s0] =	ssyncadd.remote.s32 $0x1  }
0xbe: {  	_ =	sfence.sel $0xFFFF  }
0xbf: {  	[dreg:$0x0] =	wrdreg $0xFFFFFFFF;
	(pc) =	sbr.abs _section_cstart, $3  }
0xc0: {  	[dreg:$0x1] =	wrdreg $0xFFFFFFFF  }
0xc1: {  	_ =	task.clear_ibuf [dreg:s7], $0x2FFFF;
	_ =	strace $0x9FFFFFFF  }
0xc2: {  	(tm) =	ssettm $0x7FFFFFFF  }
0xc3: {  	_ =	shalt  }
tec
execute0_lowered:
.L_overlay_start_1:
0x0: {  	(tag) =	ssettag $0x1  }
0x1: {  	s6 =	rddreg [dreg:$0x0]  }
0x2: {  	s7 =	rddreg [dreg:$0x1];
	s1 =	srdreg.scid  }
0x3: {  	s0 =	rddreg [dreg:$0x2];
	s2 =	simm.s32 $0x0;
	s11 =	simm.s32 $0x2780  }
0x4: {  	s12 =	simm.s32 $0x4F00;
	s13 =	simm.s32 $0x7680;
	s14 =	simm.s32 $0x9E80  }
0x5: {  	s15 =	simm.s32 $0xC680;
	s16 =	simm.s32 $0x0;
	s5 =	sand.u32 $0x1, s1  }
0x6: {  	s1 =	stileid.u32;
	[smem:$0x7FF] =	sst s2;
	s3 =	sshll.u32 s5, $0x4  }
0x7: {  	s4 =	sadd.s32 $0x1C00, s6;
	s9 =	ssub.s32 $0x2, s5;
	s3 =	sor.u32 s1, s3  }
0x8: {  	_ =	strace $0x80000047;
	s31 =	sshrl.u32 s9, $0x1;
	s8 =	smul.u32 $0x500, s3  }
0x9: {  	s5 =	sadd.s32 $0x1600, s6;
	s3 =	sadd.s32 $0x2200, s6;
	s9 =	ssub.s32 s9, s31  }
0xa: {  	s9 =	smax.u32 s9, $0x1;
	s10 =	sadd.s32 s8, s6;
	s7 =	sadd.s32 s7, s8  }
0xb: {  	s6 =	sadd.s32 $0x2800, s10;
	s8 =	sadd.s32 $0xC800, s10;
	s10 =	simm.s32 $0x1  }
.LBB2_1:
0xc: {  	[tilespmem:s2], [sflag:$0x1] =	stream.linear.gather [hbm4b:s3+s2], $0x2780, $0x38;
	[tilespmem:$0xEE80] =	vst v63  }
0xd: {  	_ =	swait.ge [sflag:s10], $0x2780  }
0xe: {  	[sflag:s10] =	ssyncset.done $0x0  }
0xf: {  	[sflag:s10] =	ssyncadd.s32 $0xFFFFD880  }
0x10: {  	[tilespmem:s11], [sflag:$0x1] =	stream.linear.gather [hbm4b:s4+s2], $0x2780, $0x38;
	[tilespmem:$0xEE80] =	vst v63  }
0x11: {  	_ =	swait.ge [sflag:s10], $0x2780  }
0x12: {  	[sflag:s10] =	ssyncset.done $0x0  }
0x13: {  	[sflag:s10] =	ssyncadd.s32 $0xFFFFD880  }
0x14: {  	[tilespmem:s12], [sflag:$0x1] =	stream.linear.gather [hbm4b:s5+s2], $0x2780, $0x38;
	[tilespmem:$0xEE80] =	vst v63  }
0x15: {  	_ =	swait.ge [sflag:s10], $0x2780  }
0x16: {  	[sflag:s10] =	ssyncset.done $0x0  }
0x17: {  	[sflag:s10] =	ssyncadd.s32 $0xFFFFD880  }
0x18: {  	[tilespmem:s13], [sflag:$0x1] =	stream.linear.gather [hbm4b:s6+s2], $0x2800, $0x38;
	[tilespmem:$0xEE80] =	vst v63  }
0x19: {  	_ =	swait.ge [sflag:s10], $0x2800  }
0x1a: {  	[sflag:s10] =	ssyncset.done $0x0  }
0x1b: {  	[sflag:s10] =	ssyncadd.s32 $0xFFFFD800  }
0x1c: {  	[tilespmem:s14], [sflag:$0x1] =	stream.linear.gather [hbm4b:s7+s2], $0x2800, $0x38;
	[tilespmem:$0xEE80] =	vst v63  }
0x1d: {  	_ =	swait.ge [sflag:s10], $0x2800  }
0x1e: {  	[sflag:s10] =	ssyncset.done $0x0  }
0x1f: {  	s17 =	simm.s32 $0x0;
	[sflag:s10] =	ssyncadd.s32 $0xFFFFD800  }
0x20: {  	v0 =	vld [tilespmem:s17+$0x7680];
	_ =	sdelay $0x1  }
0x21: {  	v1 =	vld [tilespmem:s17+$0x9E80];
	_ =	sdelay $0x5  }
0x22: {  	v2 =	vld.idx.msk [tilespmem:v0+s11+$0x0], $0xffff  }
0x23: {  	v3 =	vld.idx.msk [tilespmem:v0+s2+$0x0], $0xffff  }
0x24: {  	v4 =	vld.idx.msk [tilespmem:v1+s2+$0x0], $0xffff  }
0x25: {  	v5 =	vld.idx.msk [tilespmem:v1+s11+$0x0], $0xffff  }
0x26: {  	v0 =	vld.idx.msk [tilespmem:v0+s12+$0x0], $0xffff  }
0x27: {  	v1 =	vld.idx.msk [tilespmem:v1+s12+$0x0], $0xffff;
	_ =	sdelay $0x2  }
0x28: {  	v3 =	vsub.f32 v3, v4;
	v2 =	vsub.f32 v2, v5  }
0x29: {  	v4 =	vld [tilespmem:s17+$0x7690]  }
0x2a: {  	v0 =	vsub.f32 v0, v1;
	v3 =	vmul.f32 v3, v3;
	v1 =	vmul.f32 v2, v2  }
0x2b: {  	v2 =	vld [tilespmem:s17+$0x9E90]  }
0x2c: {  	v0 =	vmul.f32 v0, v0;
	v1 =	vadd.f32 v1, v3;
	_ =	sdelay $0x1  }
0x2d: {  	v0 =	vadd.f32 v0, v1;
	_ =	sdelay $0x1  }
0x2e: {  	[tilespmem:s17+$0xC680] =	vst v0  }
0x2f: {  	v0 =	vld.idx.msk [tilespmem:v4+s11+$0x0], $0xffff  }
0x30: {  	v3 =	vld.idx.msk [tilespmem:v4+s2+$0x0], $0xffff  }
0x31: {  	v1 =	vld.idx.msk [tilespmem:v2+s2+$0x0], $0xffff  }
0x32: {  	v5 =	vld.idx.msk [tilespmem:v2+s11+$0x0], $0xffff  }
0x33: {  	v4 =	vld.idx.msk [tilespmem:v4+s12+$0x0], $0xffff  }
0x34: {  	v2 =	vld.idx.msk [tilespmem:v2+s12+$0x0], $0xffff;
	_ =	sdelay $0x2  }
0x35: {  	v1 =	vsub.f32 v3, v1;
	v0 =	vsub.f32 v0, v5  }
0x36: {  	v3 =	vld [tilespmem:s17+$0x76A0]  }
0x37: {  	v2 =	vsub.f32 v4, v2;
	v4 =	vld [tilespmem:s17+$0x9EA0];
	v1 =	vmul.f32 v1, v1;
	v0 =	vmul.f32 v0, v0;
	_ =	sdelay $0x1  }
0x38: {  	v0 =	vadd.f32 v0, v1;
	v1 =	vmul.f32 v2, v2;
	_ =	sdelay $0x1  }
0x39: {  	v0 =	vadd.f32 v1, v0;
	_ =	sdelay $0x1  }
0x3a: {  	[tilespmem:s17+$0xC690] =	vst v0  }
0x3b: {  	v0 =	vld.idx.msk [tilespmem:v3+s11+$0x0], $0xffff  }
0x3c: {  	v1 =	vld.idx.msk [tilespmem:v4+s2+$0x0], $0xffff  }
0x3d: {  	v2 =	vld.idx.msk [tilespmem:v3+s2+$0x0], $0xffff  }
0x3e: {  	v5 =	vld.idx.msk [tilespmem:v4+s11+$0x0], $0xffff  }
0x3f: {  	v3 =	vld.idx.msk [tilespmem:v3+s12+$0x0], $0xffff  }
0x40: {  	v4 =	vld.idx.msk [tilespmem:v4+s12+$0x0], $0xffff;
	_ =	sdelay $0x2  }
0x41: {  	v1 =	vsub.f32 v2, v1;
	v0 =	vsub.f32 v0, v5  }
0x42: {  	v2 =	vld [tilespmem:s17+$0x9EB0]  }
0x43: {  	v3 =	vsub.f32 v3, v4;
	v4 =	vld [tilespmem:s17+$0x76B0];
	v1 =	vmul.f32 v1, v1;
	v0 =	vmul.f32 v0, v0;
	_ =	sdelay $0x1  }
0x44: {  	v0 =	vadd.f32 v0, v1;
	v1 =	vmul.f32 v3, v3;
	_ =	sdelay $0x1  }
0x45: {  	v0 =	vadd.f32 v1, v0;
	_ =	sdelay $0x1  }
0x46: {  	[tilespmem:s17+$0xC6A0] =	vst v0  }
0x47: {  	v0 =	vld.idx.msk [tilespmem:v2+s11+$0x0], $0xffff  }
0x48: {  	v1 =	vld.idx.msk [tilespmem:v4+s2+$0x0], $0xffff  }
0x49: {  	v3 =	vld.idx.msk [tilespmem:v2+s2+$0x0], $0xffff  }
0x4a: {  	v5 =	vld.idx.msk [tilespmem:v4+s11+$0x0], $0xffff  }
0x4b: {  	v2 =	vld.idx.msk [tilespmem:v2+s12+$0x0], $0xffff  }
0x4c: {  	v4 =	vld.idx.msk [tilespmem:v4+s12+$0x0], $0xffff;
	_ =	sdelay $0x2  }
0x4d: {  	v1 =	vsub.f32 v1, v3;
	v0 =	vsub.f32 v5, v0  }
0x4e: {  	v3 =	vld [tilespmem:s17+$0x9EC0]  }
0x4f: {  	v2 =	vsub.f32 v4, v2;
	v4 =	vld [tilespmem:s17+$0x76C0];
	v1 =	vmul.f32 v1, v1;
	v0 =	vmul.f32 v0, v0;
	_ =	sdelay $0x1  }
0x50: {  	v2 =	vmul.f32 v2, v2;
	v0 =	vadd.f32 v0, v1;
	_ =	sdelay $0x1  }
0x51: {  	v0 =	vadd.f32 v2, v0;
	_ =	sdelay $0x1  }
0x52: {  	[tilespmem:s17+$0xC6B0] =	vst v0  }
0x53: {  	v0 =	vld.idx.msk [tilespmem:v3+s2+$0x0], $0xffff  }
0x54: {  	v1 =	vld.idx.msk [tilespmem:v4+s2+$0x0], $0xffff  }
0x55: {  	v2 =	vld.idx.msk [tilespmem:v3+s11+$0x0], $0xffff  }
0x56: {  	v5 =	vld.idx.msk [tilespmem:v4+s11+$0x0], $0xffff  }
0x57: {  	v4 =	vld.idx.msk [tilespmem:v4+s12+$0x0], $0xffff  }
0x58: {  	v3 =	vld.idx.msk [tilespmem:v3+s12+$0x0], $0xffff;
	_ =	sdelay $0x2  }
0x59: {  	v0 =	vsub.f32 v1, v0;
	v1 =	vsub.f32 v5, v2  }
0x5a: {  	v2 =	vld [tilespmem:s17+$0x9ED0]  }
0x5b: {  	v3 =	vsub.f32 v4, v3;
	v0 =	vmul.f32 v0, v0;
	v1 =	vmul.f32 v1, v1  }
0x5c: {  	v4 =	vld [tilespmem:s17+$0x76D0]  }
0x5d: {  	v3 =	vmul.f32 v3, v3;
	v0 =	vadd.f32 v1, v0;
	_ =	sdelay $0x1  }
0x5e: {  	v0 =	vadd.f32 v3, v0;
	_ =	sdelay $0x1  }
0x5f: {  	[tilespmem:s17+$0xC6C0] =	vst v0  }
0x60: {  	v0 =	vld.idx.msk [tilespmem:v2+s2+$0x0], $0xffff  }
0x61: {  	v1 =	vld.idx.msk [tilespmem:v2+s11+$0x0], $0xffff  }
0x62: {  	v3 =	vld.idx.msk [tilespmem:v4+s11+$0x0], $0xffff  }
0x63: {  	v5 =	vld.idx.msk [tilespmem:v4+s2+$0x0], $0xffff  }
0x64: {  	v4 =	vld.idx.msk [tilespmem:v4+s12+$0x0], $0xffff  }
0x65: {  	v2 =	vld.idx.msk [tilespmem:v2+s12+$0x0], $0xffff;
	_ =	sdelay $0x2  }
0x66: {  	v1 =	vsub.f32 v3, v1;
	v0 =	vsub.f32 v5, v0  }
0x67: {  	v5 =	vld [tilespmem:s17+$0x76E0]  }
0x68: {  	v6 =	vld [tilespmem:s17+$0x9EE0];
	v2 =	vsub.f32 v4, v2;
	v1 =	vmul.f32 v1, v1;
	v0 =	vmul.f32 v0, v0;
	_ =	sdelay $0x1  }
0x69: {  	v0 =	vadd.f32 v1, v0;
	v1 =	vmul.f32 v2, v2;
	_ =	sdelay $0x1  }
0x6a: {  	v0 =	vadd.f32 v1, v0;
	_ =	sdelay $0x1  }
0x6b: {  	[tilespmem:s17+$0xC6D0] =	vst v0  }
0x6c: {  	v0 =	vld.idx.msk [tilespmem:v5+s11+$0x0], $0xffff  }
0x6d: {  	v1 =	vld.idx.msk [tilespmem:v6+s2+$0x0], $0xffff  }
0x6e: {  	v3 =	vld.idx.msk [tilespmem:v5+s2+$0x0], $0xffff  }
0x6f: {  	v4 =	vld.idx.msk [tilespmem:v6+s11+$0x0], $0xffff  }
0x70: {  	v2 =	vld.idx.msk [tilespmem:v5+s12+$0x0], $0xffff  }
0x71: {  	s18 =	simm.s32 $0x200;
	v5 =	vld.idx.msk [tilespmem:v6+s12+$0x0], $0xffff  }
.LBB2_2:
0x72: {  	p0 =	sne.s32 s18, $0x9E00;
	s19 =	smov.u32 s18;
	s18 =	sadd.s32 $0x200, s18  }
0x73: {  	_ = 	snop  }
0x74: {  	v1 =	vsub.f32 v3, v1  }
0x75: {  	v0 =	vsub.f32 v0, v4  }
0x76: {  	v3 =	vld [tilespmem:s17+$0x76F0]  }
0x77: {  	v1 =	vmul.f32 v1, v1;
	v2 =	vsub.f32 v2, v5;
	v0 =	vmul.f32 v0, v0;
	v4 =	vld [tilespmem:s17+$0x9EF0];
	_ =	sdelay $0x1  }
0x78: {  	v0 =	vadd.f32 v0, v1;
	v1 =	vmul.f32 v2, v2;
	_ =	sdelay $0x1  }
0x79: {  	v0 =	vadd.f32 v1, v0;
	_ =	sdelay $0x1  }
0x7a: {  	[tilespmem:s17+$0xC6E0] =	vst v0  }
0x7b: {  	v0 =	vld.idx.msk [tilespmem:v3+s12+$0x0], $0xffff  }
0x7c: {  	v1 =	vld.idx.msk [tilespmem:v4+s2+$0x0], $0xffff  }
0x7d: {  	v2 =	vld.idx.msk [tilespmem:v4+s12+$0x0], $0xffff  }
0x7e: {  	v4 =	vld.idx.msk [tilespmem:v4+s11+$0x0], $0xffff  }
0x7f: {  	v5 =	vld.idx.msk [tilespmem:v3+s2+$0x0], $0xffff  }
0x80: {  	v3 =	vld.idx.msk [tilespmem:v3+s11+$0x0], $0xffff;
	_ =	sdelay $0x4  }
0x81: {  	s19 =	sshra.s32 s19, $0x2;
	v0 =	vsub.f32 v0, v2;
	v1 =	vsub.f32 v5, v1  }
0x82: {  	v3 =	vsub.f32 v3, v4;
	v2 =	vld [tilespmem:s19+$0x7680]  }
0x83: {  	v0 =	vmul.f32 v0, v0;
	v1 =	vmul.f32 v1, v1;
	v4 =	vld [tilespmem:s19+$0x9E80]  }
0x84: {  	v3 =	vmul.f32 v3, v3;
	_ =	sdelay $0x1  }
0x85: {  	v1 =	vadd.f32 v3, v1;
	_ =	sdelay $0x1  }
0x86: {  	v0 =	vadd.f32 v0, v1;
	_ =	sdelay $0x1  }
0x87: {  	[tilespmem:s17+$0xC6F0] =	vst v0;
	s17 =	smov.u32 s19  }
0x88: {  	v0 =	vld.idx.msk [tilespmem:v2+s11+$0x0], $0xffff  }
0x89: {  	v1 =	vld.idx.msk [tilespmem:v2+s2+$0x0], $0xffff  }
0x8a: {  	v3 =	vld.idx.msk [tilespmem:v4+s2+$0x0], $0xffff  }
0x8b: {  	v5 =	vld.idx.msk [tilespmem:v4+s11+$0x0], $0xffff  }
0x8c: {  	v2 =	vld.idx.msk [tilespmem:v2+s12+$0x0], $0xffff  }
0x8d: {  	v4 =	vld.idx.msk [tilespmem:v4+s12+$0x0], $0xffff;
	_ =	sdelay $0x2  }
0x8e: {  	v1 =	vsub.f32 v1, v3  }
0x8f: {  	v0 =	vsub.f32 v0, v5  }
0x90: {  	v1 =	vmul.f32 v1, v1;
	v3 =	vld [tilespmem:s17+$0x7690]  }
0x91: {  	v2 =	vsub.f32 v2, v4;
	v0 =	vmul.f32 v0, v0;
	v4 =	vld [tilespmem:s17+$0x9E90];
	_ =	sdelay $0x1  }
0x92: {  	v0 =	vadd.f32 v0, v1;
	v1 =	vmul.f32 v2, v2;
	_ =	sdelay $0x1  }
0x93: {  	v0 =	vadd.f32 v1, v0;
	_ =	sdelay $0x1  }
0x94: {  	[tilespmem:s17+$0xC680] =	vst v0  }
0x95: {  	v0 =	vld.idx.msk [tilespmem:v3+s11+$0x0], $0xffff  }
0x96: {  	v1 =	vld.idx.msk [tilespmem:v4+s2+$0x0], $0xffff  }
0x97: {  	v2 =	vld.idx.msk [tilespmem:v3+s2+$0x0], $0xffff  }
0x98: {  	v5 =	vld.idx.msk [tilespmem:v4+s11+$0x0], $0xffff  }
0x99: {  	v4 =	vld.idx.msk [tilespmem:v4+s12+$0x0], $0xffff  }
0x9a: {  	v3 =	vld.idx.msk [tilespmem:v3+s12+$0x0], $0xffff;
	_ =	sdelay $0x2  }
0x9b: {  	v1 =	vsub.f32 v2, v1  }
0x9c: {  	v0 =	vsub.f32 v0, v5  }
0x9d: {  	v2 =	vld [tilespmem:s17+$0x76A0]  }
0x9e: {  	v1 =	vmul.f32 v1, v1;
	v3 =	vsub.f32 v3, v4;
	v0 =	vmul.f32 v0, v0;
	v4 =	vld [tilespmem:s17+$0x9EA0];
	_ =	sdelay $0x1  }
0x9f: {  	v0 =	vadd.f32 v0, v1;
	v1 =	vmul.f32 v3, v3;
	_ =	sdelay $0x1  }
0xa0: {  	v0 =	vadd.f32 v1, v0;
	_ =	sdelay $0x1  }
0xa1: {  	[tilespmem:s17+$0xC690] =	vst v0  }
0xa2: {  	v0 =	vld.idx.msk [tilespmem:v2+s11+$0x0], $0xffff  }
0xa3: {  	v1 =	vld.idx.msk [tilespmem:v4+s2+$0x0], $0xffff  }
0xa4: {  	v3 =	vld.idx.msk [tilespmem:v2+s2+$0x0], $0xffff  }
0xa5: {  	v5 =	vld.idx.msk [tilespmem:v4+s11+$0x0], $0xffff  }
0xa6: {  	v2 =	vld.idx.msk [tilespmem:v2+s12+$0x0], $0xffff  }
0xa7: {  	v4 =	vld.idx.msk [tilespmem:v4+s12+$0x0], $0xffff;
	_ =	sdelay $0x2  }
0xa8: {  	v1 =	vsub.f32 v3, v1  }
0xa9: {  	v0 =	vsub.f32 v0, v5  }
0xaa: {  	v3 =	vld [tilespmem:s17+$0x9EB0]  }
0xab: {  	v1 =	vmul.f32 v1, v1;
	v2 =	vsub.f32 v2, v4;
	v0 =	vmul.f32 v0, v0;
	v4 =	vld [tilespmem:s17+$0x76B0];
	_ =	sdelay $0x1  }
0xac: {  	v0 =	vadd.f32 v0, v1;
	v1 =	vmul.f32 v2, v2;
	_ =	sdelay $0x1  }
0xad: {  	v0 =	vadd.f32 v1, v0;
	_ =	sdelay $0x1  }
0xae: {  	[tilespmem:s17+$0xC6A0] =	vst v0  }
0xaf: {  	v0 =	vld.idx.msk [tilespmem:v3+s12+$0x0], $0xffff  }
0xb0: {  	v1 =	vld.idx.msk [tilespmem:v4+s12+$0x0], $0xffff  }
0xb1: {  	v2 =	vld.idx.msk [tilespmem:v3+s11+$0x0], $0xffff  }
0xb2: {  	v5 =	vld.idx.msk [tilespmem:v4+s2+$0x0], $0xffff  }
0xb3: {  	v3 =	vld.idx.msk [tilespmem:v3+s2+$0x0], $0xffff  }
0xb4: {  	v4 =	vld.idx.msk [tilespmem:v4+s11+$0x0], $0xffff;
	_ =	sdelay $0x4  }
0xb5: {  	v0 =	vsub.f32 v1, v0;
	v3 =	vsub.f32 v5, v3  }
0xb6: {  	v1 =	vsub.f32 v4, v2  }
0xb7: {  	v2 =	vmul.f32 v3, v3;
	v3 =	vld [tilespmem:s17+$0x76C0]  }
0xb8: {  	v0 =	vmul.f32 v0, v0;
	v1 =	vmul.f32 v1, v1;
	v4 =	vld [tilespmem:s17+$0x9EC0];
	_ =	sdelay $0x1  }
0xb9: {  	v1 =	vadd.f32 v1, v2;
	_ =	sdelay $0x1  }
0xba: {  	v0 =	vadd.f32 v0, v1;
	_ =	sdelay $0x1  }
0xbb: {  	[tilespmem:s17+$0xC6B0] =	vst v0  }
0xbc: {  	v0 =	vld.idx.msk [tilespmem:v3+s12+$0x0], $0xffff  }
0xbd: {  	v1 =	vld.idx.msk [tilespmem:v4+s12+$0x0], $0xffff  }
0xbe: {  	v2 =	vld.idx.msk [tilespmem:v4+s2+$0x0], $0xffff  }
0xbf: {  	v5 =	vld.idx.msk [tilespmem:v3+s2+$0x0], $0xffff  }
0xc0: {  	v4 =	vld.idx.msk [tilespmem:v4+s11+$0x0], $0xffff  }
0xc1: {  	v3 =	vld.idx.msk [tilespmem:v3+s11+$0x0], $0xffff;
	_ =	sdelay $0x3  }
0xc2: {  	v2 =	vsub.f32 v5, v2  }
0xc3: {  	v0 =	vsub.f32 v0, v1  }
0xc4: {  	v1 =	vsub.f32 v3, v4  }
0xc5: {  	v2 =	vmul.f32 v2, v2;
	v3 =	vld [tilespmem:s17+$0x9ED0]  }
0xc6: {  	v0 =	vmul.f32 v0, v0;
	v1 =	vmul.f32 v1, v1  }
0xc7: {  	v4 =	vld [tilespmem:s17+$0x76D0]  }
0xc8: {  	v1 =	vadd.f32 v1, v2;
	_ =	sdelay $0x1  }
0xc9: {  	v0 =	vadd.f32 v0, v1;
	_ =	sdelay $0x1  }
0xca: {  	[tilespmem:s17+$0xC6C0] =	vst v0  }
0xcb: {  	v0 =	vld.idx.msk [tilespmem:v3+s2+$0x0], $0xffff  }
0xcc: {  	v1 =	vld.idx.msk [tilespmem:v3+s11+$0x0], $0xffff  }
0xcd: {  	v2 =	vld.idx.msk [tilespmem:v4+s11+$0x0], $0xffff  }
0xce: {  	v5 =	vld.idx.msk [tilespmem:v4+s2+$0x0], $0xffff  }
0xcf: {  	v4 =	vld.idx.msk [tilespmem:v4+s12+$0x0], $0xffff  }
0xd0: {  	v3 =	vld.idx.msk [tilespmem:v3+s12+$0x0], $0xffff;
	_ =	sdelay $0x2  }
0xd1: {  	v1 =	vsub.f32 v2, v1  }
0xd2: {  	v0 =	vsub.f32 v5, v0  }
0xd3: {  	v1 =	vmul.f32 v1, v1;
	v2 =	vld [tilespmem:s17+$0x76E0]  }
0xd4: {  	v3 =	vsub.f32 v4, v3;
	v0 =	vmul.f32 v0, v0;
	v5 =	vld [tilespmem:s17+$0x9EE0];
	_ =	sdelay $0x1  }
0xd5: {  	v0 =	vadd.f32 v1, v0;
	v1 =	vmul.f32 v3, v3;
	_ =	sdelay $0x1  }
0xd6: {  	v0 =	vadd.f32 v1, v0;
	_ =	sdelay $0x1  }
0xd7: {  	[tilespmem:s17+$0xC6D0] =	vst v0  }
0xd8: {  	v0 =	vld.idx.msk [tilespmem:v2+s11+$0x0], $0xffff  }
.Ltmp0:
0xd9: {  	v1 =	vld.idx.msk [tilespmem:v5+s2+$0x0], $0xffff;
	(pc) =	sbr.rel @p0 .LBB2_2-.Ltmp0, $4  }
0xda: {  	v3 =	vld.idx.msk [tilespmem:v2+s2+$0x0], $0xffff  }
0xdb: {  	v4 =	vld.idx.msk [tilespmem:v5+s11+$0x0], $0xffff  }
0xdc: {  	v2 =	vld.idx.msk [tilespmem:v2+s12+$0x0], $0xffff  }
0xdd: {  	v5 =	vld.idx.msk [tilespmem:v5+s12+$0x0], $0xffff  }
0xde: {  	_ =	sdelay $0x1  }
0xdf: {  	v1 =	vsub.f32 v3, v1;
	v0 =	vsub.f32 v0, v4  }
0xe0: {  	v57 =	vld [tilespmem:s17+$0x9EF0]  }
0xe1: {  	v1 =	vmul.f32 v1, v1;
	v2 =	vsub.f32 v2, v5;
	v0 =	vmul.f32 v0, v0  }
0xe2: {  	v58 =	vld [tilespmem:s17+$0x76F0]  }
0xe3: {  	v0 =	vadd.f32 v0, v1;
	v59 =	vmul.f32 v2, v2;
	_ =	sdelay $0x1  }
0xe4: {  	v0 =	vadd.f32 v59, v0;
	_ =	sdelay $0x1  }
0xe5: {  	[tilespmem:s17+$0xC6E0] =	vst v0  }
0xe6: {  	v0 =	vld.idx.msk [tilespmem:v57+s2+$0x0], $0xffff  }
0xe7: {  	v60 =	vld.idx.msk [tilespmem:v57+s11+$0x0], $0xffff  }
0xe8: {  	v61 =	vld.idx.msk [tilespmem:v58+s2+$0x0], $0xffff  }
0xe9: {  	v62 =	vld.idx.msk [tilespmem:v58+s11+$0x0], $0xffff  }
0xea: {  	v4 =	vld.idx.msk [tilespmem:v58+s12+$0x0], $0xffff  }
0xeb: {  	v3 =	vld.idx.msk [tilespmem:v57+s12+$0x0], $0xffff;
	_ =	sdelay $0x2  }
0xec: {  	v0 =	vsub.f32 v61, v0;
	v1 =	vsub.f32 v62, v60;
	_ =	sdelay $0x1  }
0xed: {  	v63 =	vsub.f32 v4, v3;
	v0 =	vmul.f32 v0, v0;
	v1 =	vmul.f32 v1, v1;
	_ =	sdelay $0x1  }
0xee: {  	v2 =	vmul.f32 v63, v63;
	v0 =	vadd.f32 v1, v0;
	_ =	sdelay $0x1  }
0xef: {  	s16 =	sadd.s32 $0x1, s16;
	v0 =	vadd.f32 v2, v0  }
0xf0: {  	p0 =	sne.s32 s16, s9  }
.Ltmp1:
0xf1: {  	[tilespmem:s17+$0xC6F0] =	vst v0;
	(pc) =	sbr.rel @p0 .LBB2_1-.Ltmp1, $4  }
0xf2: {  	[hbm4b:s8+s2] =	stream.linear.scatter [tilespmem:s15], [sflag:$0x1], $0x2800, $0x38;
	[tilespmem:$0xEE80] =	vst v63  }
0xf3: {  	_ =	swait.ge [sflag:s10], $0x2800  }
0xf4: {  	[sflag:s10] =	ssyncset.done $0x0  }
0xf5: {  	[sflag:s10] =	ssyncadd.s32 $0xFFFFD800  }
0xf6: {  	_ =	sfence.sel $0x180000  }
0xf7: {  	[bflag:$0x0] =	sbarrier.arrive $0xFFFF  }
0xf8: {  	p0 =	sne.s32 s1, $0x0;
	_ =	strace $0x90000047  }
0xf9: {  	s0 =	sadd.s32 @!p0 $0x100000, s0;
	[bflag:$0x2] =	sbarrier.arrive $0xFFFF  }
0xfa: {  	[sflag:s0] =	ssyncadd.tile.s32 @!p0 $0x1;
	_ =	shalt  }
.Lfunc_end2:
_tile_overlayer_lowered:
.L_overlay_start_2:
0xfb: {  	(tag) =	ssettag $0x2  }
0xfc: {  	s0 =	rddreg [dreg:$0x0];
	s2 =	stileid.u32  }
0xfd: {  	s1 =	rddreg [dreg:$0x1];
	p0 =	sne.s32 s2, $0x0  }
0xfe: {  	s3 =	rddreg [dreg:$0x2];
	[bflag:$0x3] =	sbarrier.arrive $0xFFFF;
	s2 =	simm.s32 @!p0 $0x1C01  }
0xff: {  	[timem:s3], [sflag:s2] =	dma.local @!p0 [hbm:s0], s1  }
0x100: {  	s0 =	simm.s32 @!p0 $0x1  }
0x101: {  	_ =	swait.ge @!p0 [sflag:s0], s1  }
0x102: {  	s1 =	ssub.s32 @!p0 $0x0, s1;
	[sflag:s0] =	ssyncset.done @!p0 $0x0  }
0x103: {  	[sflag:s0] =	ssyncadd.s32 @!p0 s1  }
0x104: {  	[bflag:$0x3] =	sbarrier.arrive $0xFFFF  }
0x105: {  	_ =	shalt  }

</sc_bundles>
